<compile_context>
chip_gen: v7x
topology: tpu7x:2x2x1
jax: 0.10.2.dev20260603
libtpu: 0.0.44.dev20260713+nightly
codegen_flags: <defaults>
</compile_context>

<pallas_src>
import functools

import jax
import jax.numpy as jnp
from jax import lax
from jax.experimental import pallas as pl
from jax.experimental.pallas import tpu as pltpu
from jax.experimental.pallas import tpu_sc as plsc

N = 10000
D = 64
E = 320000
T = 8
NC = 2
NS = 16
CHUNK = 128
EPW = E // (NC * NS)
GCHUNK = 128
NCHUNK = -(-EPW // GCHUNK)
SPLIT = GCHUNK // CHUNK
EPW_PAD = NCHUNK * GCHUNK
PADE = NC * NS * EPW_PAD - E
NPAD = 10112
ZROWS = NPAD // NS

_f32 = jnp.float32


@functools.cache
def _make_segsum_sc():
    mesh = plsc.VectorSubcoreMesh(core_axis_name="c", subcore_axis_name="s",
                                  num_cores=NC, num_subcores=NS)

    @functools.partial(
        pl.kernel,
        out_type=jax.ShapeDtypeStruct((NC, NPAD, D), _f32),
        mesh=mesh,
        scratch_types=[
            pltpu.VMEM((NCHUNK, GCHUNK), jnp.int32),
            pltpu.VMEM((NCHUNK * SPLIT, CHUNK), jnp.int32),
            pltpu.VMEM((GCHUNK, D), _f32),
            pltpu.VMEM_SHARED((NPAD, D), _f32),
            pltpu.VMEM_SHARED((N, D), _f32),
            pltpu.SemaphoreType.DMA,
        ],
        compiler_params=pltpu.CompilerParams(use_tc_tiling_on_sc=False),
    )
    def segsum_sc(h_hbm, src_hbm, dst_hbm, zeros_hbm, out_hbm,
                  src_v, dst_v, rows_v, agg_sh, h_sh, sem):
        c = lax.axis_index("c")
        s = lax.axis_index("s")
        pltpu.sync_copy(src_hbm.at[c, s], src_v)
        pltpu.sync_copy(dst_hbm.at[c, s], dst_v)
        pltpu.sync_copy(zeros_hbm.at[pl.ds(s * ZROWS, ZROWS)],
                        agg_sh.at[pl.ds(s * ZROWS, ZROWS)])

        @pl.when(s == 0)
        def _():
            pltpu.sync_copy(h_hbm, h_sh)
        plsc.subcore_barrier()

        def body(j, carry):
            pltpu.async_copy(h_sh.at[src_v.at[j]], rows_v, sem).wait()
            for k in range(SPLIT):
                pltpu.async_copy(rows_v.at[pl.ds(k * CHUNK, CHUNK)],
                                 agg_sh.at[dst_v.at[j * SPLIT + k]], sem,
                                 add=True).wait()
            return carry

        lax.fori_loop(0, NCHUNK, body, 0)
        plsc.subcore_barrier()
        pltpu.sync_copy(agg_sh.at[pl.ds(s * ZROWS, ZROWS)],
                        out_hbm.at[c, pl.ds(s * ZROWS, ZROWS)])

    return segsum_sc


BN = 2000


def _lstm(gates, c_prev):
    i = gates[:, 0 * D:1 * D]
    f = gates[:, 1 * D:2 * D]
    g = gates[:, 2 * D:3 * D]
    o = gates[:, 3 * D:4 * D]
    c_new = jax.nn.sigmoid(f) * c_prev + jax.nn.sigmoid(i) * jnp.tanh(g)
    h_new = jax.nn.sigmoid(o) * jnp.tanh(c_new)
    return h_new, c_new


def _dot(a, b):
    return jnp.dot(a, b, preferred_element_type=_f32)


def _step0_body(x_ref, wx_ref, wg_ref, bias_ref, bgnn_ref, h2_ref, c2_ref):
    gnn = jnp.broadcast_to(bgnn_ref[...], (BN, D))
    gates = _dot(x_ref[...], wx_ref[...]) + _dot(gnn, wg_ref[...]) + bias_ref[...]
    h2, c2 = _lstm(gates, jnp.zeros((BN, D), _f32))
    h2_ref[...] = h2
    c2_ref[...] = c2


def _gnn_gates(x_ref, h_ref, a0_ref, a1_ref, wrel_ref, wroot_ref,
               wx_ref, wg_ref, whh_ref, bias_ref, bgnn_ref):
    h = h_ref[...]
    agg = a0_ref[...] + a1_ref[...]
    gnn = _dot(agg, wrel_ref[...]) + _dot(h, wroot_ref[...]) + bgnn_ref[...]
    gates = (_dot(x_ref[...], wx_ref[...]) + _dot(gnn, wg_ref[...])
             + _dot(h, whh_ref[...]) + bias_ref[...])
    return gnn, gates


def _step_body(x_ref, h_ref, c_ref, a0_ref, a1_ref, wrel_ref, wroot_ref,
               wx_ref, wg_ref, whh_ref, bias_ref, bgnn_ref, h2_ref, c2_ref):
    _, gates = _gnn_gates(x_ref, h_ref, a0_ref, a1_ref, wrel_ref, wroot_ref,
                          wx_ref, wg_ref, whh_ref, bias_ref, bgnn_ref)
    h2, c2 = _lstm(gates, c_ref[...])
    h2_ref[...] = h2
    c2_ref[...] = c2


def _last_body(x_ref, h_ref, c_ref, a0_ref, a1_ref, wrel_ref, wroot_ref,
               wx_ref, wg_ref, whh_ref, bias_ref, bgnn_ref,
               gamma_ref, beta_ref, w1_ref, b1_ref, w2_ref, b2_ref,
               wout_ref, bout_ref, out_ref):
    gnn, gates = _gnn_gates(x_ref, h_ref, a0_ref, a1_ref, wrel_ref, wroot_ref,
                            wx_ref, wg_ref, whh_ref, bias_ref, bgnn_ref)
    h2, _ = _lstm(gates, c_ref[...])
    fused = jnp.concatenate([h2, gnn], axis=1)
    mu = jnp.mean(fused, axis=1, keepdims=True)
    zc = fused - mu
    var = jnp.mean(zc * zc, axis=1, keepdims=True)
    normed = zc * lax.rsqrt(var + 1e-5) * gamma_ref[...] + beta_ref[...]
    x1 = jax.nn.relu(_dot(normed, w1_ref[...]) + b1_ref[...])
    hid = jax.nn.relu(_dot(x1, w2_ref[...]) + b2_ref[...])
    out_ref[...] = jax.nn.sigmoid(_dot(hid, wout_ref[...]) + bout_ref[...])


def _row_spec(cols):
    return pl.BlockSpec((BN, cols), lambda i: (i, 0))


def _full_spec(r, c):
    return pl.BlockSpec((r, c), lambda i: (0, 0))


_GRID = N // BN

_step0 = pl.pallas_call(
    _step0_body,
    grid=(_GRID,),
    in_specs=[_row_spec(16), _full_spec(16, 4 * D), _full_spec(D, 4 * D),
              _full_spec(1, 4 * D), _full_spec(1, D)],
    out_specs=[_row_spec(D), _row_spec(D)],
    out_shape=[jax.ShapeDtypeStruct((N, D), _f32)] * 2,
)

_W_SPECS = [_full_spec(D, D), _full_spec(D, D), _full_spec(16, 4 * D),
            _full_spec(D, 4 * D), _full_spec(D, 4 * D),
            _full_spec(1, 4 * D), _full_spec(1, D)]

_step = pl.pallas_call(
    _step_body,
    grid=(_GRID,),
    in_specs=[_row_spec(16), _row_spec(D), _row_spec(D), _row_spec(D),
              _row_spec(D)] + _W_SPECS,
    out_specs=[_row_spec(D), _row_spec(D)],
    out_shape=[jax.ShapeDtypeStruct((N, D), _f32)] * 2,
)

_last = pl.pallas_call(
    _last_body,
    grid=(_GRID,),
    in_specs=[_row_spec(16), _row_spec(D), _row_spec(D), _row_spec(D),
              _row_spec(D)] + _W_SPECS
             + [_full_spec(1, 2 * D), _full_spec(1, 2 * D),
                _full_spec(2 * D, D), _full_spec(1, D),
                _full_spec(D, 2 * D), _full_spec(1, 2 * D),
                _full_spec(2 * D, 1), _full_spec(1, 1)],
    out_specs=_row_spec(1),
    out_shape=jax.ShapeDtypeStruct((N, 1), _f32),
)


def kernel(x, edge_index, W_static, b_static, W_ih, b_ih, W_hh, b_hh,
           W_rel, W_root, b_gnn, ln_gamma, ln_beta,
           W_lin1, b_lin1, W_lin2, b_lin2, W_out, b_out):
    xt = jnp.transpose(x[:, 16:, :], (2, 0, 1))
    src = jnp.concatenate([edge_index[0], jnp.zeros((PADE,), jnp.int32)])
    pad_dst = N + jnp.arange(PADE, dtype=jnp.int32) % (NPAD - N)
    dst = jnp.concatenate([edge_index[1], pad_dst])
    src = src.reshape(NC, NS, NCHUNK, GCHUNK)
    dst = dst.reshape(NC, NS, NCHUNK * SPLIT, CHUNK)
    zeros_pad = jnp.zeros((NPAD, D), _f32)

    wx = W_ih[:, :16].T
    wg = W_ih[:, 16:].T
    whh = W_hh.T
    bias = (b_ih + b_hh).reshape(1, 4 * D)
    bgnn = b_gnn.reshape(1, D)
    wspecs = (W_rel, W_root, wx, wg, whh, bias, bgnn)

    segsum = _make_segsum_sc()
    h, c = _step0(xt[0], wx, wg, bias, bgnn)
    for t in range(1, T):
        parts = segsum(h, src, dst, zeros_pad)
        if t < T - 1:
            h, c = _step(xt[t], h, c, parts[0], parts[1], *wspecs)
        else:
            out = _last(xt[t], h, c, parts[0], parts[1], *wspecs,
                        ln_gamma.reshape(1, 2 * D), ln_beta.reshape(1, 2 * D),
                        W_lin1, b_lin1.reshape(1, D),
                        W_lin2, b_lin2.reshape(1, 2 * D),
                        W_out, b_out.reshape(1, 1))
    return out

# --- scband reference (transcript-rebuilt; emitter-appended) ---
"""Pipeline reference for scband-lstm-gnn-feedback-60301340836191 (READ-ONLY COPY).

The authoritative reference and input builder live on the scoring server;
editing this copy changes nothing except your own understanding.
"""

import jax, jax.numpy as jnp
import numpy as np

N = 10000
E = 320000
X = 32
T = 8
LH = 64
GH = 64
EC = 64
OC = 1


def setup_inputs(seed: int = 0) -> dict:
    key = jax.random.key(seed)
    ks = jax.random.split(key, 24)

    def p(k, shape):
        return jax.random.normal(k, shape, jnp.float32) * 0.05

    inp = {
        "x": jax.random.normal(ks[0], (N, X, T), jnp.float32),
        "edge_index": jax.random.randint(ks[1], (2, E), 0, N, dtype=jnp.int32),
        "W_static": p(ks[2], (16, GH)),
        "b_static": p(ks[3], (GH,)),
        "W_ih": p(ks[4], (4 * LH, 16 + GH)),
        "b_ih": p(ks[5], (4 * LH,)),
        "W_hh": p(ks[6], (4 * LH, LH)),
        "b_hh": p(ks[7], (4 * LH,)),
        "W_rel": p(ks[8], (LH, GH)),
        "W_root": p(ks[9], (LH, GH)),
        "b_gnn": p(ks[10], (GH,)),
        "ln_gamma": jnp.ones((GH + LH,), jnp.float32),
        "ln_beta": jnp.zeros((GH + LH,), jnp.float32),
        "W_lin1": p(ks[11], (GH + LH, EC)),
        "b_lin1": p(ks[12], (EC,)),
        "W_lin2": p(ks[13], (EC, GH + LH)),
        "b_lin2": p(ks[14], (GH + LH,)),
        "W_out": p(ks[15], (GH + LH, OC)),
        "b_out": p(ks[16], (OC,)),
    }
    return inp


def reference(x, edge_index, W_static, b_static, W_ih, b_ih, W_hh, b_hh,
              W_rel, W_root, b_gnn, ln_gamma, ln_beta,
              W_lin1, b_lin1, W_lin2, b_lin2, W_out, b_out):
    B = x.shape[0]
    src = edge_index[0]
    dst = edge_index[1]
    # split static / temporal variables per static_idx / temporal_idx
    x_static = x[:, :16, 0]              # [B, 16]
    x_temporal = x[:, 16:, :]            # [B, 16, T]
    # static encoder (computed as in original forward; result unused downstream)
    static_embed = x_static @ W_static + b_static
    h = jnp.zeros((B, LH), jnp.float32)
    c = jnp.zeros((B, LH), jnp.float32)
    gnn_out = jnp.zeros((B, GH), jnp.float32)
    for t in range(T):
        x_t = x_temporal[:, :, t]
        # GraphConv: sum-aggregate neighbor messages + root transform
        agg = jax.ops.segment_sum(h[src], dst, num_segments=B)
        gnn_out = agg @ W_rel + h @ W_root + b_gnn
        lstm_in = jnp.concatenate([x_t, gnn_out], axis=1)   # [B, 80]
        gates = lstm_in @ W_ih.T + b_ih + h @ W_hh.T + b_hh
        i_g, f_g, g_g, o_g = jnp.split(gates, 4, axis=1)
        c = jax.nn.sigmoid(f_g) * c + jax.nn.sigmoid(i_g) * jnp.tanh(g_g)
        h = jax.nn.sigmoid(o_g) * jnp.tanh(c)
    fused = jnp.concatenate([h, gnn_out], axis=1)           # [B, 128]
    # dropout is identity at inference; layernorm over last dim
    mu = jnp.mean(fused, axis=-1, keepdims=True)
    var = jnp.var(fused, axis=-1, keepdims=True)
    normed = (fused - mu) / jnp.sqrt(var + 1e-5) * ln_gamma + ln_beta
    x1 = jax.nn.relu(normed @ W_lin1 + b_lin1)
    hidden = jax.nn.relu(x1 @ W_lin2 + b_lin2)
    out = jax.nn.sigmoid(hidden @ W_out + b_out)            # binary task -> sigmoid
    return out

if __name__ == "__main__":
    import jax
    _d = setup_inputs()
    print(jax.jit(kernel)(*tuple(_d.values())))

</pallas_src>

<mosaic_0001>
#map = affine_map<(d0, d1) -> (0, 0)>
#map1 = affine_map<(d0, d1) -> (0, 0, 0, 0)>
#map2 = affine_map<(d0, d1) -> (0, 0, 0)>
module attributes {stable_mosaic.version = 14 : i64} {
  func.func @segsum_sc(%arg0: i32, %arg1: i32, %arg2: memref<10000x64xf32, #tpu.memory_space<hbm>>, %arg3: memref<2x16x79x128xi32, #tpu.memory_space<hbm>>, %arg4: memref<2x16x79x128xi32, #tpu.memory_space<hbm>>, %arg5: memref<10112x64xf32, #tpu.memory_space<hbm>>, %arg6: memref<2x10112x64xf32, #tpu.memory_space<hbm>>, %arg7: memref<79x128xi32, #tpu.memory_space<vmem>>, %arg8: memref<79x128xi32, #tpu.memory_space<vmem>>, %arg9: memref<128x64xf32, #tpu.memory_space<vmem>>, %arg10: memref<10112x64xf32, #tpu.memory_space<vmem_shared>>, %arg11: memref<10000x64xf32, #tpu.memory_space<vmem_shared>>, %arg12: memref<!tpu.dma_semaphore, #tpu.memory_space<semaphore_mem>>) attributes {dimension_semantics = [#tpu.dimension_semantics<core_parallel>, #tpu.dimension_semantics<subcore_parallel>], iteration_bounds = array<i64: 2, 16>, scalar_prefetch = 0 : i64, scratch_operands = 6 : i64, tpu.core_type = #tpu.core_type<sc_vector_subcore>, window_params = [{transform_indices = #map}, {transform_indices = #map1}, {transform_indices = #map1}, {transform_indices = #map}, {transform_indices = #map2}]} {
    "tpu.region"() ({
      %run_scoped3A = tpu.sem_alloc : memref<!tpu.dma_semaphore, #tpu.memory_space<semaphore_mem>>
      %dma_start3A = arith.constant 0 : i32
      %dma_start3A_15 = arith.constant 0 : i32
      %dma_start3A_16 = tpu.memref_slice %arg3[%arg0, %arg1, %dma_start3A, %dma_start3A_15] : memref<2x16x79x128xi32, #tpu.memory_space<hbm>> -> memref<1x1x79x128xi32, #tpu.memory_space<hbm>>
      %dma_start3A_17 = tpu.memref_squeeze %dma_start3A_16 : memref<1x1x79x128xi32, #tpu.memory_space<hbm>> -> memref<79x128xi32, #tpu.memory_space<hbm>>
      %dma_start3A_18 = arith.constant 0 : i32
      %dma_start3A_19 = arith.constant 0 : i32
      %dma_start3A_20 = tpu.memref_slice %arg3[%arg0, %arg1, %dma_start3A_18, %dma_start3A_19] : memref<2x16x79x128xi32, #tpu.memory_space<hbm>> -> memref<1x1x79x128xi32, #tpu.memory_space<hbm>>
      %dma_start3A_21 = tpu.memref_squeeze %dma_start3A_20 : memref<1x1x79x128xi32, #tpu.memory_space<hbm>> -> memref<79x128xi32, #tpu.memory_space<hbm>>
      tpu.enqueue_dma source(%dma_start3A_21 : memref<79x128xi32, #tpu.memory_space<hbm>>) target(%arg7 : memref<79x128xi32, #tpu.memory_space<vmem>>) target_semaphore(%run_scoped3A : memref<!tpu.dma_semaphore, #tpu.memory_space<semaphore_mem>>)
      %dma_wait3A = arith.constant 0 : i32
      %dma_wait3A_22 = arith.constant 0 : i32
      %dma_wait3A_23 = tpu.memref_slice %arg3[%arg0, %arg1, %dma_wait3A, %dma_wait3A_22] : memref<2x16x79x128xi32, #tpu.memory_space<hbm>> -> memref<1x1x79x128xi32, #tpu.memory_space<hbm>>
      %dma_wait3A_24 = tpu.memref_squeeze %dma_wait3A_23 : memref<1x1x79x128xi32, #tpu.memory_space<hbm>> -> memref<79x128xi32, #tpu.memory_space<hbm>>
      %dma_wait3A_25 = arith.constant 0 : i32
      %dma_wait3A_26 = arith.constant 0 : i32
      %dma_wait3A_27 = tpu.memref_slice %arg3[%arg0, %arg1, %dma_wait3A_25, %dma_wait3A_26] : memref<2x16x79x128xi32, #tpu.memory_space<hbm>> -> memref<1x1x79x128xi32, #tpu.memory_space<hbm>>
      %dma_wait3A_28 = tpu.memref_squeeze %dma_wait3A_27 : memref<1x1x79x128xi32, #tpu.memory_space<hbm>> -> memref<79x128xi32, #tpu.memory_space<hbm>>
      tpu.wait_dma2 semaphore(%run_scoped3A : memref<!tpu.dma_semaphore, #tpu.memory_space<semaphore_mem>>) src(%dma_wait3A_28 : memref<79x128xi32, #tpu.memory_space<hbm>>) dst(%arg7 : memref<79x128xi32, #tpu.memory_space<vmem>>)
      tpu.yield
    }) : () -> ()
    "tpu.region"() ({
      %run_scoped3A = tpu.sem_alloc : memref<!tpu.dma_semaphore, #tpu.memory_space<semaphore_mem>>
      %dma_start3A = arith.constant 0 : i32
      %dma_start3A_15 = arith.constant 0 : i32
      %dma_start3A_16 = tpu.memref_slice %arg4[%arg0, %arg1, %dma_start3A, %dma_start3A_15] : memref<2x16x79x128xi32, #tpu.memory_space<hbm>> -> memref<1x1x79x128xi32, #tpu.memory_space<hbm>>
      %dma_start3A_17 = tpu.memref_squeeze %dma_start3A_16 : memref<1x1x79x128xi32, #tpu.memory_space<hbm>> -> memref<79x128xi32, #tpu.memory_space<hbm>>
      %dma_start3A_18 = arith.constant 0 : i32
      %dma_start3A_19 = arith.constant 0 : i32
      %dma_start3A_20 = tpu.memref_slice %arg4[%arg0, %arg1, %dma_start3A_18, %dma_start3A_19] : memref<2x16x79x128xi32, #tpu.memory_space<hbm>> -> memref<1x1x79x128xi32, #tpu.memory_space<hbm>>
      %dma_start3A_21 = tpu.memref_squeeze %dma_start3A_20 : memref<1x1x79x128xi32, #tpu.memory_space<hbm>> -> memref<79x128xi32, #tpu.memory_space<hbm>>
      tpu.enqueue_dma source(%dma_start3A_21 : memref<79x128xi32, #tpu.memory_space<hbm>>) target(%arg8 : memref<79x128xi32, #tpu.memory_space<vmem>>) target_semaphore(%run_scoped3A : memref<!tpu.dma_semaphore, #tpu.memory_space<semaphore_mem>>)
      %dma_wait3A = arith.constant 0 : i32
      %dma_wait3A_22 = arith.constant 0 : i32
      %dma_wait3A_23 = tpu.memref_slice %arg4[%arg0, %arg1, %dma_wait3A, %dma_wait3A_22] : memref<2x16x79x128xi32, #tpu.memory_space<hbm>> -> memref<1x1x79x128xi32, #tpu.memory_space<hbm>>
      %dma_wait3A_24 = tpu.memref_squeeze %dma_wait3A_23 : memref<1x1x79x128xi32, #tpu.memory_space<hbm>> -> memref<79x128xi32, #tpu.memory_space<hbm>>
      %dma_wait3A_25 = arith.constant 0 : i32
      %dma_wait3A_26 = arith.constant 0 : i32
      %dma_wait3A_27 = tpu.memref_slice %arg4[%arg0, %arg1, %dma_wait3A_25, %dma_wait3A_26] : memref<2x16x79x128xi32, #tpu.memory_space<hbm>> -> memref<1x1x79x128xi32, #tpu.memory_space<hbm>>
      %dma_wait3A_28 = tpu.memref_squeeze %dma_wait3A_27 : memref<1x1x79x128xi32, #tpu.memory_space<hbm>> -> memref<79x128xi32, #tpu.memory_space<hbm>>
      tpu.wait_dma2 semaphore(%run_scoped3A : memref<!tpu.dma_semaphore, #tpu.memory_space<semaphore_mem>>) src(%dma_wait3A_28 : memref<79x128xi32, #tpu.memory_space<hbm>>) dst(%arg8 : memref<79x128xi32, #tpu.memory_space<vmem>>)
      tpu.yield
    }) : () -> ()
    %mul3A = arith.constant 632 : i32
    %mul3A_0 = arith.muli %arg1, %mul3A : i32
    %mul3A_1 = arith.constant 632 : i32
    %mul3A_2 = arith.muli %arg1, %mul3A_1 : i32
    "tpu.region"() ({
      %run_scoped3A = tpu.sem_alloc : memref<!tpu.dma_semaphore, #tpu.memory_space<semaphore_mem>>
      %dma_start3A = arith.constant 0 : i32
      %dma_start3A_15 = tpu.memref_slice %arg10[%mul3A_2, %dma_start3A] : memref<10112x64xf32, #tpu.memory_space<vmem_shared>> -> memref<632x64xf32, #tpu.memory_space<vmem_shared>>
      %dma_start3A_16 = arith.constant 0 : i32
      %dma_start3A_17 = tpu.memref_slice %arg5[%mul3A_0, %dma_start3A_16] : memref<10112x64xf32, #tpu.memory_space<hbm>> -> memref<632x64xf32, #tpu.memory_space<hbm>>
      tpu.enqueue_dma source(%dma_start3A_17 : memref<632x64xf32, #tpu.memory_space<hbm>>) target(%dma_start3A_15 : memref<632x64xf32, #tpu.memory_space<vmem_shared>>) target_semaphore(%run_scoped3A : memref<!tpu.dma_semaphore, #tpu.memory_space<semaphore_mem>>)
      %dma_wait3A = arith.constant 0 : i32
      %dma_wait3A_18 = tpu.memref_slice %arg10[%mul3A_2, %dma_wait3A] : memref<10112x64xf32, #tpu.memory_space<vmem_shared>> -> memref<632x64xf32, #tpu.memory_space<vmem_shared>>
      %dma_wait3A_19 = arith.constant 0 : i32
      %dma_wait3A_20 = tpu.memref_slice %arg5[%mul3A_0, %dma_wait3A_19] : memref<10112x64xf32, #tpu.memory_space<hbm>> -> memref<632x64xf32, #tpu.memory_space<hbm>>
      tpu.wait_dma2 semaphore(%run_scoped3A : memref<!tpu.dma_semaphore, #tpu.memory_space<semaphore_mem>>) src(%dma_wait3A_20 : memref<632x64xf32, #tpu.memory_space<hbm>>) dst(%dma_wait3A_18 : memref<632x64xf32, #tpu.memory_space<vmem_shared>>)
      tpu.yield
    }) : () -> ()
    %eq3A = arith.constant 0 : i32
    %eq3A_3 = arith.cmpi eq, %arg1, %eq3A : i32
    %convert_element_type3A = arith.extui %eq3A_3 : i1 to i32
    %cond3A = arith.constant 0 : i32
    %cond3A_4 = arith.cmpi ne, %convert_element_type3A, %cond3A : i32
    scf.if %cond3A_4 {
      "tpu.region"() ({
        %run_scoped3A = tpu.sem_alloc : memref<!tpu.dma_semaphore, #tpu.memory_space<semaphore_mem>>
        tpu.enqueue_dma source(%arg2 : memref<10000x64xf32, #tpu.memory_space<hbm>>) target(%arg11 : memref<10000x64xf32, #tpu.memory_space<vmem_shared>>) target_semaphore(%run_scoped3A : memref<!tpu.dma_semaphore, #tpu.memory_space<semaphore_mem>>)
        tpu.wait_dma2 semaphore(%run_scoped3A : memref<!tpu.dma_semaphore, #tpu.memory_space<semaphore_mem>>) src(%arg2 : memref<10000x64xf32, #tpu.memory_space<hbm>>) dst(%arg11 : memref<10000x64xf32, #tpu.memory_space<vmem_shared>>)
        tpu.yield
      }) : () -> ()
    } else {
    }
    %barrier3A = arith.constant 0 : index
    tpu.barrier barrier_id(%barrier3A)
    %scan3A = arith.constant 0 : i32
    %scan3A_5 = arith.constant 0 : i32
    %scan3A_6 = arith.constant 79 : i32
    %scan3A_7 = arith.addi %scan3A_5, %scan3A_6 : i32
    %scan3A_8 = arith.constant 1 : i32
    scf.for %scan3A_15 = %scan3A_5 to %scan3A_7 step %scan3A_8  : i32 {
      %dma_start3A = arith.constant 0 : i32
      %dma_start3A_16 = tpu.memref_slice %arg7[%scan3A_15, %dma_start3A] : memref<79x128xi32, #tpu.memory_space<vmem>> -> memref<1x128xi32, #tpu.memory_space<vmem>>
      %dma_start3A_17 = tpu.memref_squeeze %dma_start3A_16 : memref<1x128xi32, #tpu.memory_space<vmem>> -> memref<128xi32, #tpu.memory_space<vmem>>
      %dma_start3A_18 = arith.constant 0 : i32
      %dma_start3A_19 = arith.constant 0 : i32
      %dma_start3A_20 = tpu.memref_slice %arg11[%dma_start3A_18, %dma_start3A_19] : memref<10000x64xf32, #tpu.memory_space<vmem_shared>> -> memref<10000x64xf32, #tpu.memory_space<vmem_shared>>
      tpu.enqueue_indirect_dma source(%dma_start3A_20 : memref<10000x64xf32, #tpu.memory_space<vmem_shared>>) target(%arg9 : memref<128x64xf32, #tpu.memory_space<vmem>>) offsets(%dma_start3A_17 : memref<128xi32, #tpu.memory_space<vmem>>) semaphore(%arg12 : memref<!tpu.dma_semaphore, #tpu.memory_space<semaphore_mem>>)
      %dma_wait3A = arith.constant 0 : i32
      %dma_wait3A_21 = tpu.memref_slice %arg7[%scan3A_15, %dma_wait3A] : memref<79x128xi32, #tpu.memory_space<vmem>> -> memref<1x128xi32, #tpu.memory_space<vmem>>
      %dma_wait3A_22 = tpu.memref_squeeze %dma_wait3A_21 : memref<1x128xi32, #tpu.memory_space<vmem>> -> memref<128xi32, #tpu.memory_space<vmem>>
      %dma_wait3A_23 = arith.constant 0 : i32
      %dma_wait3A_24 = arith.constant 0 : i32
      %dma_wait3A_25 = tpu.memref_slice %arg11[%dma_wait3A_23, %dma_wait3A_24] : memref<10000x64xf32, #tpu.memory_space<vmem_shared>> -> memref<10000x64xf32, #tpu.memory_space<vmem_shared>>
      tpu.wait_indirect_dma semaphore(%arg12 : memref<!tpu.dma_semaphore, #tpu.memory_space<semaphore_mem>>) src(%dma_wait3A_25 : memref<10000x64xf32, #tpu.memory_space<vmem_shared>>) dst(%arg9 : memref<128x64xf32, #tpu.memory_space<vmem>>)
      %mul3A_26 = arith.constant 1 : i32
      %mul3A_27 = arith.muli %scan3A_15, %mul3A_26 : i32
      %add3A = arith.constant 0 : i32
      %add3A_28 = arith.addi %mul3A_27, %add3A : i32
      %dma_start3A_29 = arith.constant 0 : i32
      %dma_start3A_30 = arith.constant 0 : i32
      %dma_start3A_31 = tpu.memref_slice %arg9[%dma_start3A_29, %dma_start3A_30] : memref<128x64xf32, #tpu.memory_space<vmem>> -> memref<128x64xf32, #tpu.memory_space<vmem>>
      %dma_start3A_32 = arith.constant 0 : i32
      %dma_start3A_33 = tpu.memref_slice %arg8[%add3A_28, %dma_start3A_32] : memref<79x128xi32, #tpu.memory_space<vmem>> -> memref<1x128xi32, #tpu.memory_space<vmem>>
      %dma_start3A_34 = tpu.memref_squeeze %dma_start3A_33 : memref<1x128xi32, #tpu.memory_space<vmem>> -> memref<128xi32, #tpu.memory_space<vmem>>
      %dma_start3A_35 = arith.constant 0 : i32
      %dma_start3A_36 = arith.constant 0 : i32
      %dma_start3A_37 = tpu.memref_slice %arg10[%dma_start3A_35, %dma_start3A_36] : memref<10112x64xf32, #tpu.memory_space<vmem_shared>> -> memref<10112x64xf32, #tpu.memory_space<vmem_shared>>
      tpu.enqueue_indirect_dma source(%dma_start3A_31 : memref<128x64xf32, #tpu.memory_space<vmem>>) target(%dma_start3A_37 : memref<10112x64xf32, #tpu.memory_space<vmem_shared>>) offsets(%dma_start3A_34 : memref<128xi32, #tpu.memory_space<vmem>>) semaphore(%arg12 : memref<!tpu.dma_semaphore, #tpu.memory_space<semaphore_mem>>) {add = true}
      %dma_wait3A_38 = arith.constant 0 : i32
      %dma_wait3A_39 = arith.constant 0 : i32
      %dma_wait3A_40 = tpu.memref_slice %arg9[%dma_wait3A_38, %dma_wait3A_39] : memref<128x64xf32, #tpu.memory_space<vmem>> -> memref<128x64xf32, #tpu.memory_space<vmem>>
      %dma_wait3A_41 = arith.constant 0 : i32
      %dma_wait3A_42 = tpu.memref_slice %arg8[%add3A_28, %dma_wait3A_41] : memref<79x128xi32, #tpu.memory_space<vmem>> -> memref<1x128xi32, #tpu.memory_space<vmem>>
      %dma_wait3A_43 = tpu.memref_squeeze %dma_wait3A_42 : memref<1x128xi32, #tpu.memory_space<vmem>> -> memref<128xi32, #tpu.memory_space<vmem>>
      %dma_wait3A_44 = arith.constant 0 : i32
      %dma_wait3A_45 = arith.constant 0 : i32
      %dma_wait3A_46 = tpu.memref_slice %arg10[%dma_wait3A_44, %dma_wait3A_45] : memref<10112x64xf32, #tpu.memory_space<vmem_shared>> -> memref<10112x64xf32, #tpu.memory_space<vmem_shared>>
      tpu.wait_indirect_dma semaphore(%arg12 : memref<!tpu.dma_semaphore, #tpu.memory_space<semaphore_mem>>) src(%dma_wait3A_40 : memref<128x64xf32, #tpu.memory_space<vmem>>) dst(%dma_wait3A_46 : memref<10112x64xf32, #tpu.memory_space<vmem_shared>>)
    }
    %scan3A_9 = arith.constant 79 : i32
    %barrier3A_10 = arith.constant 0 : index
    tpu.barrier barrier_id(%barrier3A_10)
    %mul3A_11 = arith.constant 632 : i32
    %mul3A_12 = arith.muli %arg1, %mul3A_11 : i32
    %mul3A_13 = arith.constant 632 : i32
    %mul3A_14 = arith.muli %arg1, %mul3A_13 : i32
    "tpu.region"() ({
      %run_scoped3A = tpu.sem_alloc : memref<!tpu.dma_semaphore, #tpu.memory_space<semaphore_mem>>
      %dma_start3A = arith.constant 0 : i32
      %dma_start3A_15 = tpu.memref_slice %arg6[%arg0, %mul3A_14, %dma_start3A] : memref<2x10112x64xf32, #tpu.memory_space<hbm>> -> memref<1x632x64xf32, #tpu.memory_space<hbm>>
      %dma_start3A_16 = tpu.memref_squeeze %dma_start3A_15 : memref<1x632x64xf32, #tpu.memory_space<hbm>> -> memref<632x64xf32, #tpu.memory_space<hbm>>
      %dma_start3A_17 = arith.constant 0 : i32
      %dma_start3A_18 = tpu.memref_slice %arg10[%mul3A_12, %dma_start3A_17] : memref<10112x64xf32, #tpu.memory_space<vmem_shared>> -> memref<632x64xf32, #tpu.memory_space<vmem_shared>>
      tpu.enqueue_dma source(%dma_start3A_18 : memref<632x64xf32, #tpu.memory_space<vmem_shared>>) target(%dma_start3A_16 : memref<632x64xf32, #tpu.memory_space<hbm>>) target_semaphore(%run_scoped3A : memref<!tpu.dma_semaphore, #tpu.memory_space<semaphore_mem>>)
      %dma_wait3A = arith.constant 0 : i32
      %dma_wait3A_19 = tpu.memref_slice %arg6[%arg0, %mul3A_14, %dma_wait3A] : memref<2x10112x64xf32, #tpu.memory_space<hbm>> -> memref<1x632x64xf32, #tpu.memory_space<hbm>>
      %dma_wait3A_20 = tpu.memref_squeeze %dma_wait3A_19 : memref<1x632x64xf32, #tpu.memory_space<hbm>> -> memref<632x64xf32, #tpu.memory_space<hbm>>
      %dma_wait3A_21 = arith.constant 0 : i32
      %dma_wait3A_22 = tpu.memref_slice %arg10[%mul3A_12, %dma_wait3A_21] : memref<10112x64xf32, #tpu.memory_space<vmem_shared>> -> memref<632x64xf32, #tpu.memory_space<vmem_shared>>
      tpu.wait_dma2 semaphore(%run_scoped3A : memref<!tpu.dma_semaphore, #tpu.memory_space<semaphore_mem>>) src(%dma_wait3A_22 : memref<632x64xf32, #tpu.memory_space<vmem_shared>>) dst(%dma_wait3A_20 : memref<632x64xf32, #tpu.memory_space<hbm>>)
      tpu.yield
    }) : () -> ()
    return
  }
}

#map = affine_map<(d0, d1) -> (0, 0)>
#map1 = affine_map<(d0, d1) -> (0, 0, 0, 0)>
#map2 = affine_map<(d0, d1) -> (0, 0, 0)>
module attributes {stable_mosaic.version = 14 : i64} {
  func.func @segsum_sc(%arg0: i32, %arg1: i32, %arg2: memref<10000x64xf32, #tpu.memory_space<hbm>>, %arg3: memref<2x16x79x128xi32, #tpu.memory_space<hbm>>, %arg4: memref<2x16x79x128xi32, #tpu.memory_space<hbm>>, %arg5: memref<10112x64xf32, #tpu.memory_space<hbm>>, %arg6: memref<2x10112x64xf32, #tpu.memory_space<hbm>>, %arg7: memref<79x128xi32, #tpu.memory_space<vmem>>, %arg8: memref<79x128xi32, #tpu.memory_space<vmem>>, %arg9: memref<128x64xf32, #tpu.memory_space<vmem>>, %arg10: memref<10112x64xf32, #tpu.memory_space<vmem_shared>>, %arg11: memref<10000x64xf32, #tpu.memory_space<vmem_shared>>, %arg12: memref<!tpu.dma_semaphore, #tpu.memory_space<semaphore_mem>>) attributes {dimension_semantics = [#tpu.dimension_semantics<core_parallel>, #tpu.dimension_semantics<subcore_parallel>], iteration_bounds = array<i64: 2, 16>, scalar_prefetch = 0 : i64, scratch_operands = 6 : i64, tpu.core_type = #tpu.core_type<sc_vector_subcore>, window_params = [{transform_indices = #map}, {transform_indices = #map1}, {transform_indices = #map1}, {transform_indices = #map}, {transform_indices = #map2}]} {
    "tpu.region"() ({
      %run_scoped3A = tpu.sem_alloc : memref<!tpu.dma_semaphore, #tpu.memory_space<semaphore_mem>>
      %dma_start3A = arith.constant 0 : i32
      %dma_start3A_15 = arith.constant 0 : i32
      %dma_start3A_16 = tpu.memref_slice %arg3[%arg0, %arg1, %dma_start3A, %dma_start3A_15] : memref<2x16x79x128xi32, #tpu.memory_space<hbm>> -> memref<1x1x79x128xi32, #tpu.memory_space<hbm>>
      %dma_start3A_17 = tpu.memref_squeeze %dma_start3A_16 : memref<1x1x79x128xi32, #tpu.memory_space<hbm>> -> memref<79x128xi32, #tpu.memory_space<hbm>>
      %dma_start3A_18 = arith.constant 0 : i32
      %dma_start3A_19 = arith.constant 0 : i32
      %dma_start3A_20 = tpu.memref_slice %arg3[%arg0, %arg1, %dma_start3A_18, %dma_start3A_19] : memref<2x16x79x128xi32, #tpu.memory_space<hbm>> -> memref<1x1x79x128xi32, #tpu.memory_space<hbm>>
      %dma_start3A_21 = tpu.memref_squeeze %dma_start3A_20 : memref<1x1x79x128xi32, #tpu.memory_space<hbm>> -> memref<79x128xi32, #tpu.memory_space<hbm>>
      tpu.enqueue_dma source(%dma_start3A_21 : memref<79x128xi32, #tpu.memory_space<hbm>>) target(%arg7 : memref<79x128xi32, #tpu.memory_space<vmem>>) target_semaphore(%run_scoped3A : memref<!tpu.dma_semaphore, #tpu.memory_space<semaphore_mem>>)
      %dma_wait3A = arith.constant 0 : i32
      %dma_wait3A_22 = arith.constant 0 : i32
      %dma_wait3A_23 = tpu.memref_slice %arg3[%arg0, %arg1, %dma_wait3A, %dma_wait3A_22] : memref<2x16x79x128xi32, #tpu.memory_space<hbm>> -> memref<1x1x79x128xi32, #tpu.memory_space<hbm>>
      %dma_wait3A_24 = tpu.memref_squeeze %dma_wait3A_23 : memref<1x1x79x128xi32, #tpu.memory_space<hbm>> -> memref<79x128xi32, #tpu.memory_space<hbm>>
      %dma_wait3A_25 = arith.constant 0 : i32
      %dma_wait3A_26 = arith.constant 0 : i32
      %dma_wait3A_27 = tpu.memref_slice %arg3[%arg0, %arg1, %dma_wait3A_25, %dma_wait3A_26] : memref<2x16x79x128xi32, #tpu.memory_space<hbm>> -> memref<1x1x79x128xi32, #tpu.memory_space<hbm>>
      %dma_wait3A_28 = tpu.memref_squeeze %dma_wait3A_27 : memref<1x1x79x128xi32, #tpu.memory_space<hbm>> -> memref<79x128xi32, #tpu.memory_space<hbm>>
      tpu.wait_dma2 semaphore(%run_scoped3A : memref<!tpu.dma_semaphore, #tpu.memory_space<semaphore_mem>>) src(%dma_wait3A_28 : memref<79x128xi32, #tpu.memory_space<hbm>>) dst(%arg7 : memref<79x128xi32, #tpu.memory_space<vmem>>)
      tpu.yield
    }) : () -> ()
    "tpu.region"() ({
      %run_scoped3A = tpu.sem_alloc : memref<!tpu.dma_semaphore, #tpu.memory_space<semaphore_mem>>
      %dma_start3A = arith.constant 0 : i32
      %dma_start3A_15 = arith.constant 0 : i32
      %dma_start3A_16 = tpu.memref_slice %arg4[%arg0, %arg1, %dma_start3A, %dma_start3A_15] : memref<2x16x79x128xi32, #tpu.memory_space<hbm>> -> memref<1x1x79x128xi32, #tpu.memory_space<hbm>>
      %dma_start3A_17 = tpu.memref_squeeze %dma_start3A_16 : memref<1x1x79x128xi32, #tpu.memory_space<hbm>> -> memref<79x128xi32, #tpu.memory_space<hbm>>
      %dma_start3A_18 = arith.constant 0 : i32
      %dma_start3A_19 = arith.constant 0 : i32
      %dma_start3A_20 = tpu.memref_slice %arg4[%arg0, %arg1, %dma_start3A_18, %dma_start3A_19] : memref<2x16x79x128xi32, #tpu.memory_space<hbm>> -> memref<1x1x79x128xi32, #tpu.memory_space<hbm>>
      %dma_start3A_21 = tpu.memref_squeeze %dma_start3A_20 : memref<1x1x79x128xi32, #tpu.memory_space<hbm>> -> memref<79x128xi32, #tpu.memory_space<hbm>>
      tpu.enqueue_dma source(%dma_start3A_21 : memref<79x128xi32, #tpu.memory_space<hbm>>) target(%arg8 : memref<79x128xi32, #tpu.memory_space<vmem>>) target_semaphore(%run_scoped3A : memref<!tpu.dma_semaphore, #tpu.memory_space<semaphore_mem>>)
      %dma_wait3A = arith.constant 0 : i32
      %dma_wait3A_22 = arith.constant 0 : i32
      %dma_wait3A_23 = tpu.memref_slice %arg4[%arg0, %arg1, %dma_wait3A, %dma_wait3A_22] : memref<2x16x79x128xi32, #tpu.memory_space<hbm>> -> memref<1x1x79x128xi32, #tpu.memory_space<hbm>>
      %dma_wait3A_24 = tpu.memref_squeeze %dma_wait3A_23 : memref<1x1x79x128xi32, #tpu.memory_space<hbm>> -> memref<79x128xi32, #tpu.memory_space<hbm>>
      %dma_wait3A_25 = arith.constant 0 : i32
      %dma_wait3A_26 = arith.constant 0 : i32
      %dma_wait3A_27 = tpu.memref_slice %arg4[%arg0, %arg1, %dma_wait3A_25, %dma_wait3A_26] : memref<2x16x79x128xi32, #tpu.memory_space<hbm>> -> memref<1x1x79x128xi32, #tpu.memory_space<hbm>>
      %dma_wait3A_28 = tpu.memref_squeeze %dma_wait3A_27 : memref<1x1x79x128xi32, #tpu.memory_space<hbm>> -> memref<79x128xi32, #tpu.memory_space<hbm>>
      tpu.wait_dma2 semaphore(%run_scoped3A : memref<!tpu.dma_semaphore, #tpu.memory_space<semaphore_mem>>) src(%dma_wait3A_28 : memref<79x128xi32, #tpu.memory_space<hbm>>) dst(%arg8 : memref<79x128xi32, #tpu.memory_space<vmem>>)
      tpu.yield
    }) : () -> ()
    %mul3A = arith.constant 632 : i32
    %mul3A_0 = arith.muli %arg1, %mul3A : i32
    %mul3A_1 = arith.constant 632 : i32
    %mul3A_2 = arith.muli %arg1, %mul3A_1 : i32
    "tpu.region"() ({
      %run_scoped3A = tpu.sem_alloc : memref<!tpu.dma_semaphore, #tpu.memory_space<semaphore_mem>>
      %dma_start3A = arith.constant 0 : i32
      %dma_start3A_15 = tpu.memref_slice %arg10[%mul3A_2, %dma_start3A] : memref<10112x64xf32, #tpu.memory_space<vmem_shared>> -> memref<632x64xf32, #tpu.memory_space<vmem_shared>>
      %dma_start3A_16 = arith.constant 0 : i32
      %dma_start3A_17 = tpu.memref_slice %arg5[%mul3A_0, %dma_start3A_16] : memref<10112x64xf32, #tpu.memory_space<hbm>> -> memref<632x64xf32, #tpu.memory_space<hbm>>
      tpu.enqueue_dma source(%dma_start3A_17 : memref<632x64xf32, #tpu.memory_space<hbm>>) target(%dma_start3A_15 : memref<632x64xf32, #tpu.memory_space<vmem_shared>>) target_semaphore(%run_scoped3A : memref<!tpu.dma_semaphore, #tpu.memory_space<semaphore_mem>>)
      %dma_wait3A = arith.constant 0 : i32
      %dma_wait3A_18 = tpu.memref_slice %arg10[%mul3A_2, %dma_wait3A] : memref<10112x64xf32, #tpu.memory_space<vmem_shared>> -> memref<632x64xf32, #tpu.memory_space<vmem_shared>>
      %dma_wait3A_19 = arith.constant 0 : i32
      %dma_wait3A_20 = tpu.memref_slice %arg5[%mul3A_0, %dma_wait3A_19] : memref<10112x64xf32, #tpu.memory_space<hbm>> -> memref<632x64xf32, #tpu.memory_space<hbm>>
      tpu.wait_dma2 semaphore(%run_scoped3A : memref<!tpu.dma_semaphore, #tpu.memory_space<semaphore_mem>>) src(%dma_wait3A_20 : memref<632x64xf32, #tpu.memory_space<hbm>>) dst(%dma_wait3A_18 : memref<632x64xf32, #tpu.memory_space<vmem_shared>>)
      tpu.yield
    }) : () -> ()
    %eq3A = arith.constant 0 : i32
    %eq3A_3 = arith.cmpi eq, %arg1, %eq3A : i32
    %convert_element_type3A = arith.extui %eq3A_3 : i1 to i32
    %cond3A = arith.constant 0 : i32
    %cond3A_4 = arith.cmpi ne, %convert_element_type3A, %cond3A : i32
    scf.if %cond3A_4 {
      "tpu.region"() ({
        %run_scoped3A = tpu.sem_alloc : memref<!tpu.dma_semaphore, #tpu.memory_space<semaphore_mem>>
        tpu.enqueue_dma source(%arg2 : memref<10000x64xf32, #tpu.memory_space<hbm>>) target(%arg11 : memref<10000x64xf32, #tpu.memory_space<vmem_shared>>) target_semaphore(%run_scoped3A : memref<!tpu.dma_semaphore, #tpu.memory_space<semaphore_mem>>)
        tpu.wait_dma2 semaphore(%run_scoped3A : memref<!tpu.dma_semaphore, #tpu.memory_space<semaphore_mem>>) src(%arg2 : memref<10000x64xf32, #tpu.memory_space<hbm>>) dst(%arg11 : memref<10000x64xf32, #tpu.memory_space<vmem_shared>>)
        tpu.yield
      }) : () -> ()
    } else {
    }
    %barrier3A = arith.constant 0 : index
    tpu.barrier barrier_id(%barrier3A)
    %scan3A = arith.constant 0 : i32
    %scan3A_5 = arith.constant 0 : i32
    %scan3A_6 = arith.constant 79 : i32
    %scan3A_7 = arith.addi %scan3A_5, %scan3A_6 : i32
    %scan3A_8 = arith.constant 1 : i32
    scf.for %scan3A_15 = %scan3A_5 to %scan3A_7 step %scan3A_8  : i32 {
      %dma_start3A = arith.constant 0 : i32
      %dma_start3A_16 = tpu.memref_slice %arg7[%scan3A_15, %dma_start3A] : memref<79x128xi32, #tpu.memory_space<vmem>> -> memref<1x128xi32, #tpu.memory_space<vmem>>
      %dma_start3A_17 = tpu.memref_squeeze %dma_start3A_16 : memref<1x128xi32, #tpu.memory_space<vmem>> -> memref<128xi32, #tpu.memory_space<vmem>>
      %dma_start3A_18 = arith.constant 0 : i32
      %dma_start3A_19 = arith.constant 0 : i32
      %dma_start3A_20 = tpu.memref_slice %arg11[%dma_start3A_18, %dma_start3A_19] : memref<10000x64xf32, #tpu.memory_space<vmem_shared>> -> memref<10000x64xf32, #tpu.memory_space<vmem_shared>>
      tpu.enqueue_indirect_dma source(%dma_start3A_20 : memref<10000x64xf32, #tpu.memory_space<vmem_shared>>) target(%arg9 : memref<128x64xf32, #tpu.memory_space<vmem>>) offsets(%dma_start3A_17 : memref<128xi32, #tpu.memory_space<vmem>>) semaphore(%arg12 : memref<!tpu.dma_semaphore, #tpu.memory_space<semaphore_mem>>)
      %dma_wait3A = arith.constant 0 : i32
      %dma_wait3A_21 = tpu.memref_slice %arg7[%scan3A_15, %dma_wait3A] : memref<79x128xi32, #tpu.memory_space<vmem>> -> memref<1x128xi32, #tpu.memory_space<vmem>>
      %dma_wait3A_22 = tpu.memref_squeeze %dma_wait3A_21 : memref<1x128xi32, #tpu.memory_space<vmem>> -> memref<128xi32, #tpu.memory_space<vmem>>
      %dma_wait3A_23 = arith.constant 0 : i32
      %dma_wait3A_24 = arith.constant 0 : i32
      %dma_wait3A_25 = tpu.memref_slice %arg11[%dma_wait3A_23, %dma_wait3A_24] : memref<10000x64xf32, #tpu.memory_space<vmem_shared>> -> memref<10000x64xf32, #tpu.memory_space<vmem_shared>>
      tpu.wait_indirect_dma semaphore(%arg12 : memref<!tpu.dma_semaphore, #tpu.memory_space<semaphore_mem>>) src(%dma_wait3A_25 : memref<10000x64xf32, #tpu.memory_space<vmem_shared>>) dst(%arg9 : memref<128x64xf32, #tpu.memory_space<vmem>>)
      %mul3A_26 = arith.constant 1 : i32
      %mul3A_27 = arith.muli %scan3A_15, %mul3A_26 : i32
      %add3A = arith.constant 0 : i32
      %add3A_28 = arith.addi %mul3A_27, %add3A : i32
      %dma_start3A_29 = arith.constant 0 : i32
      %dma_start3A_30 = arith.constant 0 : i32
      %dma_start3A_31 = tpu.memref_slice %arg9[%dma_start3A_29, %dma_start3A_30] : memref<128x64xf32, #tpu.memory_space<vmem>> -> memref<128x64xf32, #tpu.memory_space<vmem>>
      %dma_start3A_32 = arith.constant 0 : i32
      %dma_start3A_33 = tpu.memref_slice %arg8[%add3A_28, %dma_start3A_32] : memref<79x128xi32, #tpu.memory_space<vmem>> -> memref<1x128xi32, #tpu.memory_space<vmem>>
      %dma_start3A_34 = tpu.memref_squeeze %dma_start3A_33 : memref<1x128xi32, #tpu.memory_space<vmem>> -> memref<128xi32, #tpu.memory_space<vmem>>
      %dma_start3A_35 = arith.constant 0 : i32
      %dma_start3A_36 = arith.constant 0 : i32
      %dma_start3A_37 = tpu.memref_slice %arg10[%dma_start3A_35, %dma_start3A_36] : memref<10112x64xf32, #tpu.memory_space<vmem_shared>> -> memref<10112x64xf32, #tpu.memory_space<vmem_shared>>
      tpu.enqueue_indirect_dma source(%dma_start3A_31 : memref<128x64xf32, #tpu.memory_space<vmem>>) target(%dma_start3A_37 : memref<10112x64xf32, #tpu.memory_space<vmem_shared>>) offsets(%dma_start3A_34 : memref<128xi32, #tpu.memory_space<vmem>>) semaphore(%arg12 : memref<!tpu.dma_semaphore, #tpu.memory_space<semaphore_mem>>) {add = true}
      %dma_wait3A_38 = arith.constant 0 : i32
      %dma_wait3A_39 = arith.constant 0 : i32
      %dma_wait3A_40 = tpu.memref_slice %arg9[%dma_wait3A_38, %dma_wait3A_39] : memref<128x64xf32, #tpu.memory_space<vmem>> -> memref<128x64xf32, #tpu.memory_space<vmem>>
      %dma_wait3A_41 = arith.constant 0 : i32
      %dma_wait3A_42 = tpu.memref_slice %arg8[%add3A_28, %dma_wait3A_41] : memref<79x128xi32, #tpu.memory_space<vmem>> -> memref<1x128xi32, #tpu.memory_space<vmem>>
      %dma_wait3A_43 = tpu.memref_squeeze %dma_wait3A_42 : memref<1x128xi32, #tpu.memory_space<vmem>> -> memref<128xi32, #tpu.memory_space<vmem>>
      %dma_wait3A_44 = arith.constant 0 : i32
      %dma_wait3A_45 = arith.constant 0 : i32
      %dma_wait3A_46 = tpu.memref_slice %arg10[%dma_wait3A_44, %dma_wait3A_45] : memref<10112x64xf32, #tpu.memory_space<vmem_shared>> -> memref<10112x64xf32, #tpu.memory_space<vmem_shared>>
      tpu.wait_indirect_dma semaphore(%arg12 : memref<!tpu.dma_semaphore, #tpu.memory_space<semaphore_mem>>) src(%dma_wait3A_40 : memref<128x64xf32, #tpu.memory_space<vmem>>) dst(%dma_wait3A_46 : memref<10112x64xf32, #tpu.memory_space<vmem_shared>>)
    }
    %scan3A_9 = arith.constant 79 : i32
    %barrier3A_10 = arith.constant 0 : index
    tpu.barrier barrier_id(%barrier3A_10)
    %mul3A_11 = arith.constant 632 : i32
    %mul3A_12 = arith.muli %arg1, %mul3A_11 : i32
    %mul3A_13 = arith.constant 632 : i32
    %mul3A_14 = arith.muli %arg1, %mul3A_13 : i32
    "tpu.region"() ({
      %run_scoped3A = tpu.sem_alloc : memref<!tpu.dma_semaphore, #tpu.memory_space<semaphore_mem>>
      %dma_start3A = arith.constant 0 : i32
      %dma_start3A_15 = tpu.memref_slice %arg6[%arg0, %mul3A_14, %dma_start3A] : memref<2x10112x64xf32, #tpu.memory_space<hbm>> -> memref<1x632x64xf32, #tpu.memory_space<hbm>>
      %dma_start3A_16 = tpu.memref_squeeze %dma_start3A_15 : memref<1x632x64xf32, #tpu.memory_space<hbm>> -> memref<632x64xf32, #tpu.memory_space<hbm>>
      %dma_start3A_17 = arith.constant 0 : i32
      %dma_start3A_18 = tpu.memref_slice %arg10[%mul3A_12, %dma_start3A_17] : memref<10112x64xf32, #tpu.memory_space<vmem_shared>> -> memref<632x64xf32, #tpu.memory_space<vmem_shared>>
      tpu.enqueue_dma source(%dma_start3A_18 : memref<632x64xf32, #tpu.memory_space<vmem_shared>>) target(%dma_start3A_16 : memref<632x64xf32, #tpu.memory_space<hbm>>) target_semaphore(%run_scoped3A : memref<!tpu.dma_semaphore, #tpu.memory_space<semaphore_mem>>)
      %dma_wait3A = arith.constant 0 : i32
      %dma_wait3A_19 = tpu.memref_slice %arg6[%arg0, %mul3A_14, %dma_wait3A] : memref<2x10112x64xf32, #tpu.memory_space<hbm>> -> memref<1x632x64xf32, #tpu.memory_space<hbm>>
      %dma_wait3A_20 = tpu.memref_squeeze %dma_wait3A_19 : memref<1x632x64xf32, #tpu.memory_space<hbm>> -> memref<632x64xf32, #tpu.memory_space<hbm>>
      %dma_wait3A_21 = arith.constant 0 : i32
      %dma_wait3A_22 = tpu.memref_slice %arg10[%mul3A_12, %dma_wait3A_21] : memref<10112x64xf32, #tpu.memory_space<vmem_shared>> -> memref<632x64xf32, #tpu.memory_space<vmem_shared>>
      tpu.wait_dma2 semaphore(%run_scoped3A : memref<!tpu.dma_semaphore, #tpu.memory_space<semaphore_mem>>) src(%dma_wait3A_22 : memref<632x64xf32, #tpu.memory_space<vmem_shared>>) dst(%dma_wait3A_20 : memref<632x64xf32, #tpu.memory_space<hbm>>)
      tpu.yield
    }) : () -> ()
    return
  }
}

#map = affine_map<(d0, d1) -> (0, 0)>
#map1 = affine_map<(d0, d1) -> (0, 0, 0, 0)>
#map2 = affine_map<(d0, d1) -> (0, 0, 0)>
module attributes {stable_mosaic.version = 14 : i64} {
  func.func @segsum_sc(%arg0: i32, %arg1: i32, %arg2: memref<10000x64xf32, #tpu.memory_space<hbm>>, %arg3: memref<2x16x79x128xi32, #tpu.memory_space<hbm>>, %arg4: memref<2x16x79x128xi32, #tpu.memory_space<hbm>>, %arg5: memref<10112x64xf32, #tpu.memory_space<hbm>>, %arg6: memref<2x10112x64xf32, #tpu.memory_space<hbm>>, %arg7: memref<79x128xi32, #tpu.memory_space<vmem>>, %arg8: memref<79x128xi32, #tpu.memory_space<vmem>>, %arg9: memref<128x64xf32, #tpu.memory_space<vmem>>, %arg10: memref<10112x64xf32, #tpu.memory_space<vmem_shared>>, %arg11: memref<10000x64xf32, #tpu.memory_space<vmem_shared>>, %arg12: memref<!tpu.dma_semaphore, #tpu.memory_space<semaphore_mem>>) attributes {dimension_semantics = [#tpu.dimension_semantics<core_parallel>, #tpu.dimension_semantics<subcore_parallel>], iteration_bounds = array<i64: 2, 16>, scalar_prefetch = 0 : i64, scratch_operands = 6 : i64, tpu.core_type = #tpu.core_type<sc_vector_subcore>, window_params = [{transform_indices = #map}, {transform_indices = #map1}, {transform_indices = #map1}, {transform_indices = #map}, {transform_indices = #map2}]} {
    "tpu.region"() ({
      %run_scoped3A = tpu.sem_alloc : memref<!tpu.dma_semaphore, #tpu.memory_space<semaphore_mem>>
      %dma_start3A = arith.constant 0 : i32
      %dma_start3A_15 = arith.constant 0 : i32
      %dma_start3A_16 = tpu.memref_slice %arg3[%arg0, %arg1, %dma_start3A, %dma_start3A_15] : memref<2x16x79x128xi32, #tpu.memory_space<hbm>> -> memref<1x1x79x128xi32, #tpu.memory_space<hbm>>
      %dma_start3A_17 = tpu.memref_squeeze %dma_start3A_16 : memref<1x1x79x128xi32, #tpu.memory_space<hbm>> -> memref<79x128xi32, #tpu.memory_space<hbm>>
      %dma_start3A_18 = arith.constant 0 : i32
      %dma_start3A_19 = arith.constant 0 : i32
      %dma_start3A_20 = tpu.memref_slice %arg3[%arg0, %arg1, %dma_start3A_18, %dma_start3A_19] : memref<2x16x79x128xi32, #tpu.memory_space<hbm>> -> memref<1x1x79x128xi32, #tpu.memory_space<hbm>>
      %dma_start3A_21 = tpu.memref_squeeze %dma_start3A_20 : memref<1x1x79x128xi32, #tpu.memory_space<hbm>> -> memref<79x128xi32, #tpu.memory_space<hbm>>
      tpu.enqueue_dma source(%dma_start3A_21 : memref<79x128xi32, #tpu.memory_space<hbm>>) target(%arg7 : memref<79x128xi32, #tpu.memory_space<vmem>>) target_semaphore(%run_scoped3A : memref<!tpu.dma_semaphore, #tpu.memory_space<semaphore_mem>>)
      %dma_wait3A = arith.constant 0 : i32
      %dma_wait3A_22 = arith.constant 0 : i32
      %dma_wait3A_23 = tpu.memref_slice %arg3[%arg0, %arg1, %dma_wait3A, %dma_wait3A_22] : memref<2x16x79x128xi32, #tpu.memory_space<hbm>> -> memref<1x1x79x128xi32, #tpu.memory_space<hbm>>
      %dma_wait3A_24 = tpu.memref_squeeze %dma_wait3A_23 : memref<1x1x79x128xi32, #tpu.memory_space<hbm>> -> memref<79x128xi32, #tpu.memory_space<hbm>>
      %dma_wait3A_25 = arith.constant 0 : i32
      %dma_wait3A_26 = arith.constant 0 : i32
      %dma_wait3A_27 = tpu.memref_slice %arg3[%arg0, %arg1, %dma_wait3A_25, %dma_wait3A_26] : memref<2x16x79x128xi32, #tpu.memory_space<hbm>> -> memref<1x1x79x128xi32, #tpu.memory_space<hbm>>
      %dma_wait3A_28 = tpu.memref_squeeze %dma_wait3A_27 : memref<1x1x79x128xi32, #tpu.memory_space<hbm>> -> memref<79x128xi32, #tpu.memory_space<hbm>>
      tpu.wait_dma2 semaphore(%run_scoped3A : memref<!tpu.dma_semaphore, #tpu.memory_space<semaphore_mem>>) src(%dma_wait3A_28 : memref<79x128xi32, #tpu.memory_space<hbm>>) dst(%arg7 : memref<79x128xi32, #tpu.memory_space<vmem>>)
      tpu.yield
    }) : () -> ()
    "tpu.region"() ({
      %run_scoped3A = tpu.sem_alloc : memref<!tpu.dma_semaphore, #tpu.memory_space<semaphore_mem>>
      %dma_start3A = arith.constant 0 : i32
      %dma_start3A_15 = arith.constant 0 : i32
      %dma_start3A_16 = tpu.memref_slice %arg4[%arg0, %arg1, %dma_start3A, %dma_start3A_15] : memref<2x16x79x128xi32, #tpu.memory_space<hbm>> -> memref<1x1x79x128xi32, #tpu.memory_space<hbm>>
      %dma_start3A_17 = tpu.memref_squeeze %dma_start3A_16 : memref<1x1x79x128xi32, #tpu.memory_space<hbm>> -> memref<79x128xi32, #tpu.memory_space<hbm>>
      %dma_start3A_18 = arith.constant 0 : i32
      %dma_start3A_19 = arith.constant 0 : i32
      %dma_start3A_20 = tpu.memref_slice %arg4[%arg0, %arg1, %dma_start3A_18, %dma_start3A_19] : memref<2x16x79x128xi32, #tpu.memory_space<hbm>> -> memref<1x1x79x128xi32, #tpu.memory_space<hbm>>
      %dma_start3A_21 = tpu.memref_squeeze %dma_start3A_20 : memref<1x1x79x128xi32, #tpu.memory_space<hbm>> -> memref<79x128xi32, #tpu.memory_space<hbm>>
      tpu.enqueue_dma source(%dma_start3A_21 : memref<79x128xi32, #tpu.memory_space<hbm>>) target(%arg8 : memref<79x128xi32, #tpu.memory_space<vmem>>) target_semaphore(%run_scoped3A : memref<!tpu.dma_semaphore, #tpu.memory_space<semaphore_mem>>)
      %dma_wait3A = arith.constant 0 : i32
      %dma_wait3A_22 = arith.constant 0 : i32
      %dma_wait3A_23 = tpu.memref_slice %arg4[%arg0, %arg1, %dma_wait3A, %dma_wait3A_22] : memref<2x16x79x128xi32, #tpu.memory_space<hbm>> -> memref<1x1x79x128xi32, #tpu.memory_space<hbm>>
      %dma_wait3A_24 = tpu.memref_squeeze %dma_wait3A_23 : memref<1x1x79x128xi32, #tpu.memory_space<hbm>> -> memref<79x128xi32, #tpu.memory_space<hbm>>
      %dma_wait3A_25 = arith.constant 0 : i32
      %dma_wait3A_26 = arith.constant 0 : i32
      %dma_wait3A_27 = tpu.memref_slice %arg4[%arg0, %arg1, %dma_wait3A_25, %dma_wait3A_26] : memref<2x16x79x128xi32, #tpu.memory_space<hbm>> -> memref<1x1x79x128xi32, #tpu.memory_space<hbm>>
      %dma_wait3A_28 = tpu.memref_squeeze %dma_wait3A_27 : memref<1x1x79x128xi32, #tpu.memory_space<hbm>> -> memref<79x128xi32, #tpu.memory_space<hbm>>
      tpu.wait_dma2 semaphore(%run_scoped3A : memref<!tpu.dma_semaphore, #tpu.memory_space<semaphore_mem>>) src(%dma_wait3A_28 : memref<79x128xi32, #tpu.memory_space<hbm>>) dst(%arg8 : memref<79x128xi32, #tpu.memory_space<vmem>>)
      tpu.yield
    }) : () -> ()
    %mul3A = arith.constant 632 : i32
    %mul3A_0 = arith.muli %arg1, %mul3A : i32
    %mul3A_1 = arith.constant 632 : i32
    %mul3A_2 = arith.muli %arg1, %mul3A_1 : i32
    "tpu.region"() ({
      %run_scoped3A = tpu.sem_alloc : memref<!tpu.dma_semaphore, #tpu.memory_space<semaphore_mem>>
      %dma_start3A = arith.constant 0 : i32
      %dma_start3A_15 = tpu.memref_slice %arg10[%mul3A_2, %dma_start3A] : memref<10112x64xf32, #tpu.memory_space<vmem_shared>> -> memref<632x64xf32, #tpu.memory_space<vmem_shared>>
      %dma_start3A_16 = arith.constant 0 : i32
      %dma_start3A_17 = tpu.memref_slice %arg5[%mul3A_0, %dma_start3A_16] : memref<10112x64xf32, #tpu.memory_space<hbm>> -> memref<632x64xf32, #tpu.memory_space<hbm>>
      tpu.enqueue_dma source(%dma_start3A_17 : memref<632x64xf32, #tpu.memory_space<hbm>>) target(%dma_start3A_15 : memref<632x64xf32, #tpu.memory_space<vmem_shared>>) target_semaphore(%run_scoped3A : memref<!tpu.dma_semaphore, #tpu.memory_space<semaphore_mem>>)
      %dma_wait3A = arith.constant 0 : i32
      %dma_wait3A_18 = tpu.memref_slice %arg10[%mul3A_2, %dma_wait3A] : memref<10112x64xf32, #tpu.memory_space<vmem_shared>> -> memref<632x64xf32, #tpu.memory_space<vmem_shared>>
      %dma_wait3A_19 = arith.constant 0 : i32
      %dma_wait3A_20 = tpu.memref_slice %arg5[%mul3A_0, %dma_wait3A_19] : memref<10112x64xf32, #tpu.memory_space<hbm>> -> memref<632x64xf32, #tpu.memory_space<hbm>>
      tpu.wait_dma2 semaphore(%run_scoped3A : memref<!tpu.dma_semaphore, #tpu.memory_space<semaphore_mem>>) src(%dma_wait3A_20 : memref<632x64xf32, #tpu.memory_space<hbm>>) dst(%dma_wait3A_18 : memref<632x64xf32, #tpu.memory_space<vmem_shared>>)
      tpu.yield
    }) : () -> ()
    %eq3A = arith.constant 0 : i32
    %eq3A_3 = arith.cmpi eq, %arg1, %eq3A : i32
    %convert_element_type3A = arith.extui %eq3A_3 : i1 to i32
    %cond3A = arith.constant 0 : i32
    %cond3A_4 = arith.cmpi ne, %convert_element_type3A, %cond3A : i32
    scf.if %cond3A_4 {
      "tpu.region"() ({
        %run_scoped3A = tpu.sem_alloc : memref<!tpu.dma_semaphore, #tpu.memory_space<semaphore_mem>>
        tpu.enqueue_dma source(%arg2 : memref<10000x64xf32, #tpu.memory_space<hbm>>) target(%arg11 : memref<10000x64xf32, #tpu.memory_space<vmem_shared>>) target_semaphore(%run_scoped3A : memref<!tpu.dma_semaphore, #tpu.memory_space<semaphore_mem>>)
        tpu.wait_dma2 semaphore(%run_scoped3A : memref<!tpu.dma_semaphore, #tpu.memory_space<semaphore_mem>>) src(%arg2 : memref<10000x64xf32, #tpu.memory_space<hbm>>) dst(%arg11 : memref<10000x64xf32, #tpu.memory_space<vmem_shared>>)
        tpu.yield
      }) : () -> ()
    } else {
    }
    %barrier3A = arith.constant 0 : index
    tpu.barrier barrier_id(%barrier3A)
    %scan3A = arith.constant 0 : i32
    %scan3A_5 = arith.constant 0 : i32
    %scan3A_6 = arith.constant 79 : i32
    %scan3A_7 = arith.addi %scan3A_5, %scan3A_6 : i32
    %scan3A_8 = arith.constant 1 : i32
    scf.for %scan3A_15 = %scan3A_5 to %scan3A_7 step %scan3A_8  : i32 {
      %dma_start3A = arith.constant 0 : i32
      %dma_start3A_16 = tpu.memref_slice %arg7[%scan3A_15, %dma_start3A] : memref<79x128xi32, #tpu.memory_space<vmem>> -> memref<1x128xi32, #tpu.memory_space<vmem>>
      %dma_start3A_17 = tpu.memref_squeeze %dma_start3A_16 : memref<1x128xi32, #tpu.memory_space<vmem>> -> memref<128xi32, #tpu.memory_space<vmem>>
      %dma_start3A_18 = arith.constant 0 : i32
      %dma_start3A_19 = arith.constant 0 : i32
      %dma_start3A_20 = tpu.memref_slice %arg11[%dma_start3A_18, %dma_start3A_19] : memref<10000x64xf32, #tpu.memory_space<vmem_shared>> -> memref<10000x64xf32, #tpu.memory_space<vmem_shared>>
      tpu.enqueue_indirect_dma source(%dma_start3A_20 : memref<10000x64xf32, #tpu.memory_space<vmem_shared>>) target(%arg9 : memref<128x64xf32, #tpu.memory_space<vmem>>) offsets(%dma_start3A_17 : memref<128xi32, #tpu.memory_space<vmem>>) semaphore(%arg12 : memref<!tpu.dma_semaphore, #tpu.memory_space<semaphore_mem>>)
      %dma_wait3A = arith.constant 0 : i32
      %dma_wait3A_21 = tpu.memref_slice %arg7[%scan3A_15, %dma_wait3A] : memref<79x128xi32, #tpu.memory_space<vmem>> -> memref<1x128xi32, #tpu.memory_space<vmem>>
      %dma_wait3A_22 = tpu.memref_squeeze %dma_wait3A_21 : memref<1x128xi32, #tpu.memory_space<vmem>> -> memref<128xi32, #tpu.memory_space<vmem>>
      %dma_wait3A_23 = arith.constant 0 : i32
      %dma_wait3A_24 = arith.constant 0 : i32
      %dma_wait3A_25 = tpu.memref_slice %arg11[%dma_wait3A_23, %dma_wait3A_24] : memref<10000x64xf32, #tpu.memory_space<vmem_shared>> -> memref<10000x64xf32, #tpu.memory_space<vmem_shared>>
      tpu.wait_indirect_dma semaphore(%arg12 : memref<!tpu.dma_semaphore, #tpu.memory_space<semaphore_mem>>) src(%dma_wait3A_25 : memref<10000x64xf32, #tpu.memory_space<vmem_shared>>) dst(%arg9 : memref<128x64xf32, #tpu.memory_space<vmem>>)
      %mul3A_26 = arith.constant 1 : i32
      %mul3A_27 = arith.muli %scan3A_15, %mul3A_26 : i32
      %add3A = arith.constant 0 : i32
      %add3A_28 = arith.addi %mul3A_27, %add3A : i32
      %dma_start3A_29 = arith.constant 0 : i32
      %dma_start3A_30 = arith.constant 0 : i32
      %dma_start3A_31 = tpu.memref_slice %arg9[%dma_start3A_29, %dma_start3A_30] : memref<128x64xf32, #tpu.memory_space<vmem>> -> memref<128x64xf32, #tpu.memory_space<vmem>>
      %dma_start3A_32 = arith.constant 0 : i32
      %dma_start3A_33 = tpu.memref_slice %arg8[%add3A_28, %dma_start3A_32] : memref<79x128xi32, #tpu.memory_space<vmem>> -> memref<1x128xi32, #tpu.memory_space<vmem>>
      %dma_start3A_34 = tpu.memref_squeeze %dma_start3A_33 : memref<1x128xi32, #tpu.memory_space<vmem>> -> memref<128xi32, #tpu.memory_space<vmem>>
      %dma_start3A_35 = arith.constant 0 : i32
      %dma_start3A_36 = arith.constant 0 : i32
      %dma_start3A_37 = tpu.memref_slice %arg10[%dma_start3A_35, %dma_start3A_36] : memref<10112x64xf32, #tpu.memory_space<vmem_shared>> -> memref<10112x64xf32, #tpu.memory_space<vmem_shared>>
      tpu.enqueue_indirect_dma source(%dma_start3A_31 : memref<128x64xf32, #tpu.memory_space<vmem>>) target(%dma_start3A_37 : memref<10112x64xf32, #tpu.memory_space<vmem_shared>>) offsets(%dma_start3A_34 : memref<128xi32, #tpu.memory_space<vmem>>) semaphore(%arg12 : memref<!tpu.dma_semaphore, #tpu.memory_space<semaphore_mem>>) {add = true}
      %dma_wait3A_38 = arith.constant 0 : i32
      %dma_wait3A_39 = arith.constant 0 : i32
      %dma_wait3A_40 = tpu.memref_slice %arg9[%dma_wait3A_38, %dma_wait3A_39] : memref<128x64xf32, #tpu.memory_space<vmem>> -> memref<128x64xf32, #tpu.memory_space<vmem>>
      %dma_wait3A_41 = arith.constant 0 : i32
      %dma_wait3A_42 = tpu.memref_slice %arg8[%add3A_28, %dma_wait3A_41] : memref<79x128xi32, #tpu.memory_space<vmem>> -> memref<1x128xi32, #tpu.memory_space<vmem>>
      %dma_wait3A_43 = tpu.memref_squeeze %dma_wait3A_42 : memref<1x128xi32, #tpu.memory_space<vmem>> -> memref<128xi32, #tpu.memory_space<vmem>>
      %dma_wait3A_44 = arith.constant 0 : i32
      %dma_wait3A_45 = arith.constant 0 : i32
      %dma_wait3A_46 = tpu.memref_slice %arg10[%dma_wait3A_44, %dma_wait3A_45] : memref<10112x64xf32, #tpu.memory_space<vmem_shared>> -> memref<10112x64xf32, #tpu.memory_space<vmem_shared>>
      tpu.wait_indirect_dma semaphore(%arg12 : memref<!tpu.dma_semaphore, #tpu.memory_space<semaphore_mem>>) src(%dma_wait3A_40 : memref<128x64xf32, #tpu.memory_space<vmem>>) dst(%dma_wait3A_46 : memref<10112x64xf32, #tpu.memory_space<vmem_shared>>)
    }
    %scan3A_9 = arith.constant 79 : i32
    %barrier3A_10 = arith.constant 0 : index
    tpu.barrier barrier_id(%barrier3A_10)
    %mul3A_11 = arith.constant 632 : i32
    %mul3A_12 = arith.muli %arg1, %mul3A_11 : i32
    %mul3A_13 = arith.constant 632 : i32
    %mul3A_14 = arith.muli %arg1, %mul3A_13 : i32
    "tpu.region"() ({
      %run_scoped3A = tpu.sem_alloc : memref<!tpu.dma_semaphore, #tpu.memory_space<semaphore_mem>>
      %dma_start3A = arith.constant 0 : i32
      %dma_start3A_15 = tpu.memref_slice %arg6[%arg0, %mul3A_14, %dma_start3A] : memref<2x10112x64xf32, #tpu.memory_space<hbm>> -> memref<1x632x64xf32, #tpu.memory_space<hbm>>
      %dma_start3A_16 = tpu.memref_squeeze %dma_start3A_15 : memref<1x632x64xf32, #tpu.memory_space<hbm>> -> memref<632x64xf32, #tpu.memory_space<hbm>>
      %dma_start3A_17 = arith.constant 0 : i32
      %dma_start3A_18 = tpu.memref_slice %arg10[%mul3A_12, %dma_start3A_17] : memref<10112x64xf32, #tpu.memory_space<vmem_shared>> -> memref<632x64xf32, #tpu.memory_space<vmem_shared>>
      tpu.enqueue_dma source(%dma_start3A_18 : memref<632x64xf32, #tpu.memory_space<vmem_shared>>) target(%dma_start3A_16 : memref<632x64xf32, #tpu.memory_space<hbm>>) target_semaphore(%run_scoped3A : memref<!tpu.dma_semaphore, #tpu.memory_space<semaphore_mem>>)
      %dma_wait3A = arith.constant 0 : i32
      %dma_wait3A_19 = tpu.memref_slice %arg6[%arg0, %mul3A_14, %dma_wait3A] : memref<2x10112x64xf32, #tpu.memory_space<hbm>> -> memref<1x632x64xf32, #tpu.memory_space<hbm>>
      %dma_wait3A_20 = tpu.memref_squeeze %dma_wait3A_19 : memref<1x632x64xf32, #tpu.memory_space<hbm>> -> memref<632x64xf32, #tpu.memory_space<hbm>>
      %dma_wait3A_21 = arith.constant 0 : i32
      %dma_wait3A_22 = tpu.memref_slice %arg10[%mul3A_12, %dma_wait3A_21] : memref<10112x64xf32, #tpu.memory_space<vmem_shared>> -> memref<632x64xf32, #tpu.memory_space<vmem_shared>>
      tpu.wait_dma2 semaphore(%run_scoped3A : memref<!tpu.dma_semaphore, #tpu.memory_space<semaphore_mem>>) src(%dma_wait3A_22 : memref<632x64xf32, #tpu.memory_space<vmem_shared>>) dst(%dma_wait3A_20 : memref<632x64xf32, #tpu.memory_space<hbm>>)
      tpu.yield
    }) : () -> ()
    return
  }
}

#map = affine_map<(d0, d1) -> (0, 0)>
#map1 = affine_map<(d0, d1) -> (0, 0, 0, 0)>
#map2 = affine_map<(d0, d1) -> (0, 0, 0)>
module attributes {stable_mosaic.version = 14 : i64} {
  func.func @segsum_sc(%arg0: i32, %arg1: i32, %arg2: memref<10000x64xf32, #tpu.memory_space<hbm>>, %arg3: memref<2x16x79x128xi32, #tpu.memory_space<hbm>>, %arg4: memref<2x16x79x128xi32, #tpu.memory_space<hbm>>, %arg5: memref<10112x64xf32, #tpu.memory_space<hbm>>, %arg6: memref<2x10112x64xf32, #tpu.memory_space<hbm>>, %arg7: memref<79x128xi32, #tpu.memory_space<vmem>>, %arg8: memref<79x128xi32, #tpu.memory_space<vmem>>, %arg9: memref<128x64xf32, #tpu.memory_space<vmem>>, %arg10: memref<10112x64xf32, #tpu.memory_space<vmem_shared>>, %arg11: memref<10000x64xf32, #tpu.memory_space<vmem_shared>>, %arg12: memref<!tpu.dma_semaphore, #tpu.memory_space<semaphore_mem>>) attributes {dimension_semantics = [#tpu.dimension_semantics<core_parallel>, #tpu.dimension_semantics<subcore_parallel>], iteration_bounds = array<i64: 2, 16>, scalar_prefetch = 0 : i64, scratch_operands = 6 : i64, tpu.core_type = #tpu.core_type<sc_vector_subcore>, window_params = [{transform_indices = #map}, {transform_indices = #map1}, {transform_indices = #map1}, {transform_indices = #map}, {transform_indices = #map2}]} {
    "tpu.region"() ({
      %run_scoped3A = tpu.sem_alloc : memref<!tpu.dma_semaphore, #tpu.memory_space<semaphore_mem>>
      %dma_start3A = arith.constant 0 : i32
      %dma_start3A_15 = arith.constant 0 : i32
      %dma_start3A_16 = tpu.memref_slice %arg3[%arg0, %arg1, %dma_start3A, %dma_start3A_15] : memref<2x16x79x128xi32, #tpu.memory_space<hbm>> -> memref<1x1x79x128xi32, #tpu.memory_space<hbm>>
      %dma_start3A_17 = tpu.memref_squeeze %dma_start3A_16 : memref<1x1x79x128xi32, #tpu.memory_space<hbm>> -> memref<79x128xi32, #tpu.memory_space<hbm>>
      %dma_start3A_18 = arith.constant 0 : i32
      %dma_start3A_19 = arith.constant 0 : i32
      %dma_start3A_20 = tpu.memref_slice %arg3[%arg0, %arg1, %dma_start3A_18, %dma_start3A_19] : memref<2x16x79x128xi32, #tpu.memory_space<hbm>> -> memref<1x1x79x128xi32, #tpu.memory_space<hbm>>
      %dma_start3A_21 = tpu.memref_squeeze %dma_start3A_20 : memref<1x1x79x128xi32, #tpu.memory_space<hbm>> -> memref<79x128xi32, #tpu.memory_space<hbm>>
      tpu.enqueue_dma source(%dma_start3A_21 : memref<79x128xi32, #tpu.memory_space<hbm>>) target(%arg7 : memref<79x128xi32, #tpu.memory_space<vmem>>) target_semaphore(%run_scoped3A : memref<!tpu.dma_semaphore, #tpu.memory_space<semaphore_mem>>)
      %dma_wait3A = arith.constant 0 : i32
      %dma_wait3A_22 = arith.constant 0 : i32
      %dma_wait3A_23 = tpu.memref_slice %arg3[%arg0, %arg1, %dma_wait3A, %dma_wait3A_22] : memref<2x16x79x128xi32, #tpu.memory_space<hbm>> -> memref<1x1x79x128xi32, #tpu.memory_space<hbm>>
      %dma_wait3A_24 = tpu.memref_squeeze %dma_wait3A_23 : memref<1x1x79x128xi32, #tpu.memory_space<hbm>> -> memref<79x128xi32, #tpu.memory_space<hbm>>
      %dma_wait3A_25 = arith.constant 0 : i32
      %dma_wait3A_26 = arith.constant 0 : i32
      %dma_wait3A_27 = tpu.memref_slice %arg3[%arg0, %arg1, %dma_wait3A_25, %dma_wait3A_26] : memref<2x16x79x128xi32, #tpu.memory_space<hbm>> -> memref<1x1x79x128xi32, #tpu.memory_space<hbm>>
      %dma_wait3A_28 = tpu.memref_squeeze %dma_wait3A_27 : memref<1x1x79x128xi32, #tpu.memory_space<hbm>> -> memref<79x128xi32, #tpu.memory_space<hbm>>
      tpu.wait_dma2 semaphore(%run_scoped3A : memref<!tpu.dma_semaphore, #tpu.memory_space<semaphore_mem>>) src(%dma_wait3A_28 : memref<79x128xi32, #tpu.memory_space<hbm>>) dst(%arg7 : memref<79x128xi32, #tpu.memory_space<vmem>>)
      tpu.yield
    }) : () -> ()
    "tpu.region"() ({
      %run_scoped3A = tpu.sem_alloc : memref<!tpu.dma_semaphore, #tpu.memory_space<semaphore_mem>>
      %dma_start3A = arith.constant 0 : i32
      %dma_start3A_15 = arith.constant 0 : i32
      %dma_start3A_16 = tpu.memref_slice %arg4[%arg0, %arg1, %dma_start3A, %dma_start3A_15] : memref<2x16x79x128xi32, #tpu.memory_space<hbm>> -> memref<1x1x79x128xi32, #tpu.memory_space<hbm>>
      %dma_start3A_17 = tpu.memref_squeeze %dma_start3A_16 : memref<1x1x79x128xi32, #tpu.memory_space<hbm>> -> memref<79x128xi32, #tpu.memory_space<hbm>>
      %dma_start3A_18 = arith.constant 0 : i32
      %dma_start3A_19 = arith.constant 0 : i32
      %dma_start3A_20 = tpu.memref_slice %arg4[%arg0, %arg1, %dma_start3A_18, %dma_start3A_19] : memref<2x16x79x128xi32, #tpu.memory_space<hbm>> -> memref<1x1x79x128xi32, #tpu.memory_space<hbm>>
      %dma_start3A_21 = tpu.memref_squeeze %dma_start3A_20 : memref<1x1x79x128xi32, #tpu.memory_space<hbm>> -> memref<79x128xi32, #tpu.memory_space<hbm>>
      tpu.enqueue_dma source(%dma_start3A_21 : memref<79x128xi32, #tpu.memory_space<hbm>>) target(%arg8 : memref<79x128xi32, #tpu.memory_space<vmem>>) target_semaphore(%run_scoped3A : memref<!tpu.dma_semaphore, #tpu.memory_space<semaphore_mem>>)
      %dma_wait3A = arith.constant 0 : i32
      %dma_wait3A_22 = arith.constant 0 : i32
      %dma_wait3A_23 = tpu.memref_slice %arg4[%arg0, %arg1, %dma_wait3A, %dma_wait3A_22] : memref<2x16x79x128xi32, #tpu.memory_space<hbm>> -> memref<1x1x79x128xi32, #tpu.memory_space<hbm>>
      %dma_wait3A_24 = tpu.memref_squeeze %dma_wait3A_23 : memref<1x1x79x128xi32, #tpu.memory_space<hbm>> -> memref<79x128xi32, #tpu.memory_space<hbm>>
      %dma_wait3A_25 = arith.constant 0 : i32
      %dma_wait3A_26 = arith.constant 0 : i32
      %dma_wait3A_27 = tpu.memref_slice %arg4[%arg0, %arg1, %dma_wait3A_25, %dma_wait3A_26] : memref<2x16x79x128xi32, #tpu.memory_space<hbm>> -> memref<1x1x79x128xi32, #tpu.memory_space<hbm>>
      %dma_wait3A_28 = tpu.memref_squeeze %dma_wait3A_27 : memref<1x1x79x128xi32, #tpu.memory_space<hbm>> -> memref<79x128xi32, #tpu.memory_space<hbm>>
      tpu.wait_dma2 semaphore(%run_scoped3A : memref<!tpu.dma_semaphore, #tpu.memory_space<semaphore_mem>>) src(%dma_wait3A_28 : memref<79x128xi32, #tpu.memory_space<hbm>>) dst(%arg8 : memref<79x128xi32, #tpu.memory_space<vmem>>)
      tpu.yield
    }) : () -> ()
    %mul3A = arith.constant 632 : i32
    %mul3A_0 = arith.muli %arg1, %mul3A : i32
    %mul3A_1 = arith.constant 632 : i32
    %mul3A_2 = arith.muli %arg1, %mul3A_1 : i32
    "tpu.region"() ({
      %run_scoped3A = tpu.sem_alloc : memref<!tpu.dma_semaphore, #tpu.memory_space<semaphore_mem>>
      %dma_start3A = arith.constant 0 : i32
      %dma_start3A_15 = tpu.memref_slice %arg10[%mul3A_2, %dma_start3A] : memref<10112x64xf32, #tpu.memory_space<vmem_shared>> -> memref<632x64xf32, #tpu.memory_space<vmem_shared>>
      %dma_start3A_16 = arith.constant 0 : i32
      %dma_start3A_17 = tpu.memref_slice %arg5[%mul3A_0, %dma_start3A_16] : memref<10112x64xf32, #tpu.memory_space<hbm>> -> memref<632x64xf32, #tpu.memory_space<hbm>>
      tpu.enqueue_dma source(%dma_start3A_17 : memref<632x64xf32, #tpu.memory_space<hbm>>) target(%dma_start3A_15 : memref<632x64xf32, #tpu.memory_space<vmem_shared>>) target_semaphore(%run_scoped3A : memref<!tpu.dma_semaphore, #tpu.memory_space<semaphore_mem>>)
      %dma_wait3A = arith.constant 0 : i32
      %dma_wait3A_18 = tpu.memref_slice %arg10[%mul3A_2, %dma_wait3A] : memref<10112x64xf32, #tpu.memory_space<vmem_shared>> -> memref<632x64xf32, #tpu.memory_space<vmem_shared>>
      %dma_wait3A_19 = arith.constant 0 : i32
      %dma_wait3A_20 = tpu.memref_slice %arg5[%mul3A_0, %dma_wait3A_19] : memref<10112x64xf32, #tpu.memory_space<hbm>> -> memref<632x64xf32, #tpu.memory_space<hbm>>
      tpu.wait_dma2 semaphore(%run_scoped3A : memref<!tpu.dma_semaphore, #tpu.memory_space<semaphore_mem>>) src(%dma_wait3A_20 : memref<632x64xf32, #tpu.memory_space<hbm>>) dst(%dma_wait3A_18 : memref<632x64xf32, #tpu.memory_space<vmem_shared>>)
      tpu.yield
    }) : () -> ()
    %eq3A = arith.constant 0 : i32
    %eq3A_3 = arith.cmpi eq, %arg1, %eq3A : i32
    %convert_element_type3A = arith.extui %eq3A_3 : i1 to i32
    %cond3A = arith.constant 0 : i32
    %cond3A_4 = arith.cmpi ne, %convert_element_type3A, %cond3A : i32
    scf.if %cond3A_4 {
      "tpu.region"() ({
        %run_scoped3A = tpu.sem_alloc : memref<!tpu.dma_semaphore, #tpu.memory_space<semaphore_mem>>
        tpu.enqueue_dma source(%arg2 : memref<10000x64xf32, #tpu.memory_space<hbm>>) target(%arg11 : memref<10000x64xf32, #tpu.memory_space<vmem_shared>>) target_semaphore(%run_scoped3A : memref<!tpu.dma_semaphore, #tpu.memory_space<semaphore_mem>>)
        tpu.wait_dma2 semaphore(%run_scoped3A : memref<!tpu.dma_semaphore, #tpu.memory_space<semaphore_mem>>) src(%arg2 : memref<10000x64xf32, #tpu.memory_space<hbm>>) dst(%arg11 : memref<10000x64xf32, #tpu.memory_space<vmem_shared>>)
        tpu.yield
      }) : () -> ()
    } else {
    }
    %barrier3A = arith.constant 0 : index
    tpu.barrier barrier_id(%barrier3A)
    %scan3A = arith.constant 0 : i32
    %scan3A_5 = arith.constant 0 : i32
    %scan3A_6 = arith.constant 79 : i32
    %scan3A_7 = arith.addi %scan3A_5, %scan3A_6 : i32
    %scan3A_8 = arith.constant 1 : i32
    scf.for %scan3A_15 = %scan3A_5 to %scan3A_7 step %scan3A_8  : i32 {
      %dma_start3A = arith.constant 0 : i32
      %dma_start3A_16 = tpu.memref_slice %arg7[%scan3A_15, %dma_start3A] : memref<79x128xi32, #tpu.memory_space<vmem>> -> memref<1x128xi32, #tpu.memory_space<vmem>>
      %dma_start3A_17 = tpu.memref_squeeze %dma_start3A_16 : memref<1x128xi32, #tpu.memory_space<vmem>> -> memref<128xi32, #tpu.memory_space<vmem>>
      %dma_start3A_18 = arith.constant 0 : i32
      %dma_start3A_19 = arith.constant 0 : i32
      %dma_start3A_20 = tpu.memref_slice %arg11[%dma_start3A_18, %dma_start3A_19] : memref<10000x64xf32, #tpu.memory_space<vmem_shared>> -> memref<10000x64xf32, #tpu.memory_space<vmem_shared>>
      tpu.enqueue_indirect_dma source(%dma_start3A_20 : memref<10000x64xf32, #tpu.memory_space<vmem_shared>>) target(%arg9 : memref<128x64xf32, #tpu.memory_space<vmem>>) offsets(%dma_start3A_17 : memref<128xi32, #tpu.memory_space<vmem>>) semaphore(%arg12 : memref<!tpu.dma_semaphore, #tpu.memory_space<semaphore_mem>>)
      %dma_wait3A = arith.constant 0 : i32
      %dma_wait3A_21 = tpu.memref_slice %arg7[%scan3A_15, %dma_wait3A] : memref<79x128xi32, #tpu.memory_space<vmem>> -> memref<1x128xi32, #tpu.memory_space<vmem>>
      %dma_wait3A_22 = tpu.memref_squeeze %dma_wait3A_21 : memref<1x128xi32, #tpu.memory_space<vmem>> -> memref<128xi32, #tpu.memory_space<vmem>>
      %dma_wait3A_23 = arith.constant 0 : i32
      %dma_wait3A_24 = arith.constant 0 : i32
      %dma_wait3A_25 = tpu.memref_slice %arg11[%dma_wait3A_23, %dma_wait3A_24] : memref<10000x64xf32, #tpu.memory_space<vmem_shared>> -> memref<10000x64xf32, #tpu.memory_space<vmem_shared>>
      tpu.wait_indirect_dma semaphore(%arg12 : memref<!tpu.dma_semaphore, #tpu.memory_space<semaphore_mem>>) src(%dma_wait3A_25 : memref<10000x64xf32, #tpu.memory_space<vmem_shared>>) dst(%arg9 : memref<128x64xf32, #tpu.memory_space<vmem>>)
      %mul3A_26 = arith.constant 1 : i32
      %mul3A_27 = arith.muli %scan3A_15, %mul3A_26 : i32
      %add3A = arith.constant 0 : i32
      %add3A_28 = arith.addi %mul3A_27, %add3A : i32
      %dma_start3A_29 = arith.constant 0 : i32
      %dma_start3A_30 = arith.constant 0 : i32
      %dma_start3A_31 = tpu.memref_slice %arg9[%dma_start3A_29, %dma_start3A_30] : memref<128x64xf32, #tpu.memory_space<vmem>> -> memref<128x64xf32, #tpu.memory_space<vmem>>
      %dma_start3A_32 = arith.constant 0 : i32
      %dma_start3A_33 = tpu.memref_slice %arg8[%add3A_28, %dma_start3A_32] : memref<79x128xi32, #tpu.memory_space<vmem>> -> memref<1x128xi32, #tpu.memory_space<vmem>>
      %dma_start3A_34 = tpu.memref_squeeze %dma_start3A_33 : memref<1x128xi32, #tpu.memory_space<vmem>> -> memref<128xi32, #tpu.memory_space<vmem>>
      %dma_start3A_35 = arith.constant 0 : i32
      %dma_start3A_36 = arith.constant 0 : i32
      %dma_start3A_37 = tpu.memref_slice %arg10[%dma_start3A_35, %dma_start3A_36] : memref<10112x64xf32, #tpu.memory_space<vmem_shared>> -> memref<10112x64xf32, #tpu.memory_space<vmem_shared>>
      tpu.enqueue_indirect_dma source(%dma_start3A_31 : memref<128x64xf32, #tpu.memory_space<vmem>>) target(%dma_start3A_37 : memref<10112x64xf32, #tpu.memory_space<vmem_shared>>) offsets(%dma_start3A_34 : memref<128xi32, #tpu.memory_space<vmem>>) semaphore(%arg12 : memref<!tpu.dma_semaphore, #tpu.memory_space<semaphore_mem>>) {add = true}
      %dma_wait3A_38 = arith.constant 0 : i32
      %dma_wait3A_39 = arith.constant 0 : i32
      %dma_wait3A_40 = tpu.memref_slice %arg9[%dma_wait3A_38, %dma_wait3A_39] : memref<128x64xf32, #tpu.memory_space<vmem>> -> memref<128x64xf32, #tpu.memory_space<vmem>>
      %dma_wait3A_41 = arith.constant 0 : i32
      %dma_wait3A_42 = tpu.memref_slice %arg8[%add3A_28, %dma_wait3A_41] : memref<79x128xi32, #tpu.memory_space<vmem>> -> memref<1x128xi32, #tpu.memory_space<vmem>>
      %dma_wait3A_43 = tpu.memref_squeeze %dma_wait3A_42 : memref<1x128xi32, #tpu.memory_space<vmem>> -> memref<128xi32, #tpu.memory_space<vmem>>
      %dma_wait3A_44 = arith.constant 0 : i32
      %dma_wait3A_45 = arith.constant 0 : i32
      %dma_wait3A_46 = tpu.memref_slice %arg10[%dma_wait3A_44, %dma_wait3A_45] : memref<10112x64xf32, #tpu.memory_space<vmem_shared>> -> memref<10112x64xf32, #tpu.memory_space<vmem_shared>>
      tpu.wait_indirect_dma semaphore(%arg12 : memref<!tpu.dma_semaphore, #tpu.memory_space<semaphore_mem>>) src(%dma_wait3A_40 : memref<128x64xf32, #tpu.memory_space<vmem>>) dst(%dma_wait3A_46 : memref<10112x64xf32, #tpu.memory_space<vmem_shared>>)
    }
    %scan3A_9 = arith.constant 79 : i32
    %barrier3A_10 = arith.constant 0 : index
    tpu.barrier barrier_id(%barrier3A_10)
    %mul3A_11 = arith.constant 632 : i32
    %mul3A_12 = arith.muli %arg1, %mul3A_11 : i32
    %mul3A_13 = arith.constant 632 : i32
    %mul3A_14 = arith.muli %arg1, %mul3A_13 : i32
    "tpu.region"() ({
      %run_scoped3A = tpu.sem_alloc : memref<!tpu.dma_semaphore, #tpu.memory_space<semaphore_mem>>
      %dma_start3A = arith.constant 0 : i32
      %dma_start3A_15 = tpu.memref_slice %arg6[%arg0, %mul3A_14, %dma_start3A] : memref<2x10112x64xf32, #tpu.memory_space<hbm>> -> memref<1x632x64xf32, #tpu.memory_space<hbm>>
      %dma_start3A_16 = tpu.memref_squeeze %dma_start3A_15 : memref<1x632x64xf32, #tpu.memory_space<hbm>> -> memref<632x64xf32, #tpu.memory_space<hbm>>
      %dma_start3A_17 = arith.constant 0 : i32
      %dma_start3A_18 = tpu.memref_slice %arg10[%mul3A_12, %dma_start3A_17] : memref<10112x64xf32, #tpu.memory_space<vmem_shared>> -> memref<632x64xf32, #tpu.memory_space<vmem_shared>>
      tpu.enqueue_dma source(%dma_start3A_18 : memref<632x64xf32, #tpu.memory_space<vmem_shared>>) target(%dma_start3A_16 : memref<632x64xf32, #tpu.memory_space<hbm>>) target_semaphore(%run_scoped3A : memref<!tpu.dma_semaphore, #tpu.memory_space<semaphore_mem>>)
      %dma_wait3A = arith.constant 0 : i32
      %dma_wait3A_19 = tpu.memref_slice %arg6[%arg0, %mul3A_14, %dma_wait3A] : memref<2x10112x64xf32, #tpu.memory_space<hbm>> -> memref<1x632x64xf32, #tpu.memory_space<hbm>>
      %dma_wait3A_20 = tpu.memref_squeeze %dma_wait3A_19 : memref<1x632x64xf32, #tpu.memory_space<hbm>> -> memref<632x64xf32, #tpu.memory_space<hbm>>
      %dma_wait3A_21 = arith.constant 0 : i32
      %dma_wait3A_22 = tpu.memref_slice %arg10[%mul3A_12, %dma_wait3A_21] : memref<10112x64xf32, #tpu.memory_space<vmem_shared>> -> memref<632x64xf32, #tpu.memory_space<vmem_shared>>
      tpu.wait_dma2 semaphore(%run_scoped3A : memref<!tpu.dma_semaphore, #tpu.memory_space<semaphore_mem>>) src(%dma_wait3A_22 : memref<632x64xf32, #tpu.memory_space<vmem_shared>>) dst(%dma_wait3A_20 : memref<632x64xf32, #tpu.memory_space<hbm>>)
      tpu.yield
    }) : () -> ()
    return
  }
}

#map = affine_map<(d0, d1) -> (0, 0)>
#map1 = affine_map<(d0, d1) -> (0, 0, 0, 0)>
#map2 = affine_map<(d0, d1) -> (0, 0, 0)>
module attributes {stable_mosaic.version = 14 : i64} {
  func.func @segsum_sc(%arg0: i32, %arg1: i32, %arg2: memref<10000x64xf32, #tpu.memory_space<hbm>>, %arg3: memref<2x16x79x128xi32, #tpu.memory_space<hbm>>, %arg4: memref<2x16x79x128xi32, #tpu.memory_space<hbm>>, %arg5: memref<10112x64xf32, #tpu.memory_space<hbm>>, %arg6: memref<2x10112x64xf32, #tpu.memory_space<hbm>>, %arg7: memref<79x128xi32, #tpu.memory_space<vmem>>, %arg8: memref<79x128xi32, #tpu.memory_space<vmem>>, %arg9: memref<128x64xf32, #tpu.memory_space<vmem>>, %arg10: memref<10112x64xf32, #tpu.memory_space<vmem_shared>>, %arg11: memref<10000x64xf32, #tpu.memory_space<vmem_shared>>, %arg12: memref<!tpu.dma_semaphore, #tpu.memory_space<semaphore_mem>>) attributes {dimension_semantics = [#tpu.dimension_semantics<core_parallel>, #tpu.dimension_semantics<subcore_parallel>], iteration_bounds = array<i64: 2, 16>, scalar_prefetch = 0 : i64, scratch_operands = 6 : i64, tpu.core_type = #tpu.core_type<sc_vector_subcore>, window_params = [{transform_indices = #map}, {transform_indices = #map1}, {transform_indices = #map1}, {transform_indices = #map}, {transform_indices = #map2}]} {
    "tpu.region"() ({
      %run_scoped3A = tpu.sem_alloc : memref<!tpu.dma_semaphore, #tpu.memory_space<semaphore_mem>>
      %dma_start3A = arith.constant 0 : i32
      %dma_start3A_15 = arith.constant 0 : i32
      %dma_start3A_16 = tpu.memref_slice %arg3[%arg0, %arg1, %dma_start3A, %dma_start3A_15] : memref<2x16x79x128xi32, #tpu.memory_space<hbm>> -> memref<1x1x79x128xi32, #tpu.memory_space<hbm>>
      %dma_start3A_17 = tpu.memref_squeeze %dma_start3A_16 : memref<1x1x79x128xi32, #tpu.memory_space<hbm>> -> memref<79x128xi32, #tpu.memory_space<hbm>>
      %dma_start3A_18 = arith.constant 0 : i32
      %dma_start3A_19 = arith.constant 0 : i32
      %dma_start3A_20 = tpu.memref_slice %arg3[%arg0, %arg1, %dma_start3A_18, %dma_start3A_19] : memref<2x16x79x128xi32, #tpu.memory_space<hbm>> -> memref<1x1x79x128xi32, #tpu.memory_space<hbm>>
      %dma_start3A_21 = tpu.memref_squeeze %dma_start3A_20 : memref<1x1x79x128xi32, #tpu.memory_space<hbm>> -> memref<79x128xi32, #tpu.memory_space<hbm>>
      tpu.enqueue_dma source(%dma_start3A_21 : memref<79x128xi32, #tpu.memory_space<hbm>>) target(%arg7 : memref<79x128xi32, #tpu.memory_space<vmem>>) target_semaphore(%run_scoped3A : memref<!tpu.dma_semaphore, #tpu.memory_space<semaphore_mem>>)
      %dma_wait3A = arith.constant 0 : i32
      %dma_wait3A_22 = arith.constant 0 : i32
      %dma_wait3A_23 = tpu.memref_slice %arg3[%arg0, %arg1, %dma_wait3A, %dma_wait3A_22] : memref<2x16x79x128xi32, #tpu.memory_space<hbm>> -> memref<1x1x79x128xi32, #tpu.memory_space<hbm>>
      %dma_wait3A_24 = tpu.memref_squeeze %dma_wait3A_23 : memref<1x1x79x128xi32, #tpu.memory_space<hbm>> -> memref<79x128xi32, #tpu.memory_space<hbm>>
      %dma_wait3A_25 = arith.constant 0 : i32
      %dma_wait3A_26 = arith.constant 0 : i32
      %dma_wait3A_27 = tpu.memref_slice %arg3[%arg0, %arg1, %dma_wait3A_25, %dma_wait3A_26] : memref<2x16x79x128xi32, #tpu.memory_space<hbm>> -> memref<1x1x79x128xi32, #tpu.memory_space<hbm>>
      %dma_wait3A_28 = tpu.memref_squeeze %dma_wait3A_27 : memref<1x1x79x128xi32, #tpu.memory_space<hbm>> -> memref<79x128xi32, #tpu.memory_space<hbm>>
      tpu.wait_dma2 semaphore(%run_scoped3A : memref<!tpu.dma_semaphore, #tpu.memory_space<semaphore_mem>>) src(%dma_wait3A_28 : memref<79x128xi32, #tpu.memory_space<hbm>>) dst(%arg7 : memref<79x128xi32, #tpu.memory_space<vmem>>)
      tpu.yield
    }) : () -> ()
    "tpu.region"() ({
      %run_scoped3A = tpu.sem_alloc : memref<!tpu.dma_semaphore, #tpu.memory_space<semaphore_mem>>
      %dma_start3A = arith.constant 0 : i32
      %dma_start3A_15 = arith.constant 0 : i32
      %dma_start3A_16 = tpu.memref_slice %arg4[%arg0, %arg1, %dma_start3A, %dma_start3A_15] : memref<2x16x79x128xi32, #tpu.memory_space<hbm>> -> memref<1x1x79x128xi32, #tpu.memory_space<hbm>>
      %dma_start3A_17 = tpu.memref_squeeze %dma_start3A_16 : memref<1x1x79x128xi32, #tpu.memory_space<hbm>> -> memref<79x128xi32, #tpu.memory_space<hbm>>
      %dma_start3A_18 = arith.constant 0 : i32
      %dma_start3A_19 = arith.constant 0 : i32
      %dma_start3A_20 = tpu.memref_slice %arg4[%arg0, %arg1, %dma_start3A_18, %dma_start3A_19] : memref<2x16x79x128xi32, #tpu.memory_space<hbm>> -> memref<1x1x79x128xi32, #tpu.memory_space<hbm>>
      %dma_start3A_21 = tpu.memref_squeeze %dma_start3A_20 : memref<1x1x79x128xi32, #tpu.memory_space<hbm>> -> memref<79x128xi32, #tpu.memory_space<hbm>>
      tpu.enqueue_dma source(%dma_start3A_21 : memref<79x128xi32, #tpu.memory_space<hbm>>) target(%arg8 : memref<79x128xi32, #tpu.memory_space<vmem>>) target_semaphore(%run_scoped3A : memref<!tpu.dma_semaphore, #tpu.memory_space<semaphore_mem>>)
      %dma_wait3A = arith.constant 0 : i32
      %dma_wait3A_22 = arith.constant 0 : i32
      %dma_wait3A_23 = tpu.memref_slice %arg4[%arg0, %arg1, %dma_wait3A, %dma_wait3A_22] : memref<2x16x79x128xi32, #tpu.memory_space<hbm>> -> memref<1x1x79x128xi32, #tpu.memory_space<hbm>>
      %dma_wait3A_24 = tpu.memref_squeeze %dma_wait3A_23 : memref<1x1x79x128xi32, #tpu.memory_space<hbm>> -> memref<79x128xi32, #tpu.memory_space<hbm>>
      %dma_wait3A_25 = arith.constant 0 : i32
      %dma_wait3A_26 = arith.constant 0 : i32
      %dma_wait3A_27 = tpu.memref_slice %arg4[%arg0, %arg1, %dma_wait3A_25, %dma_wait3A_26] : memref<2x16x79x128xi32, #tpu.memory_space<hbm>> -> memref<1x1x79x128xi32, #tpu.memory_space<hbm>>
      %dma_wait3A_28 = tpu.memref_squeeze %dma_wait3A_27 : memref<1x1x79x128xi32, #tpu.memory_space<hbm>> -> memref<79x128xi32, #tpu.memory_space<hbm>>
      tpu.wait_dma2 semaphore(%run_scoped3A : memref<!tpu.dma_semaphore, #tpu.memory_space<semaphore_mem>>) src(%dma_wait3A_28 : memref<79x128xi32, #tpu.memory_space<hbm>>) dst(%arg8 : memref<79x128xi32, #tpu.memory_space<vmem>>)
      tpu.yield
    }) : () -> ()
    %mul3A = arith.constant 632 : i32
    %mul3A_0 = arith.muli %arg1, %mul3A : i32
    %mul3A_1 = arith.constant 632 : i32
    %mul3A_2 = arith.muli %arg1, %mul3A_1 : i32
    "tpu.region"() ({
      %run_scoped3A = tpu.sem_alloc : memref<!tpu.dma_semaphore, #tpu.memory_space<semaphore_mem>>
      %dma_start3A = arith.constant 0 : i32
      %dma_start3A_15 = tpu.memref_slice %arg10[%mul3A_2, %dma_start3A] : memref<10112x64xf32, #tpu.memory_space<vmem_shared>> -> memref<632x64xf32, #tpu.memory_space<vmem_shared>>
      %dma_start3A_16 = arith.constant 0 : i32
      %dma_start3A_17 = tpu.memref_slice %arg5[%mul3A_0, %dma_start3A_16] : memref<10112x64xf32, #tpu.memory_space<hbm>> -> memref<632x64xf32, #tpu.memory_space<hbm>>
      tpu.enqueue_dma source(%dma_start3A_17 : memref<632x64xf32, #tpu.memory_space<hbm>>) target(%dma_start3A_15 : memref<632x64xf32, #tpu.memory_space<vmem_shared>>) target_semaphore(%run_scoped3A : memref<!tpu.dma_semaphore, #tpu.memory_space<semaphore_mem>>)
      %dma_wait3A = arith.constant 0 : i32
      %dma_wait3A_18 = tpu.memref_slice %arg10[%mul3A_2, %dma_wait3A] : memref<10112x64xf32, #tpu.memory_space<vmem_shared>> -> memref<632x64xf32, #tpu.memory_space<vmem_shared>>
      %dma_wait3A_19 = arith.constant 0 : i32
      %dma_wait3A_20 = tpu.memref_slice %arg5[%mul3A_0, %dma_wait3A_19] : memref<10112x64xf32, #tpu.memory_space<hbm>> -> memref<632x64xf32, #tpu.memory_space<hbm>>
      tpu.wait_dma2 semaphore(%run_scoped3A : memref<!tpu.dma_semaphore, #tpu.memory_space<semaphore_mem>>) src(%dma_wait3A_20 : memref<632x64xf32, #tpu.memory_space<hbm>>) dst(%dma_wait3A_18 : memref<632x64xf32, #tpu.memory_space<vmem_shared>>)
      tpu.yield
    }) : () -> ()
    %eq3A = arith.constant 0 : i32
    %eq3A_3 = arith.cmpi eq, %arg1, %eq3A : i32
    %convert_element_type3A = arith.extui %eq3A_3 : i1 to i32
    %cond3A = arith.constant 0 : i32
    %cond3A_4 = arith.cmpi ne, %convert_element_type3A, %cond3A : i32
    scf.if %cond3A_4 {
      "tpu.region"() ({
        %run_scoped3A = tpu.sem_alloc : memref<!tpu.dma_semaphore, #tpu.memory_space<semaphore_mem>>
        tpu.enqueue_dma source(%arg2 : memref<10000x64xf32, #tpu.memory_space<hbm>>) target(%arg11 : memref<10000x64xf32, #tpu.memory_space<vmem_shared>>) target_semaphore(%run_scoped3A : memref<!tpu.dma_semaphore, #tpu.memory_space<semaphore_mem>>)
        tpu.wait_dma2 semaphore(%run_scoped3A : memref<!tpu.dma_semaphore, #tpu.memory_space<semaphore_mem>>) src(%arg2 : memref<10000x64xf32, #tpu.memory_space<hbm>>) dst(%arg11 : memref<10000x64xf32, #tpu.memory_space<vmem_shared>>)
        tpu.yield
      }) : () -> ()
    } else {
    }
    %barrier3A = arith.constant 0 : index
    tpu.barrier barrier_id(%barrier3A)
    %scan3A = arith.constant 0 : i32
    %scan3A_5 = arith.constant 0 : i32
    %scan3A_6 = arith.constant 79 : i32
    %scan3A_7 = arith.addi %scan3A_5, %scan3A_6 : i32
    %scan3A_8 = arith.constant 1 : i32
    scf.for %scan3A_15 = %scan3A_5 to %scan3A_7 step %scan3A_8  : i32 {
      %dma_start3A = arith.constant 0 : i32
      %dma_start3A_16 = tpu.memref_slice %arg7[%scan3A_15, %dma_start3A] : memref<79x128xi32, #tpu.memory_space<vmem>> -> memref<1x128xi32, #tpu.memory_space<vmem>>
      %dma_start3A_17 = tpu.memref_squeeze %dma_start3A_16 : memref<1x128xi32, #tpu.memory_space<vmem>> -> memref<128xi32, #tpu.memory_space<vmem>>
      %dma_start3A_18 = arith.constant 0 : i32
      %dma_start3A_19 = arith.constant 0 : i32
      %dma_start3A_20 = tpu.memref_slice %arg11[%dma_start3A_18, %dma_start3A_19] : memref<10000x64xf32, #tpu.memory_space<vmem_shared>> -> memref<10000x64xf32, #tpu.memory_space<vmem_shared>>
      tpu.enqueue_indirect_dma source(%dma_start3A_20 : memref<10000x64xf32, #tpu.memory_space<vmem_shared>>) target(%arg9 : memref<128x64xf32, #tpu.memory_space<vmem>>) offsets(%dma_start3A_17 : memref<128xi32, #tpu.memory_space<vmem>>) semaphore(%arg12 : memref<!tpu.dma_semaphore, #tpu.memory_space<semaphore_mem>>)
      %dma_wait3A = arith.constant 0 : i32
      %dma_wait3A_21 = tpu.memref_slice %arg7[%scan3A_15, %dma_wait3A] : memref<79x128xi32, #tpu.memory_space<vmem>> -> memref<1x128xi32, #tpu.memory_space<vmem>>
      %dma_wait3A_22 = tpu.memref_squeeze %dma_wait3A_21 : memref<1x128xi32, #tpu.memory_space<vmem>> -> memref<128xi32, #tpu.memory_space<vmem>>
      %dma_wait3A_23 = arith.constant 0 : i32
      %dma_wait3A_24 = arith.constant 0 : i32
      %dma_wait3A_25 = tpu.memref_slice %arg11[%dma_wait3A_23, %dma_wait3A_24] : memref<10000x64xf32, #tpu.memory_space<vmem_shared>> -> memref<10000x64xf32, #tpu.memory_space<vmem_shared>>
      tpu.wait_indirect_dma semaphore(%arg12 : memref<!tpu.dma_semaphore, #tpu.memory_space<semaphore_mem>>) src(%dma_wait3A_25 : memref<10000x64xf32, #tpu.memory_space<vmem_shared>>) dst(%arg9 : memref<128x64xf32, #tpu.memory_space<vmem>>)
      %mul3A_26 = arith.constant 1 : i32
      %mul3A_27 = arith.muli %scan3A_15, %mul3A_26 : i32
      %add3A = arith.constant 0 : i32
      %add3A_28 = arith.addi %mul3A_27, %add3A : i32
      %dma_start3A_29 = arith.constant 0 : i32
      %dma_start3A_30 = arith.constant 0 : i32
      %dma_start3A_31 = tpu.memref_slice %arg9[%dma_start3A_29, %dma_start3A_30] : memref<128x64xf32, #tpu.memory_space<vmem>> -> memref<128x64xf32, #tpu.memory_space<vmem>>
      %dma_start3A_32 = arith.constant 0 : i32
      %dma_start3A_33 = tpu.memref_slice %arg8[%add3A_28, %dma_start3A_32] : memref<79x128xi32, #tpu.memory_space<vmem>> -> memref<1x128xi32, #tpu.memory_space<vmem>>
      %dma_start3A_34 = tpu.memref_squeeze %dma_start3A_33 : memref<1x128xi32, #tpu.memory_space<vmem>> -> memref<128xi32, #tpu.memory_space<vmem>>
      %dma_start3A_35 = arith.constant 0 : i32
      %dma_start3A_36 = arith.constant 0 : i32
      %dma_start3A_37 = tpu.memref_slice %arg10[%dma_start3A_35, %dma_start3A_36] : memref<10112x64xf32, #tpu.memory_space<vmem_shared>> -> memref<10112x64xf32, #tpu.memory_space<vmem_shared>>
      tpu.enqueue_indirect_dma source(%dma_start3A_31 : memref<128x64xf32, #tpu.memory_space<vmem>>) target(%dma_start3A_37 : memref<10112x64xf32, #tpu.memory_space<vmem_shared>>) offsets(%dma_start3A_34 : memref<128xi32, #tpu.memory_space<vmem>>) semaphore(%arg12 : memref<!tpu.dma_semaphore, #tpu.memory_space<semaphore_mem>>) {add = true}
      %dma_wait3A_38 = arith.constant 0 : i32
      %dma_wait3A_39 = arith.constant 0 : i32
      %dma_wait3A_40 = tpu.memref_slice %arg9[%dma_wait3A_38, %dma_wait3A_39] : memref<128x64xf32, #tpu.memory_space<vmem>> -> memref<128x64xf32, #tpu.memory_space<vmem>>
      %dma_wait3A_41 = arith.constant 0 : i32
      %dma_wait3A_42 = tpu.memref_slice %arg8[%add3A_28, %dma_wait3A_41] : memref<79x128xi32, #tpu.memory_space<vmem>> -> memref<1x128xi32, #tpu.memory_space<vmem>>
      %dma_wait3A_43 = tpu.memref_squeeze %dma_wait3A_42 : memref<1x128xi32, #tpu.memory_space<vmem>> -> memref<128xi32, #tpu.memory_space<vmem>>
      %dma_wait3A_44 = arith.constant 0 : i32
      %dma_wait3A_45 = arith.constant 0 : i32
      %dma_wait3A_46 = tpu.memref_slice %arg10[%dma_wait3A_44, %dma_wait3A_45] : memref<10112x64xf32, #tpu.memory_space<vmem_shared>> -> memref<10112x64xf32, #tpu.memory_space<vmem_shared>>
      tpu.wait_indirect_dma semaphore(%arg12 : memref<!tpu.dma_semaphore, #tpu.memory_space<semaphore_mem>>) src(%dma_wait3A_40 : memref<128x64xf32, #tpu.memory_space<vmem>>) dst(%dma_wait3A_46 : memref<10112x64xf32, #tpu.memory_space<vmem_shared>>)
    }
    %scan3A_9 = arith.constant 79 : i32
    %barrier3A_10 = arith.constant 0 : index
    tpu.barrier barrier_id(%barrier3A_10)
    %mul3A_11 = arith.constant 632 : i32
    %mul3A_12 = arith.muli %arg1, %mul3A_11 : i32
    %mul3A_13 = arith.constant 632 : i32
    %mul3A_14 = arith.muli %arg1, %mul3A_13 : i32
    "tpu.region"() ({
      %run_scoped3A = tpu.sem_alloc : memref<!tpu.dma_semaphore, #tpu.memory_space<semaphore_mem>>
      %dma_start3A = arith.constant 0 : i32
      %dma_start3A_15 = tpu.memref_slice %arg6[%arg0, %mul3A_14, %dma_start3A] : memref<2x10112x64xf32, #tpu.memory_space<hbm>> -> memref<1x632x64xf32, #tpu.memory_space<hbm>>
      %dma_start3A_16 = tpu.memref_squeeze %dma_start3A_15 : memref<1x632x64xf32, #tpu.memory_space<hbm>> -> memref<632x64xf32, #tpu.memory_space<hbm>>
      %dma_start3A_17 = arith.constant 0 : i32
      %dma_start3A_18 = tpu.memref_slice %arg10[%mul3A_12, %dma_start3A_17] : memref<10112x64xf32, #tpu.memory_space<vmem_shared>> -> memref<632x64xf32, #tpu.memory_space<vmem_shared>>
      tpu.enqueue_dma source(%dma_start3A_18 : memref<632x64xf32, #tpu.memory_space<vmem_shared>>) target(%dma_start3A_16 : memref<632x64xf32, #tpu.memory_space<hbm>>) target_semaphore(%run_scoped3A : memref<!tpu.dma_semaphore, #tpu.memory_space<semaphore_mem>>)
      %dma_wait3A = arith.constant 0 : i32
      %dma_wait3A_19 = tpu.memref_slice %arg6[%arg0, %mul3A_14, %dma_wait3A] : memref<2x10112x64xf32, #tpu.memory_space<hbm>> -> memref<1x632x64xf32, #tpu.memory_space<hbm>>
      %dma_wait3A_20 = tpu.memref_squeeze %dma_wait3A_19 : memref<1x632x64xf32, #tpu.memory_space<hbm>> -> memref<632x64xf32, #tpu.memory_space<hbm>>
      %dma_wait3A_21 = arith.constant 0 : i32
      %dma_wait3A_22 = tpu.memref_slice %arg10[%mul3A_12, %dma_wait3A_21] : memref<10112x64xf32, #tpu.memory_space<vmem_shared>> -> memref<632x64xf32, #tpu.memory_space<vmem_shared>>
      tpu.wait_dma2 semaphore(%run_scoped3A : memref<!tpu.dma_semaphore, #tpu.memory_space<semaphore_mem>>) src(%dma_wait3A_22 : memref<632x64xf32, #tpu.memory_space<vmem_shared>>) dst(%dma_wait3A_20 : memref<632x64xf32, #tpu.memory_space<hbm>>)
      tpu.yield
    }) : () -> ()
    return
  }
}

#map = affine_map<(d0, d1) -> (0, 0)>
#map1 = affine_map<(d0, d1) -> (0, 0, 0, 0)>
#map2 = affine_map<(d0, d1) -> (0, 0, 0)>
module attributes {stable_mosaic.version = 14 : i64} {
  func.func @segsum_sc(%arg0: i32, %arg1: i32, %arg2: memref<10000x64xf32, #tpu.memory_space<hbm>>, %arg3: memref<2x16x79x128xi32, #tpu.memory_space<hbm>>, %arg4: memref<2x16x79x128xi32, #tpu.memory_space<hbm>>, %arg5: memref<10112x64xf32, #tpu.memory_space<hbm>>, %arg6: memref<2x10112x64xf32, #tpu.memory_space<hbm>>, %arg7: memref<79x128xi32, #tpu.memory_space<vmem>>, %arg8: memref<79x128xi32, #tpu.memory_space<vmem>>, %arg9: memref<128x64xf32, #tpu.memory_space<vmem>>, %arg10: memref<10112x64xf32, #tpu.memory_space<vmem_shared>>, %arg11: memref<10000x64xf32, #tpu.memory_space<vmem_shared>>, %arg12: memref<!tpu.dma_semaphore, #tpu.memory_space<semaphore_mem>>) attributes {dimension_semantics = [#tpu.dimension_semantics<core_parallel>, #tpu.dimension_semantics<subcore_parallel>], iteration_bounds = array<i64: 2, 16>, scalar_prefetch = 0 : i64, scratch_operands = 6 : i64, tpu.core_type = #tpu.core_type<sc_vector_subcore>, window_params = [{transform_indices = #map}, {transform_indices = #map1}, {transform_indices = #map1}, {transform_indices = #map}, {transform_indices = #map2}]} {
    "tpu.region"() ({
      %run_scoped3A = tpu.sem_alloc : memref<!tpu.dma_semaphore, #tpu.memory_space<semaphore_mem>>
      %dma_start3A = arith.constant 0 : i32
      %dma_start3A_15 = arith.constant 0 : i32
      %dma_start3A_16 = tpu.memref_slice %arg3[%arg0, %arg1, %dma_start3A, %dma_start3A_15] : memref<2x16x79x128xi32, #tpu.memory_space<hbm>> -> memref<1x1x79x128xi32, #tpu.memory_space<hbm>>
      %dma_start3A_17 = tpu.memref_squeeze %dma_start3A_16 : memref<1x1x79x128xi32, #tpu.memory_space<hbm>> -> memref<79x128xi32, #tpu.memory_space<hbm>>
      %dma_start3A_18 = arith.constant 0 : i32
      %dma_start3A_19 = arith.constant 0 : i32
      %dma_start3A_20 = tpu.memref_slice %arg3[%arg0, %arg1, %dma_start3A_18, %dma_start3A_19] : memref<2x16x79x128xi32, #tpu.memory_space<hbm>> -> memref<1x1x79x128xi32, #tpu.memory_space<hbm>>
      %dma_start3A_21 = tpu.memref_squeeze %dma_start3A_20 : memref<1x1x79x128xi32, #tpu.memory_space<hbm>> -> memref<79x128xi32, #tpu.memory_space<hbm>>
      tpu.enqueue_dma source(%dma_start3A_21 : memref<79x128xi32, #tpu.memory_space<hbm>>) target(%arg7 : memref<79x128xi32, #tpu.memory_space<vmem>>) target_semaphore(%run_scoped3A : memref<!tpu.dma_semaphore, #tpu.memory_space<semaphore_mem>>)
      %dma_wait3A = arith.constant 0 : i32
      %dma_wait3A_22 = arith.constant 0 : i32
      %dma_wait3A_23 = tpu.memref_slice %arg3[%arg0, %arg1, %dma_wait3A, %dma_wait3A_22] : memref<2x16x79x128xi32, #tpu.memory_space<hbm>> -> memref<1x1x79x128xi32, #tpu.memory_space<hbm>>
      %dma_wait3A_24 = tpu.memref_squeeze %dma_wait3A_23 : memref<1x1x79x128xi32, #tpu.memory_space<hbm>> -> memref<79x128xi32, #tpu.memory_space<hbm>>
      %dma_wait3A_25 = arith.constant 0 : i32
      %dma_wait3A_26 = arith.constant 0 : i32
      %dma_wait3A_27 = tpu.memref_slice %arg3[%arg0, %arg1, %dma_wait3A_25, %dma_wait3A_26] : memref<2x16x79x128xi32, #tpu.memory_space<hbm>> -> memref<1x1x79x128xi32, #tpu.memory_space<hbm>>
      %dma_wait3A_28 = tpu.memref_squeeze %dma_wait3A_27 : memref<1x1x79x128xi32, #tpu.memory_space<hbm>> -> memref<79x128xi32, #tpu.memory_space<hbm>>
      tpu.wait_dma2 semaphore(%run_scoped3A : memref<!tpu.dma_semaphore, #tpu.memory_space<semaphore_mem>>) src(%dma_wait3A_28 : memref<79x128xi32, #tpu.memory_space<hbm>>) dst(%arg7 : memref<79x128xi32, #tpu.memory_space<vmem>>)
      tpu.yield
    }) : () -> ()
    "tpu.region"() ({
      %run_scoped3A = tpu.sem_alloc : memref<!tpu.dma_semaphore, #tpu.memory_space<semaphore_mem>>
      %dma_start3A = arith.constant 0 : i32
      %dma_start3A_15 = arith.constant 0 : i32
      %dma_start3A_16 = tpu.memref_slice %arg4[%arg0, %arg1, %dma_start3A, %dma_start3A_15] : memref<2x16x79x128xi32, #tpu.memory_space<hbm>> -> memref<1x1x79x128xi32, #tpu.memory_space<hbm>>
      %dma_start3A_17 = tpu.memref_squeeze %dma_start3A_16 : memref<1x1x79x128xi32, #tpu.memory_space<hbm>> -> memref<79x128xi32, #tpu.memory_space<hbm>>
      %dma_start3A_18 = arith.constant 0 : i32
      %dma_start3A_19 = arith.constant 0 : i32
      %dma_start3A_20 = tpu.memref_slice %arg4[%arg0, %arg1, %dma_start3A_18, %dma_start3A_19] : memref<2x16x79x128xi32, #tpu.memory_space<hbm>> -> memref<1x1x79x128xi32, #tpu.memory_space<hbm>>
      %dma_start3A_21 = tpu.memref_squeeze %dma_start3A_20 : memref<1x1x79x128xi32, #tpu.memory_space<hbm>> -> memref<79x128xi32, #tpu.memory_space<hbm>>
      tpu.enqueue_dma source(%dma_start3A_21 : memref<79x128xi32, #tpu.memory_space<hbm>>) target(%arg8 : memref<79x128xi32, #tpu.memory_space<vmem>>) target_semaphore(%run_scoped3A : memref<!tpu.dma_semaphore, #tpu.memory_space<semaphore_mem>>)
      %dma_wait3A = arith.constant 0 : i32
      %dma_wait3A_22 = arith.constant 0 : i32
      %dma_wait3A_23 = tpu.memref_slice %arg4[%arg0, %arg1, %dma_wait3A, %dma_wait3A_22] : memref<2x16x79x128xi32, #tpu.memory_space<hbm>> -> memref<1x1x79x128xi32, #tpu.memory_space<hbm>>
      %dma_wait3A_24 = tpu.memref_squeeze %dma_wait3A_23 : memref<1x1x79x128xi32, #tpu.memory_space<hbm>> -> memref<79x128xi32, #tpu.memory_space<hbm>>
      %dma_wait3A_25 = arith.constant 0 : i32
      %dma_wait3A_26 = arith.constant 0 : i32
      %dma_wait3A_27 = tpu.memref_slice %arg4[%arg0, %arg1, %dma_wait3A_25, %dma_wait3A_26] : memref<2x16x79x128xi32, #tpu.memory_space<hbm>> -> memref<1x1x79x128xi32, #tpu.memory_space<hbm>>
      %dma_wait3A_28 = tpu.memref_squeeze %dma_wait3A_27 : memref<1x1x79x128xi32, #tpu.memory_space<hbm>> -> memref<79x128xi32, #tpu.memory_space<hbm>>
      tpu.wait_dma2 semaphore(%run_scoped3A : memref<!tpu.dma_semaphore, #tpu.memory_space<semaphore_mem>>) src(%dma_wait3A_28 : memref<79x128xi32, #tpu.memory_space<hbm>>) dst(%arg8 : memref<79x128xi32, #tpu.memory_space<vmem>>)
      tpu.yield
    }) : () -> ()
    %mul3A = arith.constant 632 : i32
    %mul3A_0 = arith.muli %arg1, %mul3A : i32
    %mul3A_1 = arith.constant 632 : i32
    %mul3A_2 = arith.muli %arg1, %mul3A_1 : i32
    "tpu.region"() ({
      %run_scoped3A = tpu.sem_alloc : memref<!tpu.dma_semaphore, #tpu.memory_space<semaphore_mem>>
      %dma_start3A = arith.constant 0 : i32
      %dma_start3A_15 = tpu.memref_slice %arg10[%mul3A_2, %dma_start3A] : memref<10112x64xf32, #tpu.memory_space<vmem_shared>> -> memref<632x64xf32, #tpu.memory_space<vmem_shared>>
      %dma_start3A_16 = arith.constant 0 : i32
      %dma_start3A_17 = tpu.memref_slice %arg5[%mul3A_0, %dma_start3A_16] : memref<10112x64xf32, #tpu.memory_space<hbm>> -> memref<632x64xf32, #tpu.memory_space<hbm>>
      tpu.enqueue_dma source(%dma_start3A_17 : memref<632x64xf32, #tpu.memory_space<hbm>>) target(%dma_start3A_15 : memref<632x64xf32, #tpu.memory_space<vmem_shared>>) target_semaphore(%run_scoped3A : memref<!tpu.dma_semaphore, #tpu.memory_space<semaphore_mem>>)
      %dma_wait3A = arith.constant 0 : i32
      %dma_wait3A_18 = tpu.memref_slice %arg10[%mul3A_2, %dma_wait3A] : memref<10112x64xf32, #tpu.memory_space<vmem_shared>> -> memref<632x64xf32, #tpu.memory_space<vmem_shared>>
      %dma_wait3A_19 = arith.constant 0 : i32
      %dma_wait3A_20 = tpu.memref_slice %arg5[%mul3A_0, %dma_wait3A_19] : memref<10112x64xf32, #tpu.memory_space<hbm>> -> memref<632x64xf32, #tpu.memory_space<hbm>>
      tpu.wait_dma2 semaphore(%run_scoped3A : memref<!tpu.dma_semaphore, #tpu.memory_space<semaphore_mem>>) src(%dma_wait3A_20 : memref<632x64xf32, #tpu.memory_space<hbm>>) dst(%dma_wait3A_18 : memref<632x64xf32, #tpu.memory_space<vmem_shared>>)
      tpu.yield
    }) : () -> ()
    %eq3A = arith.constant 0 : i32
    %eq3A_3 = arith.cmpi eq, %arg1, %eq3A : i32
    %convert_element_type3A = arith.extui %eq3A_3 : i1 to i32
    %cond3A = arith.constant 0 : i32
    %cond3A_4 = arith.cmpi ne, %convert_element_type3A, %cond3A : i32
    scf.if %cond3A_4 {
      "tpu.region"() ({
        %run_scoped3A = tpu.sem_alloc : memref<!tpu.dma_semaphore, #tpu.memory_space<semaphore_mem>>
        tpu.enqueue_dma source(%arg2 : memref<10000x64xf32, #tpu.memory_space<hbm>>) target(%arg11 : memref<10000x64xf32, #tpu.memory_space<vmem_shared>>) target_semaphore(%run_scoped3A : memref<!tpu.dma_semaphore, #tpu.memory_space<semaphore_mem>>)
        tpu.wait_dma2 semaphore(%run_scoped3A : memref<!tpu.dma_semaphore, #tpu.memory_space<semaphore_mem>>) src(%arg2 : memref<10000x64xf32, #tpu.memory_space<hbm>>) dst(%arg11 : memref<10000x64xf32, #tpu.memory_space<vmem_shared>>)
        tpu.yield
      }) : () -> ()
    } else {
    }
    %barrier3A = arith.constant 0 : index
    tpu.barrier barrier_id(%barrier3A)
    %scan3A = arith.constant 0 : i32
    %scan3A_5 = arith.constant 0 : i32
    %scan3A_6 = arith.constant 79 : i32
    %scan3A_7 = arith.addi %scan3A_5, %scan3A_6 : i32
    %scan3A_8 = arith.constant 1 : i32
    scf.for %scan3A_15 = %scan3A_5 to %scan3A_7 step %scan3A_8  : i32 {
      %dma_start3A = arith.constant 0 : i32
      %dma_start3A_16 = tpu.memref_slice %arg7[%scan3A_15, %dma_start3A] : memref<79x128xi32, #tpu.memory_space<vmem>> -> memref<1x128xi32, #tpu.memory_space<vmem>>
      %dma_start3A_17 = tpu.memref_squeeze %dma_start3A_16 : memref<1x128xi32, #tpu.memory_space<vmem>> -> memref<128xi32, #tpu.memory_space<vmem>>
      %dma_start3A_18 = arith.constant 0 : i32
      %dma_start3A_19 = arith.constant 0 : i32
      %dma_start3A_20 = tpu.memref_slice %arg11[%dma_start3A_18, %dma_start3A_19] : memref<10000x64xf32, #tpu.memory_space<vmem_shared>> -> memref<10000x64xf32, #tpu.memory_space<vmem_shared>>
      tpu.enqueue_indirect_dma source(%dma_start3A_20 : memref<10000x64xf32, #tpu.memory_space<vmem_shared>>) target(%arg9 : memref<128x64xf32, #tpu.memory_space<vmem>>) offsets(%dma_start3A_17 : memref<128xi32, #tpu.memory_space<vmem>>) semaphore(%arg12 : memref<!tpu.dma_semaphore, #tpu.memory_space<semaphore_mem>>)
      %dma_wait3A = arith.constant 0 : i32
      %dma_wait3A_21 = tpu.memref_slice %arg7[%scan3A_15, %dma_wait3A] : memref<79x128xi32, #tpu.memory_space<vmem>> -> memref<1x128xi32, #tpu.memory_space<vmem>>
      %dma_wait3A_22 = tpu.memref_squeeze %dma_wait3A_21 : memref<1x128xi32, #tpu.memory_space<vmem>> -> memref<128xi32, #tpu.memory_space<vmem>>
      %dma_wait3A_23 = arith.constant 0 : i32
      %dma_wait3A_24 = arith.constant 0 : i32
      %dma_wait3A_25 = tpu.memref_slice %arg11[%dma_wait3A_23, %dma_wait3A_24] : memref<10000x64xf32, #tpu.memory_space<vmem_shared>> -> memref<10000x64xf32, #tpu.memory_space<vmem_shared>>
      tpu.wait_indirect_dma semaphore(%arg12 : memref<!tpu.dma_semaphore, #tpu.memory_space<semaphore_mem>>) src(%dma_wait3A_25 : memref<10000x64xf32, #tpu.memory_space<vmem_shared>>) dst(%arg9 : memref<128x64xf32, #tpu.memory_space<vmem>>)
      %mul3A_26 = arith.constant 1 : i32
      %mul3A_27 = arith.muli %scan3A_15, %mul3A_26 : i32
      %add3A = arith.constant 0 : i32
      %add3A_28 = arith.addi %mul3A_27, %add3A : i32
      %dma_start3A_29 = arith.constant 0 : i32
      %dma_start3A_30 = arith.constant 0 : i32
      %dma_start3A_31 = tpu.memref_slice %arg9[%dma_start3A_29, %dma_start3A_30] : memref<128x64xf32, #tpu.memory_space<vmem>> -> memref<128x64xf32, #tpu.memory_space<vmem>>
      %dma_start3A_32 = arith.constant 0 : i32
      %dma_start3A_33 = tpu.memref_slice %arg8[%add3A_28, %dma_start3A_32] : memref<79x128xi32, #tpu.memory_space<vmem>> -> memref<1x128xi32, #tpu.memory_space<vmem>>
      %dma_start3A_34 = tpu.memref_squeeze %dma_start3A_33 : memref<1x128xi32, #tpu.memory_space<vmem>> -> memref<128xi32, #tpu.memory_space<vmem>>
      %dma_start3A_35 = arith.constant 0 : i32
      %dma_start3A_36 = arith.constant 0 : i32
      %dma_start3A_37 = tpu.memref_slice %arg10[%dma_start3A_35, %dma_start3A_36] : memref<10112x64xf32, #tpu.memory_space<vmem_shared>> -> memref<10112x64xf32, #tpu.memory_space<vmem_shared>>
      tpu.enqueue_indirect_dma source(%dma_start3A_31 : memref<128x64xf32, #tpu.memory_space<vmem>>) target(%dma_start3A_37 : memref<10112x64xf32, #tpu.memory_space<vmem_shared>>) offsets(%dma_start3A_34 : memref<128xi32, #tpu.memory_space<vmem>>) semaphore(%arg12 : memref<!tpu.dma_semaphore, #tpu.memory_space<semaphore_mem>>) {add = true}
      %dma_wait3A_38 = arith.constant 0 : i32
      %dma_wait3A_39 = arith.constant 0 : i32
      %dma_wait3A_40 = tpu.memref_slice %arg9[%dma_wait3A_38, %dma_wait3A_39] : memref<128x64xf32, #tpu.memory_space<vmem>> -> memref<128x64xf32, #tpu.memory_space<vmem>>
      %dma_wait3A_41 = arith.constant 0 : i32
      %dma_wait3A_42 = tpu.memref_slice %arg8[%add3A_28, %dma_wait3A_41] : memref<79x128xi32, #tpu.memory_space<vmem>> -> memref<1x128xi32, #tpu.memory_space<vmem>>
      %dma_wait3A_43 = tpu.memref_squeeze %dma_wait3A_42 : memref<1x128xi32, #tpu.memory_space<vmem>> -> memref<128xi32, #tpu.memory_space<vmem>>
      %dma_wait3A_44 = arith.constant 0 : i32
      %dma_wait3A_45 = arith.constant 0 : i32
      %dma_wait3A_46 = tpu.memref_slice %arg10[%dma_wait3A_44, %dma_wait3A_45] : memref<10112x64xf32, #tpu.memory_space<vmem_shared>> -> memref<10112x64xf32, #tpu.memory_space<vmem_shared>>
      tpu.wait_indirect_dma semaphore(%arg12 : memref<!tpu.dma_semaphore, #tpu.memory_space<semaphore_mem>>) src(%dma_wait3A_40 : memref<128x64xf32, #tpu.memory_space<vmem>>) dst(%dma_wait3A_46 : memref<10112x64xf32, #tpu.memory_space<vmem_shared>>)
    }
    %scan3A_9 = arith.constant 79 : i32
    %barrier3A_10 = arith.constant 0 : index
    tpu.barrier barrier_id(%barrier3A_10)
    %mul3A_11 = arith.constant 632 : i32
    %mul3A_12 = arith.muli %arg1, %mul3A_11 : i32
    %mul3A_13 = arith.constant 632 : i32
    %mul3A_14 = arith.muli %arg1, %mul3A_13 : i32
    "tpu.region"() ({
      %run_scoped3A = tpu.sem_alloc : memref<!tpu.dma_semaphore, #tpu.memory_space<semaphore_mem>>
      %dma_start3A = arith.constant 0 : i32
      %dma_start3A_15 = tpu.memref_slice %arg6[%arg0, %mul3A_14, %dma_start3A] : memref<2x10112x64xf32, #tpu.memory_space<hbm>> -> memref<1x632x64xf32, #tpu.memory_space<hbm>>
      %dma_start3A_16 = tpu.memref_squeeze %dma_start3A_15 : memref<1x632x64xf32, #tpu.memory_space<hbm>> -> memref<632x64xf32, #tpu.memory_space<hbm>>
      %dma_start3A_17 = arith.constant 0 : i32
      %dma_start3A_18 = tpu.memref_slice %arg10[%mul3A_12, %dma_start3A_17] : memref<10112x64xf32, #tpu.memory_space<vmem_shared>> -> memref<632x64xf32, #tpu.memory_space<vmem_shared>>
      tpu.enqueue_dma source(%dma_start3A_18 : memref<632x64xf32, #tpu.memory_space<vmem_shared>>) target(%dma_start3A_16 : memref<632x64xf32, #tpu.memory_space<hbm>>) target_semaphore(%run_scoped3A : memref<!tpu.dma_semaphore, #tpu.memory_space<semaphore_mem>>)
      %dma_wait3A = arith.constant 0 : i32
      %dma_wait3A_19 = tpu.memref_slice %arg6[%arg0, %mul3A_14, %dma_wait3A] : memref<2x10112x64xf32, #tpu.memory_space<hbm>> -> memref<1x632x64xf32, #tpu.memory_space<hbm>>
      %dma_wait3A_20 = tpu.memref_squeeze %dma_wait3A_19 : memref<1x632x64xf32, #tpu.memory_space<hbm>> -> memref<632x64xf32, #tpu.memory_space<hbm>>
      %dma_wait3A_21 = arith.constant 0 : i32
      %dma_wait3A_22 = tpu.memref_slice %arg10[%mul3A_12, %dma_wait3A_21] : memref<10112x64xf32, #tpu.memory_space<vmem_shared>> -> memref<632x64xf32, #tpu.memory_space<vmem_shared>>
      tpu.wait_dma2 semaphore(%run_scoped3A : memref<!tpu.dma_semaphore, #tpu.memory_space<semaphore_mem>>) src(%dma_wait3A_22 : memref<632x64xf32, #tpu.memory_space<vmem_shared>>) dst(%dma_wait3A_20 : memref<632x64xf32, #tpu.memory_space<hbm>>)
      tpu.yield
    }) : () -> ()
    return
  }
}

#map = affine_map<(d0, d1) -> (0, 0)>
#map1 = affine_map<(d0, d1) -> (0, 0, 0, 0)>
#map2 = affine_map<(d0, d1) -> (0, 0, 0)>
module attributes {stable_mosaic.version = 14 : i64} {
  func.func @segsum_sc(%arg0: i32, %arg1: i32, %arg2: memref<10000x64xf32, #tpu.memory_space<hbm>>, %arg3: memref<2x16x79x128xi32, #tpu.memory_space<hbm>>, %arg4: memref<2x16x79x128xi32, #tpu.memory_space<hbm>>, %arg5: memref<10112x64xf32, #tpu.memory_space<hbm>>, %arg6: memref<2x10112x64xf32, #tpu.memory_space<hbm>>, %arg7: memref<79x128xi32, #tpu.memory_space<vmem>>, %arg8: memref<79x128xi32, #tpu.memory_space<vmem>>, %arg9: memref<128x64xf32, #tpu.memory_space<vmem>>, %arg10: memref<10112x64xf32, #tpu.memory_space<vmem_shared>>, %arg11: memref<10000x64xf32, #tpu.memory_space<vmem_shared>>, %arg12: memref<!tpu.dma_semaphore, #tpu.memory_space<semaphore_mem>>) attributes {dimension_semantics = [#tpu.dimension_semantics<core_parallel>, #tpu.dimension_semantics<subcore_parallel>], iteration_bounds = array<i64: 2, 16>, scalar_prefetch = 0 : i64, scratch_operands = 6 : i64, tpu.core_type = #tpu.core_type<sc_vector_subcore>, window_params = [{transform_indices = #map}, {transform_indices = #map1}, {transform_indices = #map1}, {transform_indices = #map}, {transform_indices = #map2}]} {
    "tpu.region"() ({
      %run_scoped3A = tpu.sem_alloc : memref<!tpu.dma_semaphore, #tpu.memory_space<semaphore_mem>>
      %dma_start3A = arith.constant 0 : i32
      %dma_start3A_15 = arith.constant 0 : i32
      %dma_start3A_16 = tpu.memref_slice %arg3[%arg0, %arg1, %dma_start3A, %dma_start3A_15] : memref<2x16x79x128xi32, #tpu.memory_space<hbm>> -> memref<1x1x79x128xi32, #tpu.memory_space<hbm>>
      %dma_start3A_17 = tpu.memref_squeeze %dma_start3A_16 : memref<1x1x79x128xi32, #tpu.memory_space<hbm>> -> memref<79x128xi32, #tpu.memory_space<hbm>>
      %dma_start3A_18 = arith.constant 0 : i32
      %dma_start3A_19 = arith.constant 0 : i32
      %dma_start3A_20 = tpu.memref_slice %arg3[%arg0, %arg1, %dma_start3A_18, %dma_start3A_19] : memref<2x16x79x128xi32, #tpu.memory_space<hbm>> -> memref<1x1x79x128xi32, #tpu.memory_space<hbm>>
      %dma_start3A_21 = tpu.memref_squeeze %dma_start3A_20 : memref<1x1x79x128xi32, #tpu.memory_space<hbm>> -> memref<79x128xi32, #tpu.memory_space<hbm>>
      tpu.enqueue_dma source(%dma_start3A_21 : memref<79x128xi32, #tpu.memory_space<hbm>>) target(%arg7 : memref<79x128xi32, #tpu.memory_space<vmem>>) target_semaphore(%run_scoped3A : memref<!tpu.dma_semaphore, #tpu.memory_space<semaphore_mem>>)
      %dma_wait3A = arith.constant 0 : i32
      %dma_wait3A_22 = arith.constant 0 : i32
      %dma_wait3A_23 = tpu.memref_slice %arg3[%arg0, %arg1, %dma_wait3A, %dma_wait3A_22] : memref<2x16x79x128xi32, #tpu.memory_space<hbm>> -> memref<1x1x79x128xi32, #tpu.memory_space<hbm>>
      %dma_wait3A_24 = tpu.memref_squeeze %dma_wait3A_23 : memref<1x1x79x128xi32, #tpu.memory_space<hbm>> -> memref<79x128xi32, #tpu.memory_space<hbm>>
      %dma_wait3A_25 = arith.constant 0 : i32
      %dma_wait3A_26 = arith.constant 0 : i32
      %dma_wait3A_27 = tpu.memref_slice %arg3[%arg0, %arg1, %dma_wait3A_25, %dma_wait3A_26] : memref<2x16x79x128xi32, #tpu.memory_space<hbm>> -> memref<1x1x79x128xi32, #tpu.memory_space<hbm>>
      %dma_wait3A_28 = tpu.memref_squeeze %dma_wait3A_27 : memref<1x1x79x128xi32, #tpu.memory_space<hbm>> -> memref<79x128xi32, #tpu.memory_space<hbm>>
      tpu.wait_dma2 semaphore(%run_scoped3A : memref<!tpu.dma_semaphore, #tpu.memory_space<semaphore_mem>>) src(%dma_wait3A_28 : memref<79x128xi32, #tpu.memory_space<hbm>>) dst(%arg7 : memref<79x128xi32, #tpu.memory_space<vmem>>)
      tpu.yield
    }) : () -> ()
    "tpu.region"() ({
      %run_scoped3A = tpu.sem_alloc : memref<!tpu.dma_semaphore, #tpu.memory_space<semaphore_mem>>
      %dma_start3A = arith.constant 0 : i32
      %dma_start3A_15 = arith.constant 0 : i32
      %dma_start3A_16 = tpu.memref_slice %arg4[%arg0, %arg1, %dma_start3A, %dma_start3A_15] : memref<2x16x79x128xi32, #tpu.memory_space<hbm>> -> memref<1x1x79x128xi32, #tpu.memory_space<hbm>>
      %dma_start3A_17 = tpu.memref_squeeze %dma_start3A_16 : memref<1x1x79x128xi32, #tpu.memory_space<hbm>> -> memref<79x128xi32, #tpu.memory_space<hbm>>
      %dma_start3A_18 = arith.constant 0 : i32
      %dma_start3A_19 = arith.constant 0 : i32
      %dma_start3A_20 = tpu.memref_slice %arg4[%arg0, %arg1, %dma_start3A_18, %dma_start3A_19] : memref<2x16x79x128xi32, #tpu.memory_space<hbm>> -> memref<1x1x79x128xi32, #tpu.memory_space<hbm>>
      %dma_start3A_21 = tpu.memref_squeeze %dma_start3A_20 : memref<1x1x79x128xi32, #tpu.memory_space<hbm>> -> memref<79x128xi32, #tpu.memory_space<hbm>>
      tpu.enqueue_dma source(%dma_start3A_21 : memref<79x128xi32, #tpu.memory_space<hbm>>) target(%arg8 : memref<79x128xi32, #tpu.memory_space<vmem>>) target_semaphore(%run_scoped3A : memref<!tpu.dma_semaphore, #tpu.memory_space<semaphore_mem>>)
      %dma_wait3A = arith.constant 0 : i32
      %dma_wait3A_22 = arith.constant 0 : i32
      %dma_wait3A_23 = tpu.memref_slice %arg4[%arg0, %arg1, %dma_wait3A, %dma_wait3A_22] : memref<2x16x79x128xi32, #tpu.memory_space<hbm>> -> memref<1x1x79x128xi32, #tpu.memory_space<hbm>>
      %dma_wait3A_24 = tpu.memref_squeeze %dma_wait3A_23 : memref<1x1x79x128xi32, #tpu.memory_space<hbm>> -> memref<79x128xi32, #tpu.memory_space<hbm>>
      %dma_wait3A_25 = arith.constant 0 : i32
      %dma_wait3A_26 = arith.constant 0 : i32
      %dma_wait3A_27 = tpu.memref_slice %arg4[%arg0, %arg1, %dma_wait3A_25, %dma_wait3A_26] : memref<2x16x79x128xi32, #tpu.memory_space<hbm>> -> memref<1x1x79x128xi32, #tpu.memory_space<hbm>>
      %dma_wait3A_28 = tpu.memref_squeeze %dma_wait3A_27 : memref<1x1x79x128xi32, #tpu.memory_space<hbm>> -> memref<79x128xi32, #tpu.memory_space<hbm>>
      tpu.wait_dma2 semaphore(%run_scoped3A : memref<!tpu.dma_semaphore, #tpu.memory_space<semaphore_mem>>) src(%dma_wait3A_28 : memref<79x128xi32, #tpu.memory_space<hbm>>) dst(%arg8 : memref<79x128xi32, #tpu.memory_space<vmem>>)
      tpu.yield
    }) : () -> ()
    %mul3A = arith.constant 632 : i32
    %mul3A_0 = arith.muli %arg1, %mul3A : i32
    %mul3A_1 = arith.constant 632 : i32
    %mul3A_2 = arith.muli %arg1, %mul3A_1 : i32
    "tpu.region"() ({
      %run_scoped3A = tpu.sem_alloc : memref<!tpu.dma_semaphore, #tpu.memory_space<semaphore_mem>>
      %dma_start3A = arith.constant 0 : i32
      %dma_start3A_15 = tpu.memref_slice %arg10[%mul3A_2, %dma_start3A] : memref<10112x64xf32, #tpu.memory_space<vmem_shared>> -> memref<632x64xf32, #tpu.memory_space<vmem_shared>>
      %dma_start3A_16 = arith.constant 0 : i32
      %dma_start3A_17 = tpu.memref_slice %arg5[%mul3A_0, %dma_start3A_16] : memref<10112x64xf32, #tpu.memory_space<hbm>> -> memref<632x64xf32, #tpu.memory_space<hbm>>
      tpu.enqueue_dma source(%dma_start3A_17 : memref<632x64xf32, #tpu.memory_space<hbm>>) target(%dma_start3A_15 : memref<632x64xf32, #tpu.memory_space<vmem_shared>>) target_semaphore(%run_scoped3A : memref<!tpu.dma_semaphore, #tpu.memory_space<semaphore_mem>>)
      %dma_wait3A = arith.constant 0 : i32
      %dma_wait3A_18 = tpu.memref_slice %arg10[%mul3A_2, %dma_wait3A] : memref<10112x64xf32, #tpu.memory_space<vmem_shared>> -> memref<632x64xf32, #tpu.memory_space<vmem_shared>>
      %dma_wait3A_19 = arith.constant 0 : i32
      %dma_wait3A_20 = tpu.memref_slice %arg5[%mul3A_0, %dma_wait3A_19] : memref<10112x64xf32, #tpu.memory_space<hbm>> -> memref<632x64xf32, #tpu.memory_space<hbm>>
      tpu.wait_dma2 semaphore(%run_scoped3A : memref<!tpu.dma_semaphore, #tpu.memory_space<semaphore_mem>>) src(%dma_wait3A_20 : memref<632x64xf32, #tpu.memory_space<hbm>>) dst(%dma_wait3A_18 : memref<632x64xf32, #tpu.memory_space<vmem_shared>>)
      tpu.yield
    }) : () -> ()
    %eq3A = arith.constant 0 : i32
    %eq3A_3 = arith.cmpi eq, %arg1, %eq3A : i32
    %convert_element_type3A = arith.extui %eq3A_3 : i1 to i32
    %cond3A = arith.constant 0 : i32
    %cond3A_4 = arith.cmpi ne, %convert_element_type3A, %cond3A : i32
    scf.if %cond3A_4 {
      "tpu.region"() ({
        %run_scoped3A = tpu.sem_alloc : memref<!tpu.dma_semaphore, #tpu.memory_space<semaphore_mem>>
        tpu.enqueue_dma source(%arg2 : memref<10000x64xf32, #tpu.memory_space<hbm>>) target(%arg11 : memref<10000x64xf32, #tpu.memory_space<vmem_shared>>) target_semaphore(%run_scoped3A : memref<!tpu.dma_semaphore, #tpu.memory_space<semaphore_mem>>)
        tpu.wait_dma2 semaphore(%run_scoped3A : memref<!tpu.dma_semaphore, #tpu.memory_space<semaphore_mem>>) src(%arg2 : memref<10000x64xf32, #tpu.memory_space<hbm>>) dst(%arg11 : memref<10000x64xf32, #tpu.memory_space<vmem_shared>>)
        tpu.yield
      }) : () -> ()
    } else {
    }
    %barrier3A = arith.constant 0 : index
    tpu.barrier barrier_id(%barrier3A)
    %scan3A = arith.constant 0 : i32
    %scan3A_5 = arith.constant 0 : i32
    %scan3A_6 = arith.constant 79 : i32
    %scan3A_7 = arith.addi %scan3A_5, %scan3A_6 : i32
    %scan3A_8 = arith.constant 1 : i32
    scf.for %scan3A_15 = %scan3A_5 to %scan3A_7 step %scan3A_8  : i32 {
      %dma_start3A = arith.constant 0 : i32
      %dma_start3A_16 = tpu.memref_slice %arg7[%scan3A_15, %dma_start3A] : memref<79x128xi32, #tpu.memory_space<vmem>> -> memref<1x128xi32, #tpu.memory_space<vmem>>
      %dma_start3A_17 = tpu.memref_squeeze %dma_start3A_16 : memref<1x128xi32, #tpu.memory_space<vmem>> -> memref<128xi32, #tpu.memory_space<vmem>>
      %dma_start3A_18 = arith.constant 0 : i32
      %dma_start3A_19 = arith.constant 0 : i32
      %dma_start3A_20 = tpu.memref_slice %arg11[%dma_start3A_18, %dma_start3A_19] : memref<10000x64xf32, #tpu.memory_space<vmem_shared>> -> memref<10000x64xf32, #tpu.memory_space<vmem_shared>>
      tpu.enqueue_indirect_dma source(%dma_start3A_20 : memref<10000x64xf32, #tpu.memory_space<vmem_shared>>) target(%arg9 : memref<128x64xf32, #tpu.memory_space<vmem>>) offsets(%dma_start3A_17 : memref<128xi32, #tpu.memory_space<vmem>>) semaphore(%arg12 : memref<!tpu.dma_semaphore, #tpu.memory_space<semaphore_mem>>)
      %dma_wait3A = arith.constant 0 : i32
      %dma_wait3A_21 = tpu.memref_slice %arg7[%scan3A_15, %dma_wait3A] : memref<79x128xi32, #tpu.memory_space<vmem>> -> memref<1x128xi32, #tpu.memory_space<vmem>>
      %dma_wait3A_22 = tpu.memref_squeeze %dma_wait3A_21 : memref<1x128xi32, #tpu.memory_space<vmem>> -> memref<128xi32, #tpu.memory_space<vmem>>
      %dma_wait3A_23 = arith.constant 0 : i32
      %dma_wait3A_24 = arith.constant 0 : i32
      %dma_wait3A_25 = tpu.memref_slice %arg11[%dma_wait3A_23, %dma_wait3A_24] : memref<10000x64xf32, #tpu.memory_space<vmem_shared>> -> memref<10000x64xf32, #tpu.memory_space<vmem_shared>>
      tpu.wait_indirect_dma semaphore(%arg12 : memref<!tpu.dma_semaphore, #tpu.memory_space<semaphore_mem>>) src(%dma_wait3A_25 : memref<10000x64xf32, #tpu.memory_space<vmem_shared>>) dst(%arg9 : memref<128x64xf32, #tpu.memory_space<vmem>>)
      %mul3A_26 = arith.constant 1 : i32
      %mul3A_27 = arith.muli %scan3A_15, %mul3A_26 : i32
      %add3A = arith.constant 0 : i32
      %add3A_28 = arith.addi %mul3A_27, %add3A : i32
      %dma_start3A_29 = arith.constant 0 : i32
      %dma_start3A_30 = arith.constant 0 : i32
      %dma_start3A_31 = tpu.memref_slice %arg9[%dma_start3A_29, %dma_start3A_30] : memref<128x64xf32, #tpu.memory_space<vmem>> -> memref<128x64xf32, #tpu.memory_space<vmem>>
      %dma_start3A_32 = arith.constant 0 : i32
      %dma_start3A_33 = tpu.memref_slice %arg8[%add3A_28, %dma_start3A_32] : memref<79x128xi32, #tpu.memory_space<vmem>> -> memref<1x128xi32, #tpu.memory_space<vmem>>
      %dma_start3A_34 = tpu.memref_squeeze %dma_start3A_33 : memref<1x128xi32, #tpu.memory_space<vmem>> -> memref<128xi32, #tpu.memory_space<vmem>>
      %dma_start3A_35 = arith.constant 0 : i32
      %dma_start3A_36 = arith.constant 0 : i32
      %dma_start3A_37 = tpu.memref_slice %arg10[%dma_start3A_35, %dma_start3A_36] : memref<10112x64xf32, #tpu.memory_space<vmem_shared>> -> memref<10112x64xf32, #tpu.memory_space<vmem_shared>>
      tpu.enqueue_indirect_dma source(%dma_start3A_31 : memref<128x64xf32, #tpu.memory_space<vmem>>) target(%dma_start3A_37 : memref<10112x64xf32, #tpu.memory_space<vmem_shared>>) offsets(%dma_start3A_34 : memref<128xi32, #tpu.memory_space<vmem>>) semaphore(%arg12 : memref<!tpu.dma_semaphore, #tpu.memory_space<semaphore_mem>>) {add = true}
      %dma_wait3A_38 = arith.constant 0 : i32
      %dma_wait3A_39 = arith.constant 0 : i32
      %dma_wait3A_40 = tpu.memref_slice %arg9[%dma_wait3A_38, %dma_wait3A_39] : memref<128x64xf32, #tpu.memory_space<vmem>> -> memref<128x64xf32, #tpu.memory_space<vmem>>
      %dma_wait3A_41 = arith.constant 0 : i32
      %dma_wait3A_42 = tpu.memref_slice %arg8[%add3A_28, %dma_wait3A_41] : memref<79x128xi32, #tpu.memory_space<vmem>> -> memref<1x128xi32, #tpu.memory_space<vmem>>
      %dma_wait3A_43 = tpu.memref_squeeze %dma_wait3A_42 : memref<1x128xi32, #tpu.memory_space<vmem>> -> memref<128xi32, #tpu.memory_space<vmem>>
      %dma_wait3A_44 = arith.constant 0 : i32
      %dma_wait3A_45 = arith.constant 0 : i32
      %dma_wait3A_46 = tpu.memref_slice %arg10[%dma_wait3A_44, %dma_wait3A_45] : memref<10112x64xf32, #tpu.memory_space<vmem_shared>> -> memref<10112x64xf32, #tpu.memory_space<vmem_shared>>
      tpu.wait_indirect_dma semaphore(%arg12 : memref<!tpu.dma_semaphore, #tpu.memory_space<semaphore_mem>>) src(%dma_wait3A_40 : memref<128x64xf32, #tpu.memory_space<vmem>>) dst(%dma_wait3A_46 : memref<10112x64xf32, #tpu.memory_space<vmem_shared>>)
    }
    %scan3A_9 = arith.constant 79 : i32
    %barrier3A_10 = arith.constant 0 : index
    tpu.barrier barrier_id(%barrier3A_10)
    %mul3A_11 = arith.constant 632 : i32
    %mul3A_12 = arith.muli %arg1, %mul3A_11 : i32
    %mul3A_13 = arith.constant 632 : i32
    %mul3A_14 = arith.muli %arg1, %mul3A_13 : i32
    "tpu.region"() ({
      %run_scoped3A = tpu.sem_alloc : memref<!tpu.dma_semaphore, #tpu.memory_space<semaphore_mem>>
      %dma_start3A = arith.constant 0 : i32
      %dma_start3A_15 = tpu.memref_slice %arg6[%arg0, %mul3A_14, %dma_start3A] : memref<2x10112x64xf32, #tpu.memory_space<hbm>> -> memref<1x632x64xf32, #tpu.memory_space<hbm>>
      %dma_start3A_16 = tpu.memref_squeeze %dma_start3A_15 : memref<1x632x64xf32, #tpu.memory_space<hbm>> -> memref<632x64xf32, #tpu.memory_space<hbm>>
      %dma_start3A_17 = arith.constant 0 : i32
      %dma_start3A_18 = tpu.memref_slice %arg10[%mul3A_12, %dma_start3A_17] : memref<10112x64xf32, #tpu.memory_space<vmem_shared>> -> memref<632x64xf32, #tpu.memory_space<vmem_shared>>
      tpu.enqueue_dma source(%dma_start3A_18 : memref<632x64xf32, #tpu.memory_space<vmem_shared>>) target(%dma_start3A_16 : memref<632x64xf32, #tpu.memory_space<hbm>>) target_semaphore(%run_scoped3A : memref<!tpu.dma_semaphore, #tpu.memory_space<semaphore_mem>>)
      %dma_wait3A = arith.constant 0 : i32
      %dma_wait3A_19 = tpu.memref_slice %arg6[%arg0, %mul3A_14, %dma_wait3A] : memref<2x10112x64xf32, #tpu.memory_space<hbm>> -> memref<1x632x64xf32, #tpu.memory_space<hbm>>
      %dma_wait3A_20 = tpu.memref_squeeze %dma_wait3A_19 : memref<1x632x64xf32, #tpu.memory_space<hbm>> -> memref<632x64xf32, #tpu.memory_space<hbm>>
      %dma_wait3A_21 = arith.constant 0 : i32
      %dma_wait3A_22 = tpu.memref_slice %arg10[%mul3A_12, %dma_wait3A_21] : memref<10112x64xf32, #tpu.memory_space<vmem_shared>> -> memref<632x64xf32, #tpu.memory_space<vmem_shared>>
      tpu.wait_dma2 semaphore(%run_scoped3A : memref<!tpu.dma_semaphore, #tpu.memory_space<semaphore_mem>>) src(%dma_wait3A_22 : memref<632x64xf32, #tpu.memory_space<vmem_shared>>) dst(%dma_wait3A_20 : memref<632x64xf32, #tpu.memory_space<hbm>>)
      tpu.yield
    }) : () -> ()
    return
  }
}

module attributes {stable_mosaic.version = 14 : i64} {
  func.func @_step0_body(%arg0: i32, %arg1: memref<2000x16xf32, #tpu.memory_space<vmem>>, %arg2: memref<16x256xf32, #tpu.memory_space<vmem>>, %arg3: memref<64x256xf32, #tpu.memory_space<vmem>>, %arg4: memref<1x256xf32, #tpu.memory_space<vmem>>, %arg5: memref<1x64xf32, #tpu.memory_space<vmem>>, %arg6: memref<2000x64xf32, #tpu.memory_space<vmem>>, %arg7: memref<2000x64xf32, #tpu.memory_space<vmem>>) attributes {dimension_semantics = [#tpu.dimension_semantics<arbitrary>], iteration_bounds = array<i64: 5>, scalar_prefetch = 0 : i64, scratch_operands = 0 : i64, tpu.core_type = #tpu.core_type<tc>, window_params = [{transform_indices = @transform_0, window_bounds = array<i64: 2000, 16>}, {pipeline_mode = #tpu.pipeline_mode<synchronous>, transform_indices = @transform_1, window_bounds = array<i64: 16, 256>}, {pipeline_mode = #tpu.pipeline_mode<synchronous>, transform_indices = @transform_2, window_bounds = array<i64: 64, 256>}, {pipeline_mode = #tpu.pipeline_mode<synchronous>, transform_indices = @transform_3, window_bounds = array<i64: 1, 256>}, {pipeline_mode = #tpu.pipeline_mode<synchronous>, transform_indices = @transform_4, window_bounds = array<i64: 1, 64>}, {transform_indices = @transform_5, window_bounds = array<i64: 2000, 64>}, {transform_indices = @transform_6, window_bounds = array<i64: 2000, 64>}]} {
    %get3A = arith.constant 0 : index
    %get3A_0 = arith.constant 0 : index
    %get3A_1 = vector.load %arg5[%get3A, %get3A_0] : memref<1x64xf32, #tpu.memory_space<vmem>>, vector<1x64xf32>
    %broadcast_in_dim3A = vector.shape_cast %get3A_1 : vector<1x64xf32> to vector<1x64xf32>
    %broadcast_in_dim3A_2 = vector.broadcast %broadcast_in_dim3A : vector<1x64xf32> to vector<2000x64xf32>
    %get3A_3 = arith.constant 0 : index
    %get3A_4 = arith.constant 0 : index
    %get3A_5 = vector.load %arg1[%get3A_3, %get3A_4] : memref<2000x16xf32, #tpu.memory_space<vmem>>, vector<2000x16xf32>
    %get3A_6 = arith.constant 0 : index
    %get3A_7 = arith.constant 0 : index
    %get3A_8 = vector.load %arg2[%get3A_6, %get3A_7] : memref<16x256xf32, #tpu.memory_space<vmem>>, vector<16x256xf32>
    %dot_general3A = arith.constant dense<0.000000e+00> : vector<2000x256xf32>
    %dot_general3A_9 = tpu.matmul %get3A_5, %get3A_8, %dot_general3A {dimension_numbers = #tpu.dot_dimension_numbers<[1], [0], [0], [1], [0, 0, 1, 1], [], []>, transpose_lhs_hint = false} : vector<2000x16xf32>, vector<16x256xf32>, vector<2000x256xf32> -> vector<2000x256xf32>
    %get3A_10 = arith.constant 0 : index
    %get3A_11 = arith.constant 0 : index
    %get3A_12 = vector.load %arg3[%get3A_10, %get3A_11] : memref<64x256xf32, #tpu.memory_space<vmem>>, vector<64x256xf32>
    %dot_general3A_13 = arith.constant dense<0.000000e+00> : vector<2000x256xf32>
    %dot_general3A_14 = tpu.matmul %broadcast_in_dim3A_2, %get3A_12, %dot_general3A_13 {dimension_numbers = #tpu.dot_dimension_numbers<[1], [0], [0], [1], [0, 0, 1, 1], [], []>, transpose_lhs_hint = false} : vector<2000x64xf32>, vector<64x256xf32>, vector<2000x256xf32> -> vector<2000x256xf32>
    %add3A = arith.addf %dot_general3A_9, %dot_general3A_14 : vector<2000x256xf32>
    %get3A_15 = arith.constant 0 : index
    %get3A_16 = arith.constant 0 : index
    %get3A_17 = vector.load %arg4[%get3A_15, %get3A_16] : memref<1x256xf32, #tpu.memory_space<vmem>>, vector<1x256xf32>
    %add3A_18 = vector.broadcast %get3A_17 : vector<1x256xf32> to vector<2000x256xf32>
    %add3A_19 = arith.addf %add3A, %add3A_18 : vector<2000x256xf32>
    %broadcast_in_dim3A_20 = arith.constant 0.000000e+00 : f32
    %broadcast_in_dim3A_21 = vector.broadcast %broadcast_in_dim3A_20 : f32 to vector<2000x64xf32>
    %slice3A = vector.extract_strided_slice %add3A_19 {offsets = [0, 0], sizes = [2000, 64], strides = [1, 1]} : vector<2000x256xf32> to vector<2000x64xf32>
    %slice3A_22 = vector.extract_strided_slice %add3A_19 {offsets = [0, 64], sizes = [2000, 64], strides = [1, 1]} : vector<2000x256xf32> to vector<2000x64xf32>
    %slice3A_23 = vector.extract_strided_slice %add3A_19 {offsets = [0, 128], sizes = [2000, 64], strides = [1, 1]} : vector<2000x256xf32> to vector<2000x64xf32>
    %slice3A_24 = vector.extract_strided_slice %add3A_19 {offsets = [0, 192], sizes = [2000, 64], strides = [1, 1]} : vector<2000x256xf32> to vector<2000x64xf32>
    %logistic3A = arith.negf %slice3A_22 : vector<2000x64xf32>
    %logistic3A_25 = math.exp %logistic3A : vector<2000x64xf32>
    %logistic3A_26 = arith.constant 1.000000e+00 : f32
    %logistic3A_27 = vector.broadcast %logistic3A_26 : f32 to vector<2000x64xf32>
    %logistic3A_28 = arith.addf %logistic3A_27, %logistic3A_25 : vector<2000x64xf32>
    %logistic3A_29 = arith.divf %logistic3A_27, %logistic3A_28 : vector<2000x64xf32>
    %mul3A = arith.mulf %logistic3A_29, %broadcast_in_dim3A_21 : vector<2000x64xf32>
    %logistic3A_30 = arith.negf %slice3A : vector<2000x64xf32>
    %logistic3A_31 = math.exp %logistic3A_30 : vector<2000x64xf32>
    %logistic3A_32 = arith.constant 1.000000e+00 : f32
    %logistic3A_33 = vector.broadcast %logistic3A_32 : f32 to vector<2000x64xf32>
    %logistic3A_34 = arith.addf %logistic3A_33, %logistic3A_31 : vector<2000x64xf32>
    %logistic3A_35 = arith.divf %logistic3A_33, %logistic3A_34 : vector<2000x64xf32>
    %tanh3A = math.tanh %slice3A_23 : vector<2000x64xf32>
    %mul3A_36 = arith.mulf %logistic3A_35, %tanh3A : vector<2000x64xf32>
    %add3A_37 = arith.addf %mul3A, %mul3A_36 : vector<2000x64xf32>
    %logistic3A_38 = arith.negf %slice3A_24 : vector<2000x64xf32>
    %logistic3A_39 = math.exp %logistic3A_38 : vector<2000x64xf32>
    %logistic3A_40 = arith.constant 1.000000e+00 : f32
    %logistic3A_41 = vector.broadcast %logistic3A_40 : f32 to vector<2000x64xf32>
    %logistic3A_42 = arith.addf %logistic3A_41, %logistic3A_39 : vector<2000x64xf32>
    %logistic3A_43 = arith.divf %logistic3A_41, %logistic3A_42 : vector<2000x64xf32>
    %tanh3A_44 = math.tanh %add3A_37 : vector<2000x64xf32>
    %mul3A_45 = arith.mulf %logistic3A_43, %tanh3A_44 : vector<2000x64xf32>
    %swap3A = arith.constant 0 : index
    %swap3A_46 = arith.constant 0 : index
    %swap3A_47 = vector.load %arg6[%swap3A, %swap3A_46] : memref<2000x64xf32, #tpu.memory_space<vmem>>, vector<2000x64xf32>
    tpu.vector_store %arg6[%swap3A, %swap3A_46], %mul3A_45 {strides = array<i32>} : memref<2000x64xf32, #tpu.memory_space<vmem>>, vector<2000x64xf32>,
    %swap3A_48 = arith.constant 0 : index
    %swap3A_49 = arith.constant 0 : index
    %swap3A_50 = vector.load %arg7[%swap3A_48, %swap3A_49] : memref<2000x64xf32, #tpu.memory_space<vmem>>, vector<2000x64xf32>
    tpu.vector_store %arg7[%swap3A_48, %swap3A_49], %add3A_37 {strides = array<i32>} : memref<2000x64xf32, #tpu.memory_space<vmem>>, vector<2000x64xf32>,
    return
  }
  func.func @transform_0(%arg0: i32) -> (i32, i32) {
    %c0_i32 = arith.constant 0 : i32
    %c0_i32_0 = arith.constant 0 : i32
    return %arg0, %c0_i32 : i32, i32
  }
  func.func @transform_1(%arg0: i32) -> (i32, i32) {
    %c0_i32 = arith.constant 0 : i32
    %c0_i32_0 = arith.constant 0 : i32
    %c0_i32_1 = arith.constant 0 : i32
    return %c0_i32, %c0_i32_0 : i32, i32
  }
  func.func @transform_2(%arg0: i32) -> (i32, i32) {
    %c0_i32 = arith.constant 0 : i32
    %c0_i32_0 = arith.constant 0 : i32
    %c0_i32_1 = arith.constant 0 : i32
    return %c0_i32, %c0_i32_0 : i32, i32
  }
  func.func @transform_3(%arg0: i32) -> (i32, i32) {
    %c0_i32 = arith.constant 0 : i32
    %c0_i32_0 = arith.constant 0 : i32
    %c0_i32_1 = arith.constant 0 : i32
    return %c0_i32, %c0_i32_0 : i32, i32
  }
  func.func @transform_4(%arg0: i32) -> (i32, i32) {
    %c0_i32 = arith.constant 0 : i32
    %c0_i32_0 = arith.constant 0 : i32
    %c0_i32_1 = arith.constant 0 : i32
    return %c0_i32, %c0_i32_0 : i32, i32
  }
  func.func @transform_5(%arg0: i32) -> (i32, i32) {
    %c0_i32 = arith.constant 0 : i32
    %c0_i32_0 = arith.constant 0 : i32
    return %arg0, %c0_i32 : i32, i32
  }
  func.func @transform_6(%arg0: i32) -> (i32, i32) {
    %c0_i32 = arith.constant 0 : i32
    %c0_i32_0 = arith.constant 0 : i32
    return %arg0, %c0_i32 : i32, i32
  }
}

module attributes {stable_mosaic.version = 14 : i64} {
  func.func @_step_body(%arg0: i32, %arg1: memref<2000x16xf32, #tpu.memory_space<vmem>>, %arg2: memref<2000x64xf32, #tpu.memory_space<vmem>>, %arg3: memref<2000x64xf32, #tpu.memory_space<vmem>>, %arg4: memref<2000x64xf32, #tpu.memory_space<vmem>>, %arg5: memref<2000x64xf32, #tpu.memory_space<vmem>>, %arg6: memref<64x64xf32, #tpu.memory_space<vmem>>, %arg7: memref<64x64xf32, #tpu.memory_space<vmem>>, %arg8: memref<16x256xf32, #tpu.memory_space<vmem>>, %arg9: memref<64x256xf32, #tpu.memory_space<vmem>>, %arg10: memref<64x256xf32, #tpu.memory_space<vmem>>, %arg11: memref<1x256xf32, #tpu.memory_space<vmem>>, %arg12: memref<1x64xf32, #tpu.memory_space<vmem>>, %arg13: memref<2000x64xf32, #tpu.memory_space<vmem>>, %arg14: memref<2000x64xf32, #tpu.memory_space<vmem>>) attributes {dimension_semantics = [#tpu.dimension_semantics<arbitrary>], iteration_bounds = array<i64: 5>, scalar_prefetch = 0 : i64, scratch_operands = 0 : i64, tpu.core_type = #tpu.core_type<tc>, window_params = [{transform_indices = @transform_0, window_bounds = array<i64: 2000, 16>}, {transform_indices = @transform_1, window_bounds = array<i64: 2000, 64>}, {transform_indices = @transform_2, window_bounds = array<i64: 2000, 64>}, {transform_indices = @transform_3, window_bounds = array<i64: 2000, 64>}, {transform_indices = @transform_4, window_bounds = array<i64: 2000, 64>}, {pipeline_mode = #tpu.pipeline_mode<synchronous>, transform_indices = @transform_5, window_bounds = array<i64: 64, 64>}, {pipeline_mode = #tpu.pipeline_mode<synchronous>, transform_indices = @transform_6, window_bounds = array<i64: 64, 64>}, {pipeline_mode = #tpu.pipeline_mode<synchronous>, transform_indices = @transform_7, window_bounds = array<i64: 16, 256>}, {pipeline_mode = #tpu.pipeline_mode<synchronous>, transform_indices = @transform_8, window_bounds = array<i64: 64, 256>}, {pipeline_mode = #tpu.pipeline_mode<synchronous>, transform_indices = @transform_9, window_bounds = array<i64: 64, 256>}, {pipeline_mode = #tpu.pipeline_mode<synchronous>, transform_indices = @transform_10, window_bounds = array<i64: 1, 256>}, {pipeline_mode = #tpu.pipeline_mode<synchronous>, transform_indices = @transform_11, window_bounds = array<i64: 1, 64>}, {transform_indices = @transform_12, window_bounds = array<i64: 2000, 64>}, {transform_indices = @transform_13, window_bounds = array<i64: 2000, 64>}]} {
    %get3A = arith.constant 0 : index
    %get3A_0 = arith.constant 0 : index
    %get3A_1 = vector.load %arg2[%get3A, %get3A_0] : memref<2000x64xf32, #tpu.memory_space<vmem>>, vector<2000x64xf32>
    %get3A_2 = arith.constant 0 : index
    %get3A_3 = arith.constant 0 : index
    %get3A_4 = vector.load %arg4[%get3A_2, %get3A_3] : memref<2000x64xf32, #tpu.memory_space<vmem>>, vector<2000x64xf32>
    %get3A_5 = arith.constant 0 : index
    %get3A_6 = arith.constant 0 : index
    %get3A_7 = vector.load %arg5[%get3A_5, %get3A_6] : memref<2000x64xf32, #tpu.memory_space<vmem>>, vector<2000x64xf32>
    %add3A = arith.addf %get3A_4, %get3A_7 : vector<2000x64xf32>
    %get3A_8 = arith.constant 0 : index
    %get3A_9 = arith.constant 0 : index
    %get3A_10 = vector.load %arg6[%get3A_8, %get3A_9] : memref<64x64xf32, #tpu.memory_space<vmem>>, vector<64x64xf32>
    %dot_general3A = arith.constant dense<0.000000e+00> : vector<2000x64xf32>
    %dot_general3A_11 = tpu.matmul %add3A, %get3A_10, %dot_general3A {dimension_numbers = #tpu.dot_dimension_numbers<[1], [0], [0], [1], [0, 0, 1, 1], [], []>, transpose_lhs_hint = false} : vector<2000x64xf32>, vector<64x64xf32>, vector<2000x64xf32> -> vector<2000x64xf32>
    %get3A_12 = arith.constant 0 : index
    %get3A_13 = arith.constant 0 : index
    %get3A_14 = vector.load %arg7[%get3A_12, %get3A_13] : memref<64x64xf32, #tpu.memory_space<vmem>>, vector<64x64xf32>
    %dot_general3A_15 = arith.constant dense<0.000000e+00> : vector<2000x64xf32>
    %dot_general3A_16 = tpu.matmul %get3A_1, %get3A_14, %dot_general3A_15 {dimension_numbers = #tpu.dot_dimension_numbers<[1], [0], [0], [1], [0, 0, 1, 1], [], []>, transpose_lhs_hint = false} : vector<2000x64xf32>, vector<64x64xf32>, vector<2000x64xf32> -> vector<2000x64xf32>
    %add3A_17 = arith.addf %dot_general3A_11, %dot_general3A_16 : vector<2000x64xf32>
    %get3A_18 = arith.constant 0 : index
    %get3A_19 = arith.constant 0 : index
    %get3A_20 = vector.load %arg12[%get3A_18, %get3A_19] : memref<1x64xf32, #tpu.memory_space<vmem>>, vector<1x64xf32>
    %add3A_21 = vector.broadcast %get3A_20 : vector<1x64xf32> to vector<2000x64xf32>
    %add3A_22 = arith.addf %add3A_17, %add3A_21 : vector<2000x64xf32>
    %get3A_23 = arith.constant 0 : index
    %get3A_24 = arith.constant 0 : index
    %get3A_25 = vector.load %arg1[%get3A_23, %get3A_24] : memref<2000x16xf32, #tpu.memory_space<vmem>>, vector<2000x16xf32>
    %get3A_26 = arith.constant 0 : index
    %get3A_27 = arith.constant 0 : index
    %get3A_28 = vector.load %arg8[%get3A_26, %get3A_27] : memref<16x256xf32, #tpu.memory_space<vmem>>, vector<16x256xf32>
    %dot_general3A_29 = arith.constant dense<0.000000e+00> : vector<2000x256xf32>
    %dot_general3A_30 = tpu.matmul %get3A_25, %get3A_28, %dot_general3A_29 {dimension_numbers = #tpu.dot_dimension_numbers<[1], [0], [0], [1], [0, 0, 1, 1], [], []>, transpose_lhs_hint = false} : vector<2000x16xf32>, vector<16x256xf32>, vector<2000x256xf32> -> vector<2000x256xf32>
    %get3A_31 = arith.constant 0 : index
    %get3A_32 = arith.constant 0 : index
    %get3A_33 = vector.load %arg9[%get3A_31, %get3A_32] : memref<64x256xf32, #tpu.memory_space<vmem>>, vector<64x256xf32>
    %dot_general3A_34 = arith.constant dense<0.000000e+00> : vector<2000x256xf32>
    %dot_general3A_35 = tpu.matmul %add3A_22, %get3A_33, %dot_general3A_34 {dimension_numbers = #tpu.dot_dimension_numbers<[1], [0], [0], [1], [0, 0, 1, 1], [], []>, transpose_lhs_hint = false} : vector<2000x64xf32>, vector<64x256xf32>, vector<2000x256xf32> -> vector<2000x256xf32>
    %add3A_36 = arith.addf %dot_general3A_30, %dot_general3A_35 : vector<2000x256xf32>
    %get3A_37 = arith.constant 0 : index
    %get3A_38 = arith.constant 0 : index
    %get3A_39 = vector.load %arg10[%get3A_37, %get3A_38] : memref<64x256xf32, #tpu.memory_space<vmem>>, vector<64x256xf32>
    %dot_general3A_40 = arith.constant dense<0.000000e+00> : vector<2000x256xf32>
    %dot_general3A_41 = tpu.matmul %get3A_1, %get3A_39, %dot_general3A_40 {dimension_numbers = #tpu.dot_dimension_numbers<[1], [0], [0], [1], [0, 0, 1, 1], [], []>, transpose_lhs_hint = false} : vector<2000x64xf32>, vector<64x256xf32>, vector<2000x256xf32> -> vector<2000x256xf32>
    %add3A_42 = arith.addf %add3A_36, %dot_general3A_41 : vector<2000x256xf32>
    %get3A_43 = arith.constant 0 : index
    %get3A_44 = arith.constant 0 : index
    %get3A_45 = vector.load %arg11[%get3A_43, %get3A_44] : memref<1x256xf32, #tpu.memory_space<vmem>>, vector<1x256xf32>
    %add3A_46 = vector.broadcast %get3A_45 : vector<1x256xf32> to vector<2000x256xf32>
    %add3A_47 = arith.addf %add3A_42, %add3A_46 : vector<2000x256xf32>
    %get3A_48 = arith.constant 0 : index
    %get3A_49 = arith.constant 0 : index
    %get3A_50 = vector.load %arg3[%get3A_48, %get3A_49] : memref<2000x64xf32, #tpu.memory_space<vmem>>, vector<2000x64xf32>
    %slice3A = vector.extract_strided_slice %add3A_47 {offsets = [0, 0], sizes = [2000, 64], strides = [1, 1]} : vector<2000x256xf32> to vector<2000x64xf32>
    %slice3A_51 = vector.extract_strided_slice %add3A_47 {offsets = [0, 64], sizes = [2000, 64], strides = [1, 1]} : vector<2000x256xf32> to vector<2000x64xf32>
    %slice3A_52 = vector.extract_strided_slice %add3A_47 {offsets = [0, 128], sizes = [2000, 64], strides = [1, 1]} : vector<2000x256xf32> to vector<2000x64xf32>
    %slice3A_53 = vector.extract_strided_slice %add3A_47 {offsets = [0, 192], sizes = [2000, 64], strides = [1, 1]} : vector<2000x256xf32> to vector<2000x64xf32>
    %logistic3A = arith.negf %slice3A_51 : vector<2000x64xf32>
    %logistic3A_54 = math.exp %logistic3A : vector<2000x64xf32>
    %logistic3A_55 = arith.constant 1.000000e+00 : f32
    %logistic3A_56 = vector.broadcast %logistic3A_55 : f32 to vector<2000x64xf32>
    %logistic3A_57 = arith.addf %logistic3A_56, %logistic3A_54 : vector<2000x64xf32>
    %logistic3A_58 = arith.divf %logistic3A_56, %logistic3A_57 : vector<2000x64xf32>
    %mul3A = arith.mulf %logistic3A_58, %get3A_50 : vector<2000x64xf32>
    %logistic3A_59 = arith.negf %slice3A : vector<2000x64xf32>
    %logistic3A_60 = math.exp %logistic3A_59 : vector<2000x64xf32>
    %logistic3A_61 = arith.constant 1.000000e+00 : f32
    %logistic3A_62 = vector.broadcast %logistic3A_61 : f32 to vector<2000x64xf32>
    %logistic3A_63 = arith.addf %logistic3A_62, %logistic3A_60 : vector<2000x64xf32>
    %logistic3A_64 = arith.divf %logistic3A_62, %logistic3A_63 : vector<2000x64xf32>
    %tanh3A = math.tanh %slice3A_52 : vector<2000x64xf32>
    %mul3A_65 = arith.mulf %logistic3A_64, %tanh3A : vector<2000x64xf32>
    %add3A_66 = arith.addf %mul3A, %mul3A_65 : vector<2000x64xf32>
    %logistic3A_67 = arith.negf %slice3A_53 : vector<2000x64xf32>
    %logistic3A_68 = math.exp %logistic3A_67 : vector<2000x64xf32>
    %logistic3A_69 = arith.constant 1.000000e+00 : f32
    %logistic3A_70 = vector.broadcast %logistic3A_69 : f32 to vector<2000x64xf32>
    %logistic3A_71 = arith.addf %logistic3A_70, %logistic3A_68 : vector<2000x64xf32>
    %logistic3A_72 = arith.divf %logistic3A_70, %logistic3A_71 : vector<2000x64xf32>
    %tanh3A_73 = math.tanh %add3A_66 : vector<2000x64xf32>
    %mul3A_74 = arith.mulf %logistic3A_72, %tanh3A_73 : vector<2000x64xf32>
    %swap3A = arith.constant 0 : index
    %swap3A_75 = arith.constant 0 : index
    %swap3A_76 = vector.load %arg13[%swap3A, %swap3A_75] : memref<2000x64xf32, #tpu.memory_space<vmem>>, vector<2000x64xf32>
    tpu.vector_store %arg13[%swap3A, %swap3A_75], %mul3A_74 {strides = array<i32>} : memref<2000x64xf32, #tpu.memory_space<vmem>>, vector<2000x64xf32>,
    %swap3A_77 = arith.constant 0 : index
    %swap3A_78 = arith.constant 0 : index
    %swap3A_79 = vector.load %arg14[%swap3A_77, %swap3A_78] : memref<2000x64xf32, #tpu.memory_space<vmem>>, vector<2000x64xf32>
    tpu.vector_store %arg14[%swap3A_77, %swap3A_78], %add3A_66 {strides = array<i32>} : memref<2000x64xf32, #tpu.memory_space<vmem>>, vector<2000x64xf32>,
    return
  }
  func.func @transform_0(%arg0: i32) -> (i32, i32) {
    %c0_i32 = arith.constant 0 : i32
    %c0_i32_0 = arith.constant 0 : i32
    return %arg0, %c0_i32 : i32, i32
  }
  func.func @transform_1(%arg0: i32) -> (i32, i32) {
    %c0_i32 = arith.constant 0 : i32
    %c0_i32_0 = arith.constant 0 : i32
    return %arg0, %c0_i32 : i32, i32
  }
  func.func @transform_2(%arg0: i32) -> (i32, i32) {
    %c0_i32 = arith.constant 0 : i32
    %c0_i32_0 = arith.constant 0 : i32
    return %arg0, %c0_i32 : i32, i32
  }
  func.func @transform_3(%arg0: i32) -> (i32, i32) {
    %c0_i32 = arith.constant 0 : i32
    %c0_i32_0 = arith.constant 0 : i32
    return %arg0, %c0_i32 : i32, i32
  }
  func.func @transform_4(%arg0: i32) -> (i32, i32) {
    %c0_i32 = arith.constant 0 : i32
    %c0_i32_0 = arith.constant 0 : i32
    return %arg0, %c0_i32 : i32, i32
  }
  func.func @transform_5(%arg0: i32) -> (i32, i32) {
    %c0_i32 = arith.constant 0 : i32
    %c0_i32_0 = arith.constant 0 : i32
    %c0_i32_1 = arith.constant 0 : i32
    return %c0_i32, %c0_i32_0 : i32, i32
  }
  func.func @transform_6(%arg0: i32) -> (i32, i32) {
    %c0_i32 = arith.constant 0 : i32
    %c0_i32_0 = arith.constant 0 : i32
    %c0_i32_1 = arith.constant 0 : i32
    return %c0_i32, %c0_i32_0 : i32, i32
  }
  func.func @transform_7(%arg0: i32) -> (i32, i32) {
    %c0_i32 = arith.constant 0 : i32
    %c0_i32_0 = arith.constant 0 : i32
    %c0_i32_1 = arith.constant 0 : i32
    return %c0_i32, %c0_i32_0 : i32, i32
  }
  func.func @transform_8(%arg0: i32) -> (i32, i32) {
    %c0_i32 = arith.constant 0 : i32
    %c0_i32_0 = arith.constant 0 : i32
    %c0_i32_1 = arith.constant 0 : i32
    return %c0_i32, %c0_i32_0 : i32, i32
  }
  func.func @transform_9(%arg0: i32) -> (i32, i32) {
    %c0_i32 = arith.constant 0 : i32
    %c0_i32_0 = arith.constant 0 : i32
    %c0_i32_1 = arith.constant 0 : i32
    return %c0_i32, %c0_i32_0 : i32, i32
  }
  func.func @transform_10(%arg0: i32) -> (i32, i32) {
    %c0_i32 = arith.constant 0 : i32
    %c0_i32_0 = arith.constant 0 : i32
    %c0_i32_1 = arith.constant 0 : i32
    return %c0_i32, %c0_i32_0 : i32, i32
  }
  func.func @transform_11(%arg0: i32) -> (i32, i32) {
    %c0_i32 = arith.constant 0 : i32
    %c0_i32_0 = arith.constant 0 : i32
    %c0_i32_1 = arith.constant 0 : i32
    return %c0_i32, %c0_i32_0 : i32, i32
  }
  func.func @transform_12(%arg0: i32) -> (i32, i32) {
    %c0_i32 = arith.constant 0 : i32
    %c0_i32_0 = arith.constant 0 : i32
    return %arg0, %c0_i32 : i32, i32
  }
  func.func @transform_13(%arg0: i32) -> (i32, i32) {
    %c0_i32 = arith.constant 0 : i32
    %c0_i32_0 = arith.constant 0 : i32
    return %arg0, %c0_i32 : i32, i32
  }
}

module attributes {stable_mosaic.version = 14 : i64} {
  func.func @_last_body(%arg0: i32, %arg1: memref<2000x16xf32, #tpu.memory_space<vmem>>, %arg2: memref<2000x64xf32, #tpu.memory_space<vmem>>, %arg3: memref<2000x64xf32, #tpu.memory_space<vmem>>, %arg4: memref<2000x64xf32, #tpu.memory_space<vmem>>, %arg5: memref<2000x64xf32, #tpu.memory_space<vmem>>, %arg6: memref<64x64xf32, #tpu.memory_space<vmem>>, %arg7: memref<64x64xf32, #tpu.memory_space<vmem>>, %arg8: memref<16x256xf32, #tpu.memory_space<vmem>>, %arg9: memref<64x256xf32, #tpu.memory_space<vmem>>, %arg10: memref<64x256xf32, #tpu.memory_space<vmem>>, %arg11: memref<1x256xf32, #tpu.memory_space<vmem>>, %arg12: memref<1x64xf32, #tpu.memory_space<vmem>>, %arg13: memref<1x128xf32, #tpu.memory_space<vmem>>, %arg14: memref<1x128xf32, #tpu.memory_space<vmem>>, %arg15: memref<128x64xf32, #tpu.memory_space<vmem>>, %arg16: memref<1x64xf32, #tpu.memory_space<vmem>>, %arg17: memref<64x128xf32, #tpu.memory_space<vmem>>, %arg18: memref<1x128xf32, #tpu.memory_space<vmem>>, %arg19: memref<128x1xf32, #tpu.memory_space<vmem>>, %arg20: memref<1x1xf32, #tpu.memory_space<vmem>>, %arg21: memref<2000x1xf32, #tpu.memory_space<vmem>>) attributes {dimension_semantics = [#tpu.dimension_semantics<arbitrary>], iteration_bounds = array<i64: 5>, scalar_prefetch = 0 : i64, scratch_operands = 0 : i64, tpu.core_type = #tpu.core_type<tc>, window_params = [{transform_indices = @transform_0, window_bounds = array<i64: 2000, 16>}, {transform_indices = @transform_1, window_bounds = array<i64: 2000, 64>}, {transform_indices = @transform_2, window_bounds = array<i64: 2000, 64>}, {transform_indices = @transform_3, window_bounds = array<i64: 2000, 64>}, {transform_indices = @transform_4, window_bounds = array<i64: 2000, 64>}, {pipeline_mode = #tpu.pipeline_mode<synchronous>, transform_indices = @transform_5, window_bounds = array<i64: 64, 64>}, {pipeline_mode = #tpu.pipeline_mode<synchronous>, transform_indices = @transform_6, window_bounds = array<i64: 64, 64>}, {pipeline_mode = #tpu.pipeline_mode<synchronous>, transform_indices = @transform_7, window_bounds = array<i64: 16, 256>}, {pipeline_mode = #tpu.pipeline_mode<synchronous>, transform_indices = @transform_8, window_bounds = array<i64: 64, 256>}, {pipeline_mode = #tpu.pipeline_mode<synchronous>, transform_indices = @transform_9, window_bounds = array<i64: 64, 256>}, {pipeline_mode = #tpu.pipeline_mode<synchronous>, transform_indices = @transform_10, window_bounds = array<i64: 1, 256>}, {pipeline_mode = #tpu.pipeline_mode<synchronous>, transform_indices = @transform_11, window_bounds = array<i64: 1, 64>}, {pipeline_mode = #tpu.pipeline_mode<synchronous>, transform_indices = @transform_12, window_bounds = array<i64: 1, 128>}, {pipeline_mode = #tpu.pipeline_mode<synchronous>, transform_indices = @transform_13, window_bounds = array<i64: 1, 128>}, {pipeline_mode = #tpu.pipeline_mode<synchronous>, transform_indices = @transform_14, window_bounds = array<i64: 128, 64>}, {pipeline_mode = #tpu.pipeline_mode<synchronous>, transform_indices = @transform_15, window_bounds = array<i64: 1, 64>}, {pipeline_mode = #tpu.pipeline_mode<synchronous>, transform_indices = @transform_16, window_bounds = array<i64: 64, 128>}, {pipeline_mode = #tpu.pipeline_mode<synchronous>, transform_indices = @transform_17, window_bounds = array<i64: 1, 128>}, {pipeline_mode = #tpu.pipeline_mode<synchronous>, transform_indices = @transform_18, window_bounds = array<i64: 128, 1>}, {pipeline_mode = #tpu.pipeline_mode<synchronous>, transform_indices = @transform_19, window_bounds = array<i64: 1, 1>}, {transform_indices = @transform_20, window_bounds = array<i64: 2000, 1>}]} {
    %get3A = arith.constant 0 : index
    %get3A_0 = arith.constant 0 : index
    %get3A_1 = vector.load %arg2[%get3A, %get3A_0] : memref<2000x64xf32, #tpu.memory_space<vmem>>, vector<2000x64xf32>
    %get3A_2 = arith.constant 0 : index
    %get3A_3 = arith.constant 0 : index
    %get3A_4 = vector.load %arg4[%get3A_2, %get3A_3] : memref<2000x64xf32, #tpu.memory_space<vmem>>, vector<2000x64xf32>
    %get3A_5 = arith.constant 0 : index
    %get3A_6 = arith.constant 0 : index
    %get3A_7 = vector.load %arg5[%get3A_5, %get3A_6] : memref<2000x64xf32, #tpu.memory_space<vmem>>, vector<2000x64xf32>
    %add3A = arith.addf %get3A_4, %get3A_7 : vector<2000x64xf32>
    %get3A_8 = arith.constant 0 : index
    %get3A_9 = arith.constant 0 : index
    %get3A_10 = vector.load %arg6[%get3A_8, %get3A_9] : memref<64x64xf32, #tpu.memory_space<vmem>>, vector<64x64xf32>
    %dot_general3A = arith.constant dense<0.000000e+00> : vector<2000x64xf32>
    %dot_general3A_11 = tpu.matmul %add3A, %get3A_10, %dot_general3A {dimension_numbers = #tpu.dot_dimension_numbers<[1], [0], [0], [1], [0, 0, 1, 1], [], []>, transpose_lhs_hint = false} : vector<2000x64xf32>, vector<64x64xf32>, vector<2000x64xf32> -> vector<2000x64xf32>
    %get3A_12 = arith.constant 0 : index
    %get3A_13 = arith.constant 0 : index
    %get3A_14 = vector.load %arg7[%get3A_12, %get3A_13] : memref<64x64xf32, #tpu.memory_space<vmem>>, vector<64x64xf32>
    %dot_general3A_15 = arith.constant dense<0.000000e+00> : vector<2000x64xf32>
    %dot_general3A_16 = tpu.matmul %get3A_1, %get3A_14, %dot_general3A_15 {dimension_numbers = #tpu.dot_dimension_numbers<[1], [0], [0], [1], [0, 0, 1, 1], [], []>, transpose_lhs_hint = false} : vector<2000x64xf32>, vector<64x64xf32>, vector<2000x64xf32> -> vector<2000x64xf32>
    %add3A_17 = arith.addf %dot_general3A_11, %dot_general3A_16 : vector<2000x64xf32>
    %get3A_18 = arith.constant 0 : index
    %get3A_19 = arith.constant 0 : index
    %get3A_20 = vector.load %arg12[%get3A_18, %get3A_19] : memref<1x64xf32, #tpu.memory_space<vmem>>, vector<1x64xf32>
    %add3A_21 = vector.broadcast %get3A_20 : vector<1x64xf32> to vector<2000x64xf32>
    %add3A_22 = arith.addf %add3A_17, %add3A_21 : vector<2000x64xf32>
    %get3A_23 = arith.constant 0 : index
    %get3A_24 = arith.constant 0 : index
    %get3A_25 = vector.load %arg1[%get3A_23, %get3A_24] : memref<2000x16xf32, #tpu.memory_space<vmem>>, vector<2000x16xf32>
    %get3A_26 = arith.constant 0 : index
    %get3A_27 = arith.constant 0 : index
    %get3A_28 = vector.load %arg8[%get3A_26, %get3A_27] : memref<16x256xf32, #tpu.memory_space<vmem>>, vector<16x256xf32>
    %dot_general3A_29 = arith.constant dense<0.000000e+00> : vector<2000x256xf32>
    %dot_general3A_30 = tpu.matmul %get3A_25, %get3A_28, %dot_general3A_29 {dimension_numbers = #tpu.dot_dimension_numbers<[1], [0], [0], [1], [0, 0, 1, 1], [], []>, transpose_lhs_hint = false} : vector<2000x16xf32>, vector<16x256xf32>, vector<2000x256xf32> -> vector<2000x256xf32>
    %get3A_31 = arith.constant 0 : index
    %get3A_32 = arith.constant 0 : index
    %get3A_33 = vector.load %arg9[%get3A_31, %get3A_32] : memref<64x256xf32, #tpu.memory_space<vmem>>, vector<64x256xf32>
    %dot_general3A_34 = arith.constant dense<0.000000e+00> : vector<2000x256xf32>
    %dot_general3A_35 = tpu.matmul %add3A_22, %get3A_33, %dot_general3A_34 {dimension_numbers = #tpu.dot_dimension_numbers<[1], [0], [0], [1], [0, 0, 1, 1], [], []>, transpose_lhs_hint = false} : vector<2000x64xf32>, vector<64x256xf32>, vector<2000x256xf32> -> vector<2000x256xf32>
    %add3A_36 = arith.addf %dot_general3A_30, %dot_general3A_35 : vector<2000x256xf32>
    %get3A_37 = arith.constant 0 : index
    %get3A_38 = arith.constant 0 : index
    %get3A_39 = vector.load %arg10[%get3A_37, %get3A_38] : memref<64x256xf32, #tpu.memory_space<vmem>>, vector<64x256xf32>
    %dot_general3A_40 = arith.constant dense<0.000000e+00> : vector<2000x256xf32>
    %dot_general3A_41 = tpu.matmul %get3A_1, %get3A_39, %dot_general3A_40 {dimension_numbers = #tpu.dot_dimension_numbers<[1], [0], [0], [1], [0, 0, 1, 1], [], []>, transpose_lhs_hint = false} : vector<2000x64xf32>, vector<64x256xf32>, vector<2000x256xf32> -> vector<2000x256xf32>
    %add3A_42 = arith.addf %add3A_36, %dot_general3A_41 : vector<2000x256xf32>
    %get3A_43 = arith.constant 0 : index
    %get3A_44 = arith.constant 0 : index
    %get3A_45 = vector.load %arg11[%get3A_43, %get3A_44] : memref<1x256xf32, #tpu.memory_space<vmem>>, vector<1x256xf32>
    %add3A_46 = vector.broadcast %get3A_45 : vector<1x256xf32> to vector<2000x256xf32>
    %add3A_47 = arith.addf %add3A_42, %add3A_46 : vector<2000x256xf32>
    %get3A_48 = arith.constant 0 : index
    %get3A_49 = arith.constant 0 : index
    %get3A_50 = vector.load %arg3[%get3A_48, %get3A_49] : memref<2000x64xf32, #tpu.memory_space<vmem>>, vector<2000x64xf32>
    %slice3A = vector.extract_strided_slice %add3A_47 {offsets = [0, 0], sizes = [2000, 64], strides = [1, 1]} : vector<2000x256xf32> to vector<2000x64xf32>
    %slice3A_51 = vector.extract_strided_slice %add3A_47 {offsets = [0, 64], sizes = [2000, 64], strides = [1, 1]} : vector<2000x256xf32> to vector<2000x64xf32>
    %slice3A_52 = vector.extract_strided_slice %add3A_47 {offsets = [0, 128], sizes = [2000, 64], strides = [1, 1]} : vector<2000x256xf32> to vector<2000x64xf32>
    %slice3A_53 = vector.extract_strided_slice %add3A_47 {offsets = [0, 192], sizes = [2000, 64], strides = [1, 1]} : vector<2000x256xf32> to vector<2000x64xf32>
    %logistic3A = arith.negf %slice3A_51 : vector<2000x64xf32>
    %logistic3A_54 = math.exp %logistic3A : vector<2000x64xf32>
    %logistic3A_55 = arith.constant 1.000000e+00 : f32
    %logistic3A_56 = vector.broadcast %logistic3A_55 : f32 to vector<2000x64xf32>
    %logistic3A_57 = arith.addf %logistic3A_56, %logistic3A_54 : vector<2000x64xf32>
    %logistic3A_58 = arith.divf %logistic3A_56, %logistic3A_57 : vector<2000x64xf32>
    %mul3A = arith.mulf %logistic3A_58, %get3A_50 : vector<2000x64xf32>
    %logistic3A_59 = arith.negf %slice3A : vector<2000x64xf32>
    %logistic3A_60 = math.exp %logistic3A_59 : vector<2000x64xf32>
    %logistic3A_61 = arith.constant 1.000000e+00 : f32
    %logistic3A_62 = vector.broadcast %logistic3A_61 : f32 to vector<2000x64xf32>
    %logistic3A_63 = arith.addf %logistic3A_62, %logistic3A_60 : vector<2000x64xf32>
    %logistic3A_64 = arith.divf %logistic3A_62, %logistic3A_63 : vector<2000x64xf32>
    %tanh3A = math.tanh %slice3A_52 : vector<2000x64xf32>
    %mul3A_65 = arith.mulf %logistic3A_64, %tanh3A : vector<2000x64xf32>
    %add3A_66 = arith.addf %mul3A, %mul3A_65 : vector<2000x64xf32>
    %logistic3A_67 = arith.negf %slice3A_53 : vector<2000x64xf32>
    %logistic3A_68 = math.exp %logistic3A_67 : vector<2000x64xf32>
    %logistic3A_69 = arith.constant 1.000000e+00 : f32
    %logistic3A_70 = vector.broadcast %logistic3A_69 : f32 to vector<2000x64xf32>
    %logistic3A_71 = arith.addf %logistic3A_70, %logistic3A_68 : vector<2000x64xf32>
    %logistic3A_72 = arith.divf %logistic3A_70, %logistic3A_71 : vector<2000x64xf32>
    %tanh3A_73 = math.tanh %add3A_66 : vector<2000x64xf32>
    %mul3A_74 = arith.mulf %logistic3A_72, %tanh3A_73 : vector<2000x64xf32>
    %concatenate3A = tpu.concatenate %mul3A_74, %add3A_22 in 1 : vector<2000x64xf32>, vector<2000x64xf32> -> vector<2000x128xf32>
    %reduce_sum3A = arith.constant dense<0.000000e+00> : vector<2000xf32>
    %reduce_sum3A_75 = vector.multi_reduction <add>, %concatenate3A, %reduce_sum3A [1] : vector<2000x128xf32> to vector<2000xf32>
    %broadcast_in_dim3A = vector.shape_cast %reduce_sum3A_75 : vector<2000xf32> to vector<2000x1xf32>
    %div3A = arith.constant 1.280000e+02 : f32
    %div3A_76 = vector.broadcast %div3A : f32 to vector<2000x1xf32>
    %div3A_77 = arith.divf %broadcast_in_dim3A, %div3A_76 : vector<2000x1xf32>
    %sub3A = vector.broadcast %div3A_77 : vector<2000x1xf32> to vector<2000x128xf32>
    %sub3A_78 = arith.subf %concatenate3A, %sub3A : vector<2000x128xf32>
    %mul3A_79 = arith.mulf %sub3A_78, %sub3A_78 : vector<2000x128xf32>
    %reduce_sum3A_80 = arith.constant dense<0.000000e+00> : vector<2000xf32>
    %reduce_sum3A_81 = vector.multi_reduction <add>, %mul3A_79, %reduce_sum3A_80 [1] : vector<2000x128xf32> to vector<2000xf32>
    %broadcast_in_dim3A_82 = vector.shape_cast %reduce_sum3A_81 : vector<2000xf32> to vector<2000x1xf32>
    %div3A_83 = arith.constant 1.280000e+02 : f32
    %div3A_84 = vector.broadcast %div3A_83 : f32 to vector<2000x1xf32>
    %div3A_85 = arith.divf %broadcast_in_dim3A_82, %div3A_84 : vector<2000x1xf32>
    %add3A_86 = arith.constant 9.99999974E-6 : f32
    %add3A_87 = vector.broadcast %add3A_86 : f32 to vector<2000x1xf32>
    %add3A_88 = arith.addf %div3A_85, %add3A_87 : vector<2000x1xf32>
    %rsqrt3A = math.rsqrt %add3A_88 : vector<2000x1xf32>
    %mul3A_89 = vector.broadcast %rsqrt3A : vector<2000x1xf32> to vector<2000x128xf32>
    %mul3A_90 = arith.mulf %sub3A_78, %mul3A_89 : vector<2000x128xf32>
    %get3A_91 = arith.constant 0 : index
    %get3A_92 = arith.constant 0 : index
    %get3A_93 = vector.load %arg13[%get3A_91, %get3A_92] : memref<1x128xf32, #tpu.memory_space<vmem>>, vector<1x128xf32>
    %mul3A_94 = vector.broadcast %get3A_93 : vector<1x128xf32> to vector<2000x128xf32>
    %mul3A_95 = arith.mulf %mul3A_90, %mul3A_94 : vector<2000x128xf32>
    %get3A_96 = arith.constant 0 : index
    %get3A_97 = arith.constant 0 : index
    %get3A_98 = vector.load %arg14[%get3A_96, %get3A_97] : memref<1x128xf32, #tpu.memory_space<vmem>>, vector<1x128xf32>
    %add3A_99 = vector.broadcast %get3A_98 : vector<1x128xf32> to vector<2000x128xf32>
    %add3A_100 = arith.addf %mul3A_95, %add3A_99 : vector<2000x128xf32>
    %get3A_101 = arith.constant 0 : index
    %get3A_102 = arith.constant 0 : index
    %get3A_103 = vector.load %arg15[%get3A_101, %get3A_102] : memref<128x64xf32, #tpu.memory_space<vmem>>, vector<128x64xf32>
    %dot_general3A_104 = arith.constant dense<0.000000e+00> : vector<2000x64xf32>
    %dot_general3A_105 = tpu.matmul %add3A_100, %get3A_103, %dot_general3A_104 {dimension_numbers = #tpu.dot_dimension_numbers<[1], [0], [0], [1], [0, 0, 1, 1], [], []>, transpose_lhs_hint = false} : vector<2000x128xf32>, vector<128x64xf32>, vector<2000x64xf32> -> vector<2000x64xf32>
    %get3A_106 = arith.constant 0 : index
    %get3A_107 = arith.constant 0 : index
    %get3A_108 = vector.load %arg16[%get3A_106, %get3A_107] : memref<1x64xf32, #tpu.memory_space<vmem>>, vector<1x64xf32>
    %add3A_109 = vector.broadcast %get3A_108 : vector<1x64xf32> to vector<2000x64xf32>
    %add3A_110 = arith.addf %dot_general3A_105, %add3A_109 : vector<2000x64xf32>
    %max3A = arith.constant 0.000000e+00 : f32
    %max3A_111 = vector.broadcast %max3A : f32 to vector<2000x64xf32>
    %max3A_112 = arith.maximumf %add3A_110, %max3A_111 : vector<2000x64xf32>
    %get3A_113 = arith.constant 0 : index
    %get3A_114 = arith.constant 0 : index
    %get3A_115 = vector.load %arg17[%get3A_113, %get3A_114] : memref<64x128xf32, #tpu.memory_space<vmem>>, vector<64x128xf32>
    %dot_general3A_116 = arith.constant dense<0.000000e+00> : vector<2000x128xf32>
    %dot_general3A_117 = tpu.matmul %max3A_112, %get3A_115, %dot_general3A_116 {dimension_numbers = #tpu.dot_dimension_numbers<[1], [0], [0], [1], [0, 0, 1, 1], [], []>, transpose_lhs_hint = false} : vector<2000x64xf32>, vector<64x128xf32>, vector<2000x128xf32> -> vector<2000x128xf32>
    %get3A_118 = arith.constant 0 : index
    %get3A_119 = arith.constant 0 : index
    %get3A_120 = vector.load %arg18[%get3A_118, %get3A_119] : memref<1x128xf32, #tpu.memory_space<vmem>>, vector<1x128xf32>
    %add3A_121 = vector.broadcast %get3A_120 : vector<1x128xf32> to vector<2000x128xf32>
    %add3A_122 = arith.addf %dot_general3A_117, %add3A_121 : vector<2000x128xf32>
    %max3A_123 = arith.constant 0.000000e+00 : f32
    %max3A_124 = vector.broadcast %max3A_123 : f32 to vector<2000x128xf32>
    %max3A_125 = arith.maximumf %add3A_122, %max3A_124 : vector<2000x128xf32>
    %get3A_126 = arith.constant 0 : index
    %get3A_127 = arith.constant 0 : index
    %get3A_128 = vector.load %arg19[%get3A_126, %get3A_127] : memref<128x1xf32, #tpu.memory_space<vmem>>, vector<128x1xf32>
    %dot_general3A_129 = arith.constant dense<0.000000e+00> : vector<2000x1xf32>
    %dot_general3A_130 = tpu.matmul %max3A_125, %get3A_128, %dot_general3A_129 {dimension_numbers = #tpu.dot_dimension_numbers<[1], [0], [0], [1], [0, 0, 1, 1], [], []>, transpose_lhs_hint = false} : vector<2000x128xf32>, vector<128x1xf32>, vector<2000x1xf32> -> vector<2000x1xf32>
    %get3A_131 = arith.constant 0 : index
    %get3A_132 = arith.constant 0 : index
    %get3A_133 = vector.load %arg20[%get3A_131, %get3A_132] : memref<1x1xf32, #tpu.memory_space<vmem>>, vector<1x1xf32>
    %add3A_134 = vector.broadcast %get3A_133 : vector<1x1xf32> to vector<2000x1xf32>
    %add3A_135 = arith.addf %dot_general3A_130, %add3A_134 : vector<2000x1xf32>
    %logistic3A_136 = arith.negf %add3A_135 : vector<2000x1xf32>
    %logistic3A_137 = math.exp %logistic3A_136 : vector<2000x1xf32>
    %logistic3A_138 = arith.constant 1.000000e+00 : f32
    %logistic3A_139 = vector.broadcast %logistic3A_138 : f32 to vector<2000x1xf32>
    %logistic3A_140 = arith.addf %logistic3A_139, %logistic3A_137 : vector<2000x1xf32>
    %logistic3A_141 = arith.divf %logistic3A_139, %logistic3A_140 : vector<2000x1xf32>
    %swap3A = arith.constant 0 : index
    %swap3A_142 = arith.constant 0 : index
    %swap3A_143 = vector.load %arg21[%swap3A, %swap3A_142] : memref<2000x1xf32, #tpu.memory_space<vmem>>, vector<2000x1xf32>
    tpu.vector_store %arg21[%swap3A, %swap3A_142], %logistic3A_141 {strides = array<i32>} : memref<2000x1xf32, #tpu.memory_space<vmem>>, vector<2000x1xf32>,
    return
  }
  func.func @transform_0(%arg0: i32) -> (i32, i32) {
    %c0_i32 = arith.constant 0 : i32
    %c0_i32_0 = arith.constant 0 : i32
    return %arg0, %c0_i32 : i32, i32
  }
  func.func @transform_1(%arg0: i32) -> (i32, i32) {
    %c0_i32 = arith.constant 0 : i32
    %c0_i32_0 = arith.constant 0 : i32
    return %arg0, %c0_i32 : i32, i32
  }
  func.func @transform_2(%arg0: i32) -> (i32, i32) {
    %c0_i32 = arith.constant 0 : i32
    %c0_i32_0 = arith.constant 0 : i32
    return %arg0, %c0_i32 : i32, i32
  }
  func.func @transform_3(%arg0: i32) -> (i32, i32) {
    %c0_i32 = arith.constant 0 : i32
    %c0_i32_0 = arith.constant 0 : i32
    return %arg0, %c0_i32 : i32, i32
  }
  func.func @transform_4(%arg0: i32) -> (i32, i32) {
    %c0_i32 = arith.constant 0 : i32
    %c0_i32_0 = arith.constant 0 : i32
    return %arg0, %c0_i32 : i32, i32
  }
  func.func @transform_5(%arg0: i32) -> (i32, i32) {
    %c0_i32 = arith.constant 0 : i32
    %c0_i32_0 = arith.constant 0 : i32
    %c0_i32_1 = arith.constant 0 : i32
    return %c0_i32, %c0_i32_0 : i32, i32
  }
  func.func @transform_6(%arg0: i32) -> (i32, i32) {
    %c0_i32 = arith.constant 0 : i32
    %c0_i32_0 = arith.constant 0 : i32
    %c0_i32_1 = arith.constant 0 : i32
    return %c0_i32, %c0_i32_0 : i32, i32
  }
  func.func @transform_7(%arg0: i32) -> (i32, i32) {
    %c0_i32 = arith.constant 0 : i32
    %c0_i32_0 = arith.constant 0 : i32
    %c0_i32_1 = arith.constant 0 : i32
    return %c0_i32, %c0_i32_0 : i32, i32
  }
  func.func @transform_8(%arg0: i32) -> (i32, i32) {
    %c0_i32 = arith.constant 0 : i32
    %c0_i32_0 = arith.constant 0 : i32
    %c0_i32_1 = arith.constant 0 : i32
    return %c0_i32, %c0_i32_0 : i32, i32
  }
  func.func @transform_9(%arg0: i32) -> (i32, i32) {
    %c0_i32 = arith.constant 0 : i32
    %c0_i32_0 = arith.constant 0 : i32
    %c0_i32_1 = arith.constant 0 : i32
    return %c0_i32, %c0_i32_0 : i32, i32
  }
  func.func @transform_10(%arg0: i32) -> (i32, i32) {
    %c0_i32 = arith.constant 0 : i32
    %c0_i32_0 = arith.constant 0 : i32
    %c0_i32_1 = arith.constant 0 : i32
    return %c0_i32, %c0_i32_0 : i32, i32
  }
  func.func @transform_11(%arg0: i32) -> (i32, i32) {
    %c0_i32 = arith.constant 0 : i32
    %c0_i32_0 = arith.constant 0 : i32
    %c0_i32_1 = arith.constant 0 : i32
    return %c0_i32, %c0_i32_0 : i32, i32
  }
  func.func @transform_12(%arg0: i32) -> (i32, i32) {
    %c0_i32 = arith.constant 0 : i32
    %c0_i32_0 = arith.constant 0 : i32
    %c0_i32_1 = arith.constant 0 : i32
    return %c0_i32, %c0_i32_0 : i32, i32
  }
  func.func @transform_13(%arg0: i32) -> (i32, i32) {
    %c0_i32 = arith.constant 0 : i32
    %c0_i32_0 = arith.constant 0 : i32
    %c0_i32_1 = arith.constant 0 : i32
    return %c0_i32, %c0_i32_0 : i32, i32
  }
  func.func @transform_14(%arg0: i32) -> (i32, i32) {
    %c0_i32 = arith.constant 0 : i32
    %c0_i32_0 = arith.constant 0 : i32
    %c0_i32_1 = arith.constant 0 : i32
    return %c0_i32, %c0_i32_0 : i32, i32
  }
  func.func @transform_15(%arg0: i32) -> (i32, i32) {
    %c0_i32 = arith.constant 0 : i32
    %c0_i32_0 = arith.constant 0 : i32
    %c0_i32_1 = arith.constant 0 : i32
    return %c0_i32, %c0_i32_0 : i32, i32
  }
  func.func @transform_16(%arg0: i32) -> (i32, i32) {
    %c0_i32 = arith.constant 0 : i32
    %c0_i32_0 = arith.constant 0 : i32
    %c0_i32_1 = arith.constant 0 : i32
    return %c0_i32, %c0_i32_0 : i32, i32
  }
  func.func @transform_17(%arg0: i32) -> (i32, i32) {
    %c0_i32 = arith.constant 0 : i32
    %c0_i32_0 = arith.constant 0 : i32
    %c0_i32_1 = arith.constant 0 : i32
    return %c0_i32, %c0_i32_0 : i32, i32
  }
  func.func @transform_18(%arg0: i32) -> (i32, i32) {
    %c0_i32 = arith.constant 0 : i32
    %c0_i32_0 = arith.constant 0 : i32
    %c0_i32_1 = arith.constant 0 : i32
    return %c0_i32, %c0_i32_0 : i32, i32
  }
  func.func @transform_19(%arg0: i32) -> (i32, i32) {
    %c0_i32 = arith.constant 0 : i32
    %c0_i32_0 = arith.constant 0 : i32
    %c0_i32_1 = arith.constant 0 : i32
    return %c0_i32, %c0_i32_0 : i32, i32
  }
  func.func @transform_20(%arg0: i32) -> (i32, i32) {
    %c0_i32 = arith.constant 0 : i32
    %c0_i32_0 = arith.constant 0 : i32
    return %arg0, %c0_i32 : i32, i32
  }
}

</mosaic_0001>

<sc_bundles>
// kernel: kernel.17.cloned.1.call-start
scs
__scs_entry_jumppad:
0x0: {  	(pc) =	sbr.rel $0x88, $3  }
0x1: {  	(tag) =	ssettag $0x0;
	lr =	simm.s32 $0x1  }
0x2: {  	[smem:$0x3F90] =	sst lr;
	_ =	strace $0xD0000000  }
0x3: {  	_ = 	snop  }
0x4: {  	_ = 	snop  }
0x5: {  	_ = 	snop  }
0x6: {  	_ = 	snop  }
0x7: {  	_ = 	snop  }
__scs_overlays_trampoline_lowered:
0x8: {  	[smem:$0x3F9F] =	sst s0  }
0x9: {  	[smem:$0x3FA0] =	sst s1  }
0xa: {  	[smem:$0x3FA1] =	sst s2  }
0xb: {  	[smem:$0x3FA2] =	sst s3  }
0xc: {  	[smem:$0x3FA3] =	sst s4  }
0xd: {  	[smem:$0x3FA4] =	sst s5  }
0xe: {  	[smem:$0x3FA5] =	sst s6  }
0xf: {  	[smem:$0x3FA6] =	sst s7  }
0x10: {  	[smem:$0x3FA7] =	sst s8  }
0x11: {  	[smem:$0x3FA8] =	sst s9;
	s0 =	simm.s32 @!p0 $0x0  }
0x12: {  	s1 =	sld [smem:$0x3F8E];
	s0 =	simm.s32 @p0 $0x1  }
0x13: {  	[smem:$0x3FA9] =	sst s0;
	s0 =	simm.s32 @!p1 $0x0  }
0x14: {  	s2 =	sld [smem:$0x3F8D];
	s0 =	simm.s32 @p1 $0x1  }
0x15: {  	[smem:$0x3FAA] =	sst s0;
	s0 =	simm.s32 @!p2 $0x0  }
0x16: {  	s3 =	sld [smem:$0x3FDB];
	s0 =	simm.s32 @p2 $0x1  }
0x17: {  	s4 =	simm.s32 $0x1BF5;
	[smem:$0x3FAC] =	sst s0  }
0x18: {  	s0 =	sld [smem:$0x3F8F];
	_ =	swait.ge [sflag:s4], $0x0  }
0x19: {  	s7 =	sld [smem:$0x3F90]  }
0x1a: {  	s8 =	sadd.s32 $0xFFFFE003, lr  }
0x1b: {  	s9 =	sadd.s32 $0xFFFFFEF7, lr;
	s5 =	simm.s32 $0xFFFFFFFF;
	p2 =	slt.u32 s8, $0xFFFFF086  }
0x1c: {  	p1 =	slt.u32 s9, $0xF7A;
	s5 =	simm.s32 @!p2 $0x0  }
0x1d: {  	s5 =	simm.s32 @p1 $0x1;
	p0 =	seq.s32 s7, s2  }
0x1e: {  	s7 =	smul.u32 @!p0 $0xF7A, s2;
	p2 =	seq.s32 @!p0 s5, $0x0  }
0x1f: {  	s9 =	smul.u32 $0xF7A, s1;
	s8 =	simm.s32 @!p0 $0x1BF5;
	p2 =	por !p2, p0  }
0x20: {  	[sflag:s8] =	ssyncset.s32 @!p0 $0xFFFFF086;
	s6 =	sadd.s32 @!p0 s3, s7;
	s7 =	simm.s32 @!p0 $0x108  }
0x21: {  	s3 =	sadd.s32 s3, s9;
	s6 =	sadd.s32 @!p0 $0x88, s6;
	s7 =	simm.s32 @p2 $0x1082  }
0x22: {  	[simem:s7], [sflag:s8] =	dma.local @!p0 [hbm:s6], $0xF7A  }
0x23: {  	s9 =	sor.u32 $0xD0000000, s2;
	s6 =	simm.s32 $0x108;
	_ =	swait.ge @!p0 [sflag:s8], $0x0  }
0x24: {  	s3 =	sadd.s32 $0x88, s3;
	s6 =	simm.s32 @!p1 $0x1082;
	[sflag:s4] =	ssyncset.s32 $0xFFFFF086  }
0x25: {  	[simem:s6], [sflag:s4] =	dma.local [hbm:s3], $0xF7A  }
0x26: {  	[smem:$0x3F90] =	sst s1;
	(tag) =	ssettag s2;
	_ =	strace s9  }
0x27: {  	s1 =	sld [smem:$0x3FA0]  }
0x28: {  	s2 =	sld [smem:$0x3FA1]  }
0x29: {  	s4 =	sld [smem:$0x3FA3]  }
0x2a: {  	p0 =	seq.s32 s5, $0x0;
	s5 =	sld [smem:$0x3FA4]  }
0x2b: {  	s6 =	sld [smem:$0x3FA5]  }
0x2c: {  	s7 =	sld [smem:$0x3FA6]  }
0x2d: {  	s3 =	simm.s32 $0x108;
	s8 =	sld [smem:$0x3FA7]  }
0x2e: {  	s3 =	simm.s32 @!p0 $0x1082;
	s9 =	sld [smem:$0x3FA8]  }
0x2f: {  	lr =	sadd.s32 s0, s3;
	s0 =	sld [smem:$0x3F9F]  }
0x30: {  	s3 =	sld [smem:$0x3FA2]  }
0x31: {  	[smem:$0x3FAB] =	sst s10  }
0x32: {  	s10 =	sld [smem:$0x3FA9];
	_ =	sdelay $0x3  }
0x33: {  	p0 =	seq.s32 s10, $0x1;
	s10 =	sld [smem:$0x3FAB];
	_ =	sdelay $0x3  }
0x34: {  	[smem:$0x3FAB] =	sst s10  }
0x35: {  	s10 =	sld [smem:$0x3FAA];
	_ =	sdelay $0x3  }
0x36: {  	p1 =	seq.s32 s10, $0x1;
	s10 =	sld [smem:$0x3FAB];
	_ =	sdelay $0x3  }
0x37: {  	[smem:$0x3FAB] =	sst s10  }
0x38: {  	s10 =	sld [smem:$0x3FAC]  }
0x39: {  	_ = 	snop;
	(pc) =	sbr.ind lr, $3  }
0x3a: {  	_ = 	snop  }
0x3b: {  	_ = 	snop  }
0x3c: {  	p2 =	seq.s32 s10, $0x1;
	s10 =	sld [smem:$0x3FAB]  }
0x3d: {  	_ =	shalt  }
0x3e: {  	_ =	shalt  }
0x3f: {  	_ =	shalt  }
0x40: {  	_ =	shalt  }
0x41: {  	_ =	shalt  }
0x42: {  	_ =	shalt  }
0x43: {  	_ =	shalt  }
0x44: {  	_ =	shalt  }
0x45: {  	_ =	shalt  }
0x46: {  	_ =	shalt  }
0x47: {  	_ =	shalt  }
0x48: {  	_ =	shalt  }
0x49: {  	_ =	shalt  }
0x4a: {  	_ =	shalt  }
0x4b: {  	_ =	shalt  }
0x4c: {  	_ =	shalt  }
0x4d: {  	_ =	shalt  }
0x4e: {  	_ =	shalt  }
0x4f: {  	_ =	shalt  }
0x50: {  	_ =	shalt  }
0x51: {  	_ =	shalt  }
0x52: {  	_ =	shalt  }
0x53: {  	_ =	shalt  }
0x54: {  	_ =	shalt  }
0x55: {  	_ =	shalt  }
0x56: {  	_ =	shalt  }
0x57: {  	_ =	shalt  }
0x58: {  	_ =	shalt  }
0x59: {  	_ =	shalt  }
0x5a: {  	_ =	shalt  }
0x5b: {  	_ =	shalt  }
0x5c: {  	_ =	shalt  }
0x5d: {  	_ =	shalt  }
0x5e: {  	_ =	shalt  }
0x5f: {  	_ =	shalt  }
0x60: {  	_ =	shalt  }
0x61: {  	_ =	shalt  }
0x62: {  	_ =	shalt  }
0x63: {  	_ =	shalt  }
0x64: {  	_ =	shalt  }
0x65: {  	_ =	shalt  }
0x66: {  	_ =	shalt  }
0x67: {  	_ =	shalt  }
0x68: {  	_ =	shalt  }
0x69: {  	_ =	shalt  }
0x6a: {  	_ =	shalt  }
0x6b: {  	_ =	shalt  }
0x6c: {  	_ =	shalt  }
0x6d: {  	_ =	shalt  }
0x6e: {  	_ =	shalt  }
0x6f: {  	_ =	shalt  }
0x70: {  	_ =	shalt  }
0x71: {  	_ =	shalt  }
0x72: {  	_ =	shalt  }
0x73: {  	_ =	shalt  }
0x74: {  	_ =	shalt  }
0x75: {  	_ =	shalt  }
0x76: {  	_ =	shalt  }
0x77: {  	_ =	shalt  }
0x78: {  	_ =	shalt  }
0x79: {  	_ =	shalt  }
0x7a: {  	_ =	shalt  }
0x7b: {  	_ =	shalt  }
0x7c: {  	_ =	shalt  }
0x7d: {  	_ =	shalt  }
0x7e: {  	_ =	shalt  }
0x7f: {  	_ =	shalt  }
0x80: {  	_ =	shalt  }
0x81: {  	_ =	shalt  }
0x82: {  	_ =	shalt  }
0x83: {  	_ =	shalt  }
0x84: {  	_ =	shalt  }
0x85: {  	_ =	shalt  }
0x86: {  	_ =	shalt  }
0x87: {  	_ =	shalt  }
.Lfunc_end0:
.L_simem_size_0:
called_computation_lowered:
.L_overlay_start_0:
0x88: {  	s2 =	sld [smem:$0x3FD9]  }
0x89: {  	s3 =	sld [smem:$0x3FFE];
	_ =	sdelay $0x1  }
0x8a: {  	s1 =	srdreg.scid  }
0x8b: {  	s0 =	sand.u32 $0x1, s1  }
0x8c: {  	s16 =	sshll.u32 s0, $0xA;
	s2 =	sadd.s32 s3, s2  }
0x8d: {  	s2 =	sadd.s32 s2, s16  }
0x8e: {  	[smem:$0x3FB7] =	sst s2  }
0x8f: {  	_ = 	snop  }
0x90: {  	(tm) =	ssettm $0x1  }
0x91: {  	s17 =	sld [smem:$0x3FFB];
	_ =	sdelay $0x3  }
0x92: {  	_ =	strace s17  }
0x93: {  	s2 =	sld [smem:$0x3FFC];
	_ =	sdelay $0x3  }
0x94: {  	_ =	strace s2  }
0x95: {  	s2 =	sld [smem:$0x3FFD];
	_ =	sdelay $0x3  }
0x96: {  	_ =	strace s2  }
0x97: {  	_ =	strace $0x8FFFFFFF  }
0x98: {  	s18 =	sld [smem:$0x3FDB];
	_ =	sdelay $0x1  }
0x99: {  	s19 =	simm.s32 $_scs_section_size  }
0x9a: {  	s4 =	simm.s32 $_size__tile_overlayer_lowered;
	s5 =	simm.s32 $_tile_overlayer_lowered  }
0x9b: {  	s22 =	simm.s32 $0x1BFF;
	s21 =	sshll.u32 s5, $0x1;
	s2 =	sadd.s32 s19, s18  }
0x9c: {  	s6 =	simm.s32 $0x0;
	s20 =	sshll.u32 s4, $0x1;
	s4 =	sadd.s32 s21, s2  }
0x9d: {  	[timem:s6], [sflag:s22] =	dma.local [hbm:s4], s20  }
0x9e: {  	_ =	swait.ge [sflag:s22], s20  }
0x9f: {  	s3 =	ssub.s32 $0x0, s20;
	[sflag:s22] =	ssyncset.done $0x0  }
0xa0: {  	[sflag:s22] =	ssyncadd.s32 s3;
	_ =	sdelay $0x1  }
0xa1: {  	s23 =	simm.s32 $0x1B8B  }
0xa2: {  	_ =	swait.ge [sflag:s23], $0x1  }
0xa3: {  	[sflag:s23] =	ssyncset.done $0x0  }
0xa4: {  	s25 =	simm.s32 $0x1B8E;
	s24 =	sld [smem:$0x3FFE];
	[sflag:s23] =	ssyncadd.s32 $0xFFFFFFFF  }
0xa5: {  	s26 =	simm.s32 $execute0_lowered;
	[smem:$0x3FD2] =	sst s25  }
0xa6: {  	s4 =	sshll.u32 s26, $0x1;
	_ =	strace $0x80000046;
	[dreg:$0x1] =	wrdreg $0xFFFFFFFF  }
0xa7: {  	s28 =	simm.s32 $_size_execute0_lowered;
	s2 =	sadd.s32 s2, s4;
	[dreg:$0x0] =	wrdreg $0x0  }
0xa8: {  	s4 =	sshll.u32 s28, $0x1;
	[dreg:$0x2] =	wrdreg s2  }
0xa9: {  	[dreg:$0x3] =	wrdreg s4  }
0xaa: {  	[dreg:$0x4] =	wrdreg $0xC0  }
0xab: {  	_ =	task [dreg:s6], $0x5FFFF  }
0xac: {  	[dreg:$0x1] =	wrdreg $0xFFFFFFFF  }
0xad: {  	[dreg:$0x0] =	wrdreg $0x60  }
0xae: {  	[dreg:$0x2] =	wrdreg s24  }
0xaf: {  	[dreg:$0x3] =	wrdreg $0x6F000  }
0xb0: {  	[dreg:$0x4] =	wrdreg $0x10D000  }
0xb1: {  	[dreg:$0x5] =	wrdreg $0x9  }
0xb2: {  	_ =	task.clear_ibuf [dreg:s6], $0x6FFFF;
	_ =	strace $0x90000046  }
0xb3: {  	s29 =	simm.s32 $0x9;
	_ =	strace $0x80000048  }
0xb4: {  	_ =	swait.ge [sflag:s29], $0x1  }
0xb5: {  	[sflag:s29] =	ssyncadd.s32 $0xFFFFFFFF  }
0xb6: {  	_ =	strace $0x90000048  }
0xb7: {  	_ =	sfence  }
0xb8: {  	s30 =	sld [smem:$0x0];
	_ =	sdelay $0x2  }
0xb9: {  	s31 =	sshll.u32 s1, $0xD;
	s1 =	sshrl.u32 s1, $0x2  }
0xba: {  	s3 =	sand.u32 $0x4000, s31;
	s1 =	sadd.s32 s1, s30  }
0xbb: {  	s0 =	sor.u32 s3, s0;
	s1 =	sshll.u32 s1, $0x11  }
0xbc: {  	s0 =	sor.u32 s1, s0  }
0xbd: {  	s0 =	sadd.s32 $0x8F2B, s0  }
0xbe: {  	[sflag:s0] =	ssyncadd.remote.s32 $0x1  }
0xbf: {  	_ =	sfence.sel $0xFFFF  }
0xc0: {  	[dreg:$0x0] =	wrdreg $0xFFFFFFFF;
	(pc) =	sbr.abs _section_cstart, $3  }
0xc1: {  	[dreg:$0x1] =	wrdreg $0xFFFFFFFF  }
0xc2: {  	_ =	task.clear_ibuf [dreg:s6], $0x2FFFF;
	_ =	strace $0x9FFFFFFF  }
0xc3: {  	(tm) =	ssettm $0x7FFFFFFF  }
tec
execute0_lowered:
.L_overlay_start_1:
0x0: {  	(tag) =	ssettag $0x1  }
0x1: {  	s5 =	rddreg [dreg:$0x0];
	s1 =	srdreg.scid  }
0x2: {  	s0 =	rddreg [dreg:$0x1];
	s10 =	stileid.u32  }
0x3: {  	s2 =	rddreg [dreg:$0x2];
	s3 =	simm.s32 $0x0;
	s15 =	simm.s32 $0x80  }
0x4: {  	s16 =	simm.s32 $0x4F00;
	s17 =	simm.s32 $0x1;
	s18 =	simm.s32 $0x0  }
0x5: {  	s6 =	sand.u32 $0x1, s1;
	s7 =	smul.u32 $0x2780, s10;
	s1 =	rddreg [dreg:$0x3]  }
0x6: {  	s8 =	smul.u32 $0x9E00, s10;
	[smem:$0x7FF] =	sst s3;
	p0 =	sne.s32 s10, $0x0  }
0x7: {  	s31 =	sshll.u32 s10, $0x6;
	s10 =	simm.s32 $0x2;
	s4 =	smul.u32 $0x27800, s6  }
0x8: {  	s29 =	smul.u32 $0x9E000, s6;
	_ =	strace $0x80000047;
	s6 =	ssub.s32 $0x2, s6  }
0x9: {  	s11 =	sshrl.u32 s8, $0x3;
	s30 =	sshrl.u32 s6, $0x1;
	s14 =	sadd.s32 s8, s0  }
0xa: {  	s4 =	sadd.s32 s7, s4;
	s7 =	sadd.s32 s8, s29;
	s11 =	sadd.s32 s11, s5  }
0xb: {  	s13 =	ssub.s32 s6, s30;
	s9 =	sshrl.u32 s4, $0x3;
	s7 =	sshrl.u32 s7, $0x3  }
0xc: {  	s4 =	sadd.s32 $0x58800, s5;
	s9 =	sadd.s32 s9, s5;
	s12 =	sadd.s32 s7, s5  }
0xd: {  	s7 =	sadd.s32 $0x7FE00, s11;
	s11 =	simm.s32 $0x2780;
	s5 =	sadd.s32 $0x76000, s9  }
0xe: {  	s6 =	sadd.s32 $0x6C200, s9;
	s8 =	sadd.s32 $0x93A00, s12;
	s9 =	smax.u32 s13, $0x1  }
0xf: {  	s12 =	sor.u32 $0x1C02, s31;
	s13 =	sshrl.u32 s14, $0x3;
	s14 =	sshrl.u32 @!p0 s2, $0x3  }
.LBB2_1:
0x10: {  	[tilespmem:s3], [sflag:$0x2] =	stream.linear.gather [hbm4b:s5+s3], $0x2780, $0x38;
	[tilespmem:$0x1A940] =	vst v63  }
0x11: {  	_ =	swait.ge [sflag:s10], $0x2780  }
0x12: {  	[sflag:s10] =	ssyncset.done $0x0  }
0x13: {  	[sflag:s10] =	ssyncadd.s32 $0xFFFFD880  }
0x14: {  	[tilespmem:s11], [sflag:$0x2] =	stream.linear.gather [hbm4b:s6+s3], $0x2780, $0x38;
	[tilespmem:$0x1A940] =	vst v63  }
0x15: {  	_ =	swait.ge [sflag:s10], $0x2780  }
0x16: {  	[sflag:s10] =	ssyncset.done $0x0  }
0x17: {  	[sflag:s10] =	ssyncadd.s32 $0xFFFFD880  }
0x18: {  	[spmem:s13], [sflag:s12] =	dma.local [hbm:s7], $0x13C0  }
0x19: {  	_ =	swait.ge [sflag:s10], $0x13C0  }
0x1a: {  	[sflag:s10] =	ssyncset.done $0x0  }
0x1b: {  	s19 =	simm.s32 @!p0 $0x2;
	[sflag:s10] =	ssyncadd.s32 $0xFFFFEC40  }
0x1c: {  	[spmem:s14], [sflag:s12] =	dma.local @!p0 [hbm:s4], $0x13880  }
0x1d: {  	_ =	swait.ge @!p0 [sflag:s19], $0x13880  }
0x1e: {  	[sflag:s19] =	ssyncset.done @!p0 $0x0  }
0x1f: {  	[sflag:s19] =	ssyncadd.s32 @!p0 $0xFFFEC780  }
0x20: {  	s30 =	simm.s32 $0x0;
	[bflag:$0x0] =	sbarrier.arrive $0xFFFF  }
0x21: {  	[tilespmem:s16], [sflag:$0x1] =	stream.indirect.gather [spmem:s2], $0x40, s30, s15, $0xb8;
	[tilespmem:$0x1A940] =	vst v63  }
0x22: {  	_ =	swait.ge [sflag:s17], $0x2000  }
0x23: {  	[sflag:s17] =	ssyncset.done $0x0  }
0x24: {  	s31 =	simm.s32 $0x2780;
	[sflag:s17] =	ssyncadd.s32 $0xFFFFE000  }
0x25: {  	[spmem:s0] =	stream.indirect.scatter.add.f32 [tilespmem:s16], [sflag:$0x1], $0x40, s31, s15, $0xb8;
	[tilespmem:$0x1A940] =	vst v63  }
0x26: {  	_ =	swait.ge [sflag:s17], $0x2000  }
0x27: {  	s20 =	simm.s32 $0x400;
	s19 =	simm.s32 $0x200;
	[sflag:s17] =	ssyncset.done $0x0  }
.LBB2_2:
0x28: {  	s21 =	sshra.s32 s19, $0x2  }
0x29: {  	[sflag:s17] =	ssyncadd.s32 $0xFFFFE000;
	s19 =	smov.u32 s20;
	s22 =	sadd.s32 $0x200, s20  }
0x2a: {  	[tilespmem:s16], [sflag:$0x1] =	stream.indirect.gather [spmem:s2], $0x40, s21, s15, $0xb8;
	[tilespmem:$0x1A940] =	vst v63  }
0x2b: {  	p1 =	sne.s32 s20, $0x9C00;
	_ =	swait.ge [sflag:s17], $0x2000  }
.Ltmp0:
0x2c: {  	[sflag:s17] =	ssyncset.done $0x0;
	(pc) =	sbr.rel @p1 .LBB2_2-.Ltmp0, $4  }
0x2d: {  	s20 =	sadd.s32 $0x2780, s21;
	[sflag:s17] =	ssyncadd.s32 $0xFFFFE000  }
0x2e: {  	[spmem:s0] =	stream.indirect.scatter.add.f32 [tilespmem:s16], [sflag:$0x1], $0x40, s20, s15, $0xb8;
	[tilespmem:$0x1A940] =	vst v63  }
0x2f: {  	_ =	swait.ge [sflag:s17], $0x2000  }
0x30: {  	s20 =	smov.u32 s22;
	[sflag:s17] =	ssyncset.done $0x0  }
0x31: {  	s19 =	sshra.s32 s19, $0x2;
	[sflag:s17] =	ssyncadd.s32 $0xFFFFE000  }
0x32: {  	[tilespmem:s16], [sflag:$0x1] =	stream.indirect.gather [spmem:s2], $0x40, s19, s15, $0xb8;
	[tilespmem:$0x1A940] =	vst v63  }
0x33: {  	_ =	swait.ge [sflag:s17], $0x2000  }
0x34: {  	[sflag:s17] =	ssyncset.done $0x0  }
0x35: {  	s19 =	sadd.s32 $0x2780, s19;
	[sflag:s17] =	ssyncadd.s32 $0xFFFFE000  }
0x36: {  	[spmem:s0] =	stream.indirect.scatter.add.f32 [tilespmem:s16], [sflag:$0x1], $0x40, s19, s15, $0xb8;
	[tilespmem:$0x1A940] =	vst v63  }
0x37: {  	_ =	swait.ge [sflag:s17], $0x2000  }
0x38: {  	s18 =	sadd.s32 $0x1, s18;
	[sflag:s17] =	ssyncset.done $0x0  }
0x39: {  	p1 =	sne.s32 s18, s9;
	[sflag:s17] =	ssyncadd.s32 $0xFFFFE000  }
.Ltmp1:
0x3a: {  	[bflag:$0x0] =	sbarrier.arrive $0xFFFF;
	(pc) =	sbr.rel @p1 .LBB2_1-.Ltmp1, $4  }
0x3b: {  	[hbm:s8], [sflag:s12] =	dma.local [spmem:s13], $0x13C0  }
0x3c: {  	_ =	swait.ge [sflag:s10], $0x13C0  }
0x3d: {  	[sflag:s10] =	ssyncset.done $0x0  }
0x3e: {  	[sflag:s10] =	ssyncadd.s32 $0xFFFFEC40  }
0x3f: {  	_ =	sfence.sel $0x180000  }
0x40: {  	[bflag:$0x0] =	sbarrier.arrive $0xFFFF  }
0x41: {  	_ =	strace $0x90000047  }
0x42: {  	s0 =	sadd.s32 @!p0 $0x100000, s1;
	[bflag:$0x2] =	sbarrier.arrive $0xFFFF  }
0x43: {  	[sflag:s0] =	ssyncadd.tile.s32 @!p0 $0x1;
	_ =	shalt  }
.Lfunc_end2:
_tile_overlayer_lowered:
.L_overlay_start_2:
0x44: {  	(tag) =	ssettag $0x2  }
0x45: {  	s0 =	rddreg [dreg:$0x0];
	s2 =	stileid.u32  }
0x46: {  	s1 =	rddreg [dreg:$0x1];
	p0 =	sne.s32 s2, $0x0  }
0x47: {  	s3 =	rddreg [dreg:$0x2];
	[bflag:$0x3] =	sbarrier.arrive $0xFFFF;
	s2 =	simm.s32 @!p0 $0x1C02  }
0x48: {  	[timem:s3], [sflag:s2] =	dma.local @!p0 [hbm:s0], s1  }
0x49: {  	s0 =	simm.s32 @!p0 $0x2  }
0x4a: {  	_ =	swait.ge @!p0 [sflag:s0], s1  }
0x4b: {  	s1 =	ssub.s32 @!p0 $0x0, s1;
	[sflag:s0] =	ssyncset.done @!p0 $0x0  }
0x4c: {  	[sflag:s0] =	ssyncadd.s32 @!p0 s1  }
0x4d: {  	[bflag:$0x3] =	sbarrier.arrive $0xFFFF  }
0x4e: {  	_ =	shalt  }

// kernel: kernel.20.cloned.1.call-start
scs
__scs_entry_jumppad:
0x0: {  	(pc) =	sbr.rel $0x88, $3  }
0x1: {  	(tag) =	ssettag $0x0;
	lr =	simm.s32 $0x1  }
0x2: {  	[smem:$0x3F90] =	sst lr;
	_ =	strace $0xD0000000  }
0x3: {  	_ = 	snop  }
0x4: {  	_ = 	snop  }
0x5: {  	_ = 	snop  }
0x6: {  	_ = 	snop  }
0x7: {  	_ = 	snop  }
__scs_overlays_trampoline_lowered:
0x8: {  	[smem:$0x3F9F] =	sst s0  }
0x9: {  	[smem:$0x3FA0] =	sst s1  }
0xa: {  	[smem:$0x3FA1] =	sst s2  }
0xb: {  	[smem:$0x3FA2] =	sst s3  }
0xc: {  	[smem:$0x3FA3] =	sst s4  }
0xd: {  	[smem:$0x3FA4] =	sst s5  }
0xe: {  	[smem:$0x3FA5] =	sst s6  }
0xf: {  	[smem:$0x3FA6] =	sst s7  }
0x10: {  	[smem:$0x3FA7] =	sst s8  }
0x11: {  	[smem:$0x3FA8] =	sst s9;
	s0 =	simm.s32 @!p0 $0x0  }
0x12: {  	s1 =	sld [smem:$0x3F8E];
	s0 =	simm.s32 @p0 $0x1  }
0x13: {  	[smem:$0x3FA9] =	sst s0;
	s0 =	simm.s32 @!p1 $0x0  }
0x14: {  	s2 =	sld [smem:$0x3F8D];
	s0 =	simm.s32 @p1 $0x1  }
0x15: {  	[smem:$0x3FAA] =	sst s0;
	s0 =	simm.s32 @!p2 $0x0  }
0x16: {  	s3 =	sld [smem:$0x3FDB];
	s0 =	simm.s32 @p2 $0x1  }
0x17: {  	s4 =	simm.s32 $0x1BF5;
	[smem:$0x3FAC] =	sst s0  }
0x18: {  	s0 =	sld [smem:$0x3F8F];
	_ =	swait.ge [sflag:s4], $0x0  }
0x19: {  	s7 =	sld [smem:$0x3F90]  }
0x1a: {  	s8 =	sadd.s32 $0xFFFFE003, lr  }
0x1b: {  	s9 =	sadd.s32 $0xFFFFFEF7, lr;
	s5 =	simm.s32 $0xFFFFFFFF;
	p2 =	slt.u32 s8, $0xFFFFF086  }
0x1c: {  	p1 =	slt.u32 s9, $0xF7A;
	s5 =	simm.s32 @!p2 $0x0  }
0x1d: {  	s5 =	simm.s32 @p1 $0x1;
	p0 =	seq.s32 s7, s2  }
0x1e: {  	s7 =	smul.u32 @!p0 $0xF7A, s2;
	p2 =	seq.s32 @!p0 s5, $0x0  }
0x1f: {  	s9 =	smul.u32 $0xF7A, s1;
	s8 =	simm.s32 @!p0 $0x1BF5;
	p2 =	por !p2, p0  }
0x20: {  	[sflag:s8] =	ssyncset.s32 @!p0 $0xFFFFF086;
	s6 =	sadd.s32 @!p0 s3, s7;
	s7 =	simm.s32 @!p0 $0x108  }
0x21: {  	s3 =	sadd.s32 s3, s9;
	s6 =	sadd.s32 @!p0 $0x88, s6;
	s7 =	simm.s32 @p2 $0x1082  }
0x22: {  	[simem:s7], [sflag:s8] =	dma.local @!p0 [hbm:s6], $0xF7A  }
0x23: {  	s9 =	sor.u32 $0xD0000000, s2;
	s6 =	simm.s32 $0x108;
	_ =	swait.ge @!p0 [sflag:s8], $0x0  }
0x24: {  	s3 =	sadd.s32 $0x88, s3;
	s6 =	simm.s32 @!p1 $0x1082;
	[sflag:s4] =	ssyncset.s32 $0xFFFFF086  }
0x25: {  	[simem:s6], [sflag:s4] =	dma.local [hbm:s3], $0xF7A  }
0x26: {  	[smem:$0x3F90] =	sst s1;
	(tag) =	ssettag s2;
	_ =	strace s9  }
0x27: {  	s1 =	sld [smem:$0x3FA0]  }
0x28: {  	s2 =	sld [smem:$0x3FA1]  }
0x29: {  	s4 =	sld [smem:$0x3FA3]  }
0x2a: {  	p0 =	seq.s32 s5, $0x0;
	s5 =	sld [smem:$0x3FA4]  }
0x2b: {  	s6 =	sld [smem:$0x3FA5]  }
0x2c: {  	s7 =	sld [smem:$0x3FA6]  }
0x2d: {  	s3 =	simm.s32 $0x108;
	s8 =	sld [smem:$0x3FA7]  }
0x2e: {  	s3 =	simm.s32 @!p0 $0x1082;
	s9 =	sld [smem:$0x3FA8]  }
0x2f: {  	lr =	sadd.s32 s0, s3;
	s0 =	sld [smem:$0x3F9F]  }
0x30: {  	s3 =	sld [smem:$0x3FA2]  }
0x31: {  	[smem:$0x3FAB] =	sst s10  }
0x32: {  	s10 =	sld [smem:$0x3FA9];
	_ =	sdelay $0x3  }
0x33: {  	p0 =	seq.s32 s10, $0x1;
	s10 =	sld [smem:$0x3FAB];
	_ =	sdelay $0x3  }
0x34: {  	[smem:$0x3FAB] =	sst s10  }
0x35: {  	s10 =	sld [smem:$0x3FAA];
	_ =	sdelay $0x3  }
0x36: {  	p1 =	seq.s32 s10, $0x1;
	s10 =	sld [smem:$0x3FAB];
	_ =	sdelay $0x3  }
0x37: {  	[smem:$0x3FAB] =	sst s10  }
0x38: {  	s10 =	sld [smem:$0x3FAC]  }
0x39: {  	_ = 	snop;
	(pc) =	sbr.ind lr, $3  }
0x3a: {  	_ = 	snop  }
0x3b: {  	_ = 	snop  }
0x3c: {  	p2 =	seq.s32 s10, $0x1;
	s10 =	sld [smem:$0x3FAB]  }
0x3d: {  	_ =	shalt  }
0x3e: {  	_ =	shalt  }
0x3f: {  	_ =	shalt  }
0x40: {  	_ =	shalt  }
0x41: {  	_ =	shalt  }
0x42: {  	_ =	shalt  }
0x43: {  	_ =	shalt  }
0x44: {  	_ =	shalt  }
0x45: {  	_ =	shalt  }
0x46: {  	_ =	shalt  }
0x47: {  	_ =	shalt  }
0x48: {  	_ =	shalt  }
0x49: {  	_ =	shalt  }
0x4a: {  	_ =	shalt  }
0x4b: {  	_ =	shalt  }
0x4c: {  	_ =	shalt  }
0x4d: {  	_ =	shalt  }
0x4e: {  	_ =	shalt  }
0x4f: {  	_ =	shalt  }
0x50: {  	_ =	shalt  }
0x51: {  	_ =	shalt  }
0x52: {  	_ =	shalt  }
0x53: {  	_ =	shalt  }
0x54: {  	_ =	shalt  }
0x55: {  	_ =	shalt  }
0x56: {  	_ =	shalt  }
0x57: {  	_ =	shalt  }
0x58: {  	_ =	shalt  }
0x59: {  	_ =	shalt  }
0x5a: {  	_ =	shalt  }
0x5b: {  	_ =	shalt  }
0x5c: {  	_ =	shalt  }
0x5d: {  	_ =	shalt  }
0x5e: {  	_ =	shalt  }
0x5f: {  	_ =	shalt  }
0x60: {  	_ =	shalt  }
0x61: {  	_ =	shalt  }
0x62: {  	_ =	shalt  }
0x63: {  	_ =	shalt  }
0x64: {  	_ =	shalt  }
0x65: {  	_ =	shalt  }
0x66: {  	_ =	shalt  }
0x67: {  	_ =	shalt  }
0x68: {  	_ =	shalt  }
0x69: {  	_ =	shalt  }
0x6a: {  	_ =	shalt  }
0x6b: {  	_ =	shalt  }
0x6c: {  	_ =	shalt  }
0x6d: {  	_ =	shalt  }
0x6e: {  	_ =	shalt  }
0x6f: {  	_ =	shalt  }
0x70: {  	_ =	shalt  }
0x71: {  	_ =	shalt  }
0x72: {  	_ =	shalt  }
0x73: {  	_ =	shalt  }
0x74: {  	_ =	shalt  }
0x75: {  	_ =	shalt  }
0x76: {  	_ =	shalt  }
0x77: {  	_ =	shalt  }
0x78: {  	_ =	shalt  }
0x79: {  	_ =	shalt  }
0x7a: {  	_ =	shalt  }
0x7b: {  	_ =	shalt  }
0x7c: {  	_ =	shalt  }
0x7d: {  	_ =	shalt  }
0x7e: {  	_ =	shalt  }
0x7f: {  	_ =	shalt  }
0x80: {  	_ =	shalt  }
0x81: {  	_ =	shalt  }
0x82: {  	_ =	shalt  }
0x83: {  	_ =	shalt  }
0x84: {  	_ =	shalt  }
0x85: {  	_ =	shalt  }
0x86: {  	_ =	shalt  }
0x87: {  	_ =	shalt  }
.Lfunc_end0:
.L_simem_size_0:
called_computation.1_lowered:
.L_overlay_start_0:
0x88: {  	s2 =	sld [smem:$0x3FD9]  }
0x89: {  	s3 =	sld [smem:$0x3FFE];
	_ =	sdelay $0x1  }
0x8a: {  	s1 =	srdreg.scid  }
0x8b: {  	s0 =	sand.u32 $0x1, s1  }
0x8c: {  	s16 =	sshll.u32 s0, $0xA;
	s2 =	sadd.s32 s3, s2  }
0x8d: {  	s2 =	sadd.s32 s2, s16  }
0x8e: {  	[smem:$0x3FB7] =	sst s2  }
0x8f: {  	_ = 	snop  }
0x90: {  	(tm) =	ssettm $0x1  }
0x91: {  	s17 =	sld [smem:$0x3FFB];
	_ =	sdelay $0x3  }
0x92: {  	_ =	strace s17  }
0x93: {  	s2 =	sld [smem:$0x3FFC];
	_ =	sdelay $0x3  }
0x94: {  	_ =	strace s2  }
0x95: {  	s2 =	sld [smem:$0x3FFD];
	_ =	sdelay $0x3  }
0x96: {  	_ =	strace s2  }
0x97: {  	_ =	strace $0x8FFFFFFF  }
0x98: {  	s18 =	sld [smem:$0x3FDB];
	_ =	sdelay $0x1  }
0x99: {  	s19 =	simm.s32 $_scs_section_size  }
0x9a: {  	s4 =	simm.s32 $_size__tile_overlayer_lowered;
	s5 =	simm.s32 $_tile_overlayer_lowered  }
0x9b: {  	s22 =	simm.s32 $0x1BFF;
	s21 =	sshll.u32 s5, $0x1;
	s2 =	sadd.s32 s19, s18  }
0x9c: {  	s6 =	simm.s32 $0x0;
	s20 =	sshll.u32 s4, $0x1;
	s4 =	sadd.s32 s21, s2  }
0x9d: {  	[timem:s6], [sflag:s22] =	dma.local [hbm:s4], s20  }
0x9e: {  	_ =	swait.ge [sflag:s22], s20  }
0x9f: {  	s3 =	ssub.s32 $0x0, s20;
	[sflag:s22] =	ssyncset.done $0x0  }
0xa0: {  	[sflag:s22] =	ssyncadd.s32 s3;
	_ =	sdelay $0x1  }
0xa1: {  	s23 =	simm.s32 $0x1B8B  }
0xa2: {  	_ =	swait.ge [sflag:s23], $0x1  }
0xa3: {  	[sflag:s23] =	ssyncset.done $0x0  }
0xa4: {  	s25 =	simm.s32 $0x1B8E;
	s24 =	sld [smem:$0x3FFE];
	[sflag:s23] =	ssyncadd.s32 $0xFFFFFFFF  }
0xa5: {  	s26 =	simm.s32 $execute0_lowered;
	[smem:$0x3FD2] =	sst s25  }
0xa6: {  	s4 =	sshll.u32 s26, $0x1;
	_ =	strace $0x80000049;
	[dreg:$0x1] =	wrdreg $0xFFFFFFFF  }
0xa7: {  	s28 =	simm.s32 $_size_execute0_lowered;
	s2 =	sadd.s32 s2, s4;
	[dreg:$0x0] =	wrdreg $0x0  }
0xa8: {  	s4 =	sshll.u32 s28, $0x1;
	[dreg:$0x2] =	wrdreg s2  }
0xa9: {  	[dreg:$0x3] =	wrdreg s4  }
0xaa: {  	[dreg:$0x4] =	wrdreg $0xC0  }
0xab: {  	_ =	task [dreg:s6], $0x5FFFF  }
0xac: {  	[dreg:$0x1] =	wrdreg $0xFFFFFFFF  }
0xad: {  	[dreg:$0x0] =	wrdreg $0x60  }
0xae: {  	[dreg:$0x2] =	wrdreg s24  }
0xaf: {  	[dreg:$0x3] =	wrdreg $0x6F000  }
0xb0: {  	[dreg:$0x4] =	wrdreg $0x10D000  }
0xb1: {  	[dreg:$0x5] =	wrdreg $0x9  }
0xb2: {  	_ =	task.clear_ibuf [dreg:s6], $0x6FFFF;
	_ =	strace $0x90000049  }
0xb3: {  	s29 =	simm.s32 $0x9;
	_ =	strace $0x8000004B  }
0xb4: {  	_ =	swait.ge [sflag:s29], $0x1  }
0xb5: {  	[sflag:s29] =	ssyncadd.s32 $0xFFFFFFFF  }
0xb6: {  	_ =	strace $0x9000004B  }
0xb7: {  	_ =	sfence  }
0xb8: {  	s30 =	sld [smem:$0x0];
	_ =	sdelay $0x2  }
0xb9: {  	s31 =	sshll.u32 s1, $0xD;
	s1 =	sshrl.u32 s1, $0x2  }
0xba: {  	s3 =	sand.u32 $0x4000, s31;
	s1 =	sadd.s32 s1, s30  }
0xbb: {  	s0 =	sor.u32 s3, s0;
	s1 =	sshll.u32 s1, $0x11  }
0xbc: {  	s0 =	sor.u32 s1, s0  }
0xbd: {  	s0 =	sadd.s32 $0x8F2B, s0  }
0xbe: {  	[sflag:s0] =	ssyncadd.remote.s32 $0x1  }
0xbf: {  	_ =	sfence.sel $0xFFFF  }
0xc0: {  	[dreg:$0x0] =	wrdreg $0xFFFFFFFF;
	(pc) =	sbr.abs _section_cstart, $3  }
0xc1: {  	[dreg:$0x1] =	wrdreg $0xFFFFFFFF  }
0xc2: {  	_ =	task.clear_ibuf [dreg:s6], $0x2FFFF;
	_ =	strace $0x9FFFFFFF  }
0xc3: {  	(tm) =	ssettm $0x7FFFFFFF  }
tec
execute0_lowered:
.L_overlay_start_1:
0x0: {  	(tag) =	ssettag $0x1  }
0x1: {  	s5 =	rddreg [dreg:$0x0];
	s1 =	srdreg.scid  }
0x2: {  	s0 =	rddreg [dreg:$0x1];
	s10 =	stileid.u32  }
0x3: {  	s2 =	rddreg [dreg:$0x2];
	s3 =	simm.s32 $0x0;
	s15 =	simm.s32 $0x80  }
0x4: {  	s16 =	simm.s32 $0x4F00;
	s17 =	simm.s32 $0x1;
	s18 =	simm.s32 $0x0  }
0x5: {  	s6 =	sand.u32 $0x1, s1;
	s7 =	smul.u32 $0x2780, s10;
	s1 =	rddreg [dreg:$0x3]  }
0x6: {  	s8 =	smul.u32 $0x9E00, s10;
	[smem:$0x7FF] =	sst s3;
	p0 =	sne.s32 s10, $0x0  }
0x7: {  	s31 =	sshll.u32 s10, $0x6;
	s10 =	simm.s32 $0x2;
	s4 =	smul.u32 $0x27800, s6  }
0x8: {  	s29 =	smul.u32 $0x9E000, s6;
	_ =	strace $0x8000004A;
	s6 =	ssub.s32 $0x2, s6  }
0x9: {  	s11 =	sshrl.u32 s8, $0x3;
	s30 =	sshrl.u32 s6, $0x1;
	s14 =	sadd.s32 s8, s0  }
0xa: {  	s4 =	sadd.s32 s7, s4;
	s7 =	sadd.s32 s8, s29;
	s11 =	sadd.s32 s11, s5  }
0xb: {  	s13 =	ssub.s32 s6, s30;
	s9 =	sshrl.u32 s4, $0x3;
	s7 =	sshrl.u32 s7, $0x3  }
0xc: {  	s4 =	sadd.s32 $0x58800, s5;
	s9 =	sadd.s32 s9, s5;
	s12 =	sadd.s32 s7, s5  }
0xd: {  	s7 =	sadd.s32 $0x7FE00, s11;
	s11 =	simm.s32 $0x2780;
	s5 =	sadd.s32 $0x76000, s9  }
0xe: {  	s6 =	sadd.s32 $0x6C200, s9;
	s8 =	sadd.s32 $0x93A00, s12;
	s9 =	smax.u32 s13, $0x1  }
0xf: {  	s12 =	sor.u32 $0x1C02, s31;
	s13 =	sshrl.u32 s14, $0x3;
	s14 =	sshrl.u32 @!p0 s2, $0x3  }
.LBB2_1:
0x10: {  	[tilespmem:s3], [sflag:$0x2] =	stream.linear.gather [hbm4b:s5+s3], $0x2780, $0x38;
	[tilespmem:$0x1A940] =	vst v63  }
0x11: {  	_ =	swait.ge [sflag:s10], $0x2780  }
0x12: {  	[sflag:s10] =	ssyncset.done $0x0  }
0x13: {  	[sflag:s10] =	ssyncadd.s32 $0xFFFFD880  }
0x14: {  	[tilespmem:s11], [sflag:$0x2] =	stream.linear.gather [hbm4b:s6+s3], $0x2780, $0x38;
	[tilespmem:$0x1A940] =	vst v63  }
0x15: {  	_ =	swait.ge [sflag:s10], $0x2780  }
0x16: {  	[sflag:s10] =	ssyncset.done $0x0  }
0x17: {  	[sflag:s10] =	ssyncadd.s32 $0xFFFFD880  }
0x18: {  	[spmem:s13], [sflag:s12] =	dma.local [hbm:s7], $0x13C0  }
0x19: {  	_ =	swait.ge [sflag:s10], $0x13C0  }
0x1a: {  	[sflag:s10] =	ssyncset.done $0x0  }
0x1b: {  	s19 =	simm.s32 @!p0 $0x2;
	[sflag:s10] =	ssyncadd.s32 $0xFFFFEC40  }
0x1c: {  	[spmem:s14], [sflag:s12] =	dma.local @!p0 [hbm:s4], $0x13880  }
0x1d: {  	_ =	swait.ge @!p0 [sflag:s19], $0x13880  }
0x1e: {  	[sflag:s19] =	ssyncset.done @!p0 $0x0  }
0x1f: {  	[sflag:s19] =	ssyncadd.s32 @!p0 $0xFFFEC780  }
0x20: {  	s30 =	simm.s32 $0x0;
	[bflag:$0x0] =	sbarrier.arrive $0xFFFF  }
0x21: {  	[tilespmem:s16], [sflag:$0x1] =	stream.indirect.gather [spmem:s2], $0x40, s30, s15, $0xb8;
	[tilespmem:$0x1A940] =	vst v63  }
0x22: {  	_ =	swait.ge [sflag:s17], $0x2000  }
0x23: {  	[sflag:s17] =	ssyncset.done $0x0  }
0x24: {  	s31 =	simm.s32 $0x2780;
	[sflag:s17] =	ssyncadd.s32 $0xFFFFE000  }
0x25: {  	[spmem:s0] =	stream.indirect.scatter.add.f32 [tilespmem:s16], [sflag:$0x1], $0x40, s31, s15, $0xb8;
	[tilespmem:$0x1A940] =	vst v63  }
0x26: {  	_ =	swait.ge [sflag:s17], $0x2000  }
0x27: {  	s20 =	simm.s32 $0x400;
	s19 =	simm.s32 $0x200;
	[sflag:s17] =	ssyncset.done $0x0  }
.LBB2_2:
0x28: {  	s21 =	sshra.s32 s19, $0x2  }
0x29: {  	[sflag:s17] =	ssyncadd.s32 $0xFFFFE000;
	s19 =	smov.u32 s20;
	s22 =	sadd.s32 $0x200, s20  }
0x2a: {  	[tilespmem:s16], [sflag:$0x1] =	stream.indirect.gather [spmem:s2], $0x40, s21, s15, $0xb8;
	[tilespmem:$0x1A940] =	vst v63  }
0x2b: {  	p1 =	sne.s32 s20, $0x9C00;
	_ =	swait.ge [sflag:s17], $0x2000  }
.Ltmp0:
0x2c: {  	[sflag:s17] =	ssyncset.done $0x0;
	(pc) =	sbr.rel @p1 .LBB2_2-.Ltmp0, $4  }
0x2d: {  	s20 =	sadd.s32 $0x2780, s21;
	[sflag:s17] =	ssyncadd.s32 $0xFFFFE000  }
0x2e: {  	[spmem:s0] =	stream.indirect.scatter.add.f32 [tilespmem:s16], [sflag:$0x1], $0x40, s20, s15, $0xb8;
	[tilespmem:$0x1A940] =	vst v63  }
0x2f: {  	_ =	swait.ge [sflag:s17], $0x2000  }
0x30: {  	s20 =	smov.u32 s22;
	[sflag:s17] =	ssyncset.done $0x0  }
0x31: {  	s19 =	sshra.s32 s19, $0x2;
	[sflag:s17] =	ssyncadd.s32 $0xFFFFE000  }
0x32: {  	[tilespmem:s16], [sflag:$0x1] =	stream.indirect.gather [spmem:s2], $0x40, s19, s15, $0xb8;
	[tilespmem:$0x1A940] =	vst v63  }
0x33: {  	_ =	swait.ge [sflag:s17], $0x2000  }
0x34: {  	[sflag:s17] =	ssyncset.done $0x0  }
0x35: {  	s19 =	sadd.s32 $0x2780, s19;
	[sflag:s17] =	ssyncadd.s32 $0xFFFFE000  }
0x36: {  	[spmem:s0] =	stream.indirect.scatter.add.f32 [tilespmem:s16], [sflag:$0x1], $0x40, s19, s15, $0xb8;
	[tilespmem:$0x1A940] =	vst v63  }
0x37: {  	_ =	swait.ge [sflag:s17], $0x2000  }
0x38: {  	s18 =	sadd.s32 $0x1, s18;
	[sflag:s17] =	ssyncset.done $0x0  }
0x39: {  	p1 =	sne.s32 s18, s9;
	[sflag:s17] =	ssyncadd.s32 $0xFFFFE000  }
.Ltmp1:
0x3a: {  	[bflag:$0x0] =	sbarrier.arrive $0xFFFF;
	(pc) =	sbr.rel @p1 .LBB2_1-.Ltmp1, $4  }
0x3b: {  	[hbm:s8], [sflag:s12] =	dma.local [spmem:s13], $0x13C0  }
0x3c: {  	_ =	swait.ge [sflag:s10], $0x13C0  }
0x3d: {  	[sflag:s10] =	ssyncset.done $0x0  }
0x3e: {  	[sflag:s10] =	ssyncadd.s32 $0xFFFFEC40  }
0x3f: {  	_ =	sfence.sel $0x180000  }
0x40: {  	[bflag:$0x0] =	sbarrier.arrive $0xFFFF  }
0x41: {  	_ =	strace $0x9000004A  }
0x42: {  	s0 =	sadd.s32 @!p0 $0x100000, s1;
	[bflag:$0x2] =	sbarrier.arrive $0xFFFF  }
0x43: {  	[sflag:s0] =	ssyncadd.tile.s32 @!p0 $0x1;
	_ =	shalt  }
.Lfunc_end2:
_tile_overlayer_lowered:
.L_overlay_start_2:
0x44: {  	(tag) =	ssettag $0x2  }
0x45: {  	s0 =	rddreg [dreg:$0x0];
	s2 =	stileid.u32  }
0x46: {  	s1 =	rddreg [dreg:$0x1];
	p0 =	sne.s32 s2, $0x0  }
0x47: {  	s3 =	rddreg [dreg:$0x2];
	[bflag:$0x3] =	sbarrier.arrive $0xFFFF;
	s2 =	simm.s32 @!p0 $0x1C02  }
0x48: {  	[timem:s3], [sflag:s2] =	dma.local @!p0 [hbm:s0], s1  }
0x49: {  	s0 =	simm.s32 @!p0 $0x2  }
0x4a: {  	_ =	swait.ge @!p0 [sflag:s0], s1  }
0x4b: {  	s1 =	ssub.s32 @!p0 $0x0, s1;
	[sflag:s0] =	ssyncset.done @!p0 $0x0  }
0x4c: {  	[sflag:s0] =	ssyncadd.s32 @!p0 s1  }
0x4d: {  	[bflag:$0x3] =	sbarrier.arrive $0xFFFF  }
0x4e: {  	_ =	shalt  }

// kernel: kernel.23.cloned.1.call-start
scs
__scs_entry_jumppad:
0x0: {  	(pc) =	sbr.rel $0x88, $3  }
0x1: {  	(tag) =	ssettag $0x0;
	lr =	simm.s32 $0x1  }
0x2: {  	[smem:$0x3F90] =	sst lr;
	_ =	strace $0xD0000000  }
0x3: {  	_ = 	snop  }
0x4: {  	_ = 	snop  }
0x5: {  	_ = 	snop  }
0x6: {  	_ = 	snop  }
0x7: {  	_ = 	snop  }
__scs_overlays_trampoline_lowered:
0x8: {  	[smem:$0x3F9F] =	sst s0  }
0x9: {  	[smem:$0x3FA0] =	sst s1  }
0xa: {  	[smem:$0x3FA1] =	sst s2  }
0xb: {  	[smem:$0x3FA2] =	sst s3  }
0xc: {  	[smem:$0x3FA3] =	sst s4  }
0xd: {  	[smem:$0x3FA4] =	sst s5  }
0xe: {  	[smem:$0x3FA5] =	sst s6  }
0xf: {  	[smem:$0x3FA6] =	sst s7  }
0x10: {  	[smem:$0x3FA7] =	sst s8  }
0x11: {  	[smem:$0x3FA8] =	sst s9;
	s0 =	simm.s32 @!p0 $0x0  }
0x12: {  	s1 =	sld [smem:$0x3F8E];
	s0 =	simm.s32 @p0 $0x1  }
0x13: {  	[smem:$0x3FA9] =	sst s0;
	s0 =	simm.s32 @!p1 $0x0  }
0x14: {  	s2 =	sld [smem:$0x3F8D];
	s0 =	simm.s32 @p1 $0x1  }
0x15: {  	[smem:$0x3FAA] =	sst s0;
	s0 =	simm.s32 @!p2 $0x0  }
0x16: {  	s3 =	sld [smem:$0x3FDB];
	s0 =	simm.s32 @p2 $0x1  }
0x17: {  	s4 =	simm.s32 $0x1BF5;
	[smem:$0x3FAC] =	sst s0  }
0x18: {  	s0 =	sld [smem:$0x3F8F];
	_ =	swait.ge [sflag:s4], $0x0  }
0x19: {  	s7 =	sld [smem:$0x3F90]  }
0x1a: {  	s8 =	sadd.s32 $0xFFFFE003, lr  }
0x1b: {  	s9 =	sadd.s32 $0xFFFFFEF7, lr;
	s5 =	simm.s32 $0xFFFFFFFF;
	p2 =	slt.u32 s8, $0xFFFFF086  }
0x1c: {  	p1 =	slt.u32 s9, $0xF7A;
	s5 =	simm.s32 @!p2 $0x0  }
0x1d: {  	s5 =	simm.s32 @p1 $0x1;
	p0 =	seq.s32 s7, s2  }
0x1e: {  	s7 =	smul.u32 @!p0 $0xF7A, s2;
	p2 =	seq.s32 @!p0 s5, $0x0  }
0x1f: {  	s9 =	smul.u32 $0xF7A, s1;
	s8 =	simm.s32 @!p0 $0x1BF5;
	p2 =	por !p2, p0  }
0x20: {  	[sflag:s8] =	ssyncset.s32 @!p0 $0xFFFFF086;
	s6 =	sadd.s32 @!p0 s3, s7;
	s7 =	simm.s32 @!p0 $0x108  }
0x21: {  	s3 =	sadd.s32 s3, s9;
	s6 =	sadd.s32 @!p0 $0x88, s6;
	s7 =	simm.s32 @p2 $0x1082  }
0x22: {  	[simem:s7], [sflag:s8] =	dma.local @!p0 [hbm:s6], $0xF7A  }
0x23: {  	s9 =	sor.u32 $0xD0000000, s2;
	s6 =	simm.s32 $0x108;
	_ =	swait.ge @!p0 [sflag:s8], $0x0  }
0x24: {  	s3 =	sadd.s32 $0x88, s3;
	s6 =	simm.s32 @!p1 $0x1082;
	[sflag:s4] =	ssyncset.s32 $0xFFFFF086  }
0x25: {  	[simem:s6], [sflag:s4] =	dma.local [hbm:s3], $0xF7A  }
0x26: {  	[smem:$0x3F90] =	sst s1;
	(tag) =	ssettag s2;
	_ =	strace s9  }
0x27: {  	s1 =	sld [smem:$0x3FA0]  }
0x28: {  	s2 =	sld [smem:$0x3FA1]  }
0x29: {  	s4 =	sld [smem:$0x3FA3]  }
0x2a: {  	p0 =	seq.s32 s5, $0x0;
	s5 =	sld [smem:$0x3FA4]  }
0x2b: {  	s6 =	sld [smem:$0x3FA5]  }
0x2c: {  	s7 =	sld [smem:$0x3FA6]  }
0x2d: {  	s3 =	simm.s32 $0x108;
	s8 =	sld [smem:$0x3FA7]  }
0x2e: {  	s3 =	simm.s32 @!p0 $0x1082;
	s9 =	sld [smem:$0x3FA8]  }
0x2f: {  	lr =	sadd.s32 s0, s3;
	s0 =	sld [smem:$0x3F9F]  }
0x30: {  	s3 =	sld [smem:$0x3FA2]  }
0x31: {  	[smem:$0x3FAB] =	sst s10  }
0x32: {  	s10 =	sld [smem:$0x3FA9];
	_ =	sdelay $0x3  }
0x33: {  	p0 =	seq.s32 s10, $0x1;
	s10 =	sld [smem:$0x3FAB];
	_ =	sdelay $0x3  }
0x34: {  	[smem:$0x3FAB] =	sst s10  }
0x35: {  	s10 =	sld [smem:$0x3FAA];
	_ =	sdelay $0x3  }
0x36: {  	p1 =	seq.s32 s10, $0x1;
	s10 =	sld [smem:$0x3FAB];
	_ =	sdelay $0x3  }
0x37: {  	[smem:$0x3FAB] =	sst s10  }
0x38: {  	s10 =	sld [smem:$0x3FAC]  }
0x39: {  	_ = 	snop;
	(pc) =	sbr.ind lr, $3  }
0x3a: {  	_ = 	snop  }
0x3b: {  	_ = 	snop  }
0x3c: {  	p2 =	seq.s32 s10, $0x1;
	s10 =	sld [smem:$0x3FAB]  }
0x3d: {  	_ =	shalt  }
0x3e: {  	_ =	shalt  }
0x3f: {  	_ =	shalt  }
0x40: {  	_ =	shalt  }
0x41: {  	_ =	shalt  }
0x42: {  	_ =	shalt  }
0x43: {  	_ =	shalt  }
0x44: {  	_ =	shalt  }
0x45: {  	_ =	shalt  }
0x46: {  	_ =	shalt  }
0x47: {  	_ =	shalt  }
0x48: {  	_ =	shalt  }
0x49: {  	_ =	shalt  }
0x4a: {  	_ =	shalt  }
0x4b: {  	_ =	shalt  }
0x4c: {  	_ =	shalt  }
0x4d: {  	_ =	shalt  }
0x4e: {  	_ =	shalt  }
0x4f: {  	_ =	shalt  }
0x50: {  	_ =	shalt  }
0x51: {  	_ =	shalt  }
0x52: {  	_ =	shalt  }
0x53: {  	_ =	shalt  }
0x54: {  	_ =	shalt  }
0x55: {  	_ =	shalt  }
0x56: {  	_ =	shalt  }
0x57: {  	_ =	shalt  }
0x58: {  	_ =	shalt  }
0x59: {  	_ =	shalt  }
0x5a: {  	_ =	shalt  }
0x5b: {  	_ =	shalt  }
0x5c: {  	_ =	shalt  }
0x5d: {  	_ =	shalt  }
0x5e: {  	_ =	shalt  }
0x5f: {  	_ =	shalt  }
0x60: {  	_ =	shalt  }
0x61: {  	_ =	shalt  }
0x62: {  	_ =	shalt  }
0x63: {  	_ =	shalt  }
0x64: {  	_ =	shalt  }
0x65: {  	_ =	shalt  }
0x66: {  	_ =	shalt  }
0x67: {  	_ =	shalt  }
0x68: {  	_ =	shalt  }
0x69: {  	_ =	shalt  }
0x6a: {  	_ =	shalt  }
0x6b: {  	_ =	shalt  }
0x6c: {  	_ =	shalt  }
0x6d: {  	_ =	shalt  }
0x6e: {  	_ =	shalt  }
0x6f: {  	_ =	shalt  }
0x70: {  	_ =	shalt  }
0x71: {  	_ =	shalt  }
0x72: {  	_ =	shalt  }
0x73: {  	_ =	shalt  }
0x74: {  	_ =	shalt  }
0x75: {  	_ =	shalt  }
0x76: {  	_ =	shalt  }
0x77: {  	_ =	shalt  }
0x78: {  	_ =	shalt  }
0x79: {  	_ =	shalt  }
0x7a: {  	_ =	shalt  }
0x7b: {  	_ =	shalt  }
0x7c: {  	_ =	shalt  }
0x7d: {  	_ =	shalt  }
0x7e: {  	_ =	shalt  }
0x7f: {  	_ =	shalt  }
0x80: {  	_ =	shalt  }
0x81: {  	_ =	shalt  }
0x82: {  	_ =	shalt  }
0x83: {  	_ =	shalt  }
0x84: {  	_ =	shalt  }
0x85: {  	_ =	shalt  }
0x86: {  	_ =	shalt  }
0x87: {  	_ =	shalt  }
.Lfunc_end0:
.L_simem_size_0:
called_computation.2_lowered:
.L_overlay_start_0:
0x88: {  	s2 =	sld [smem:$0x3FD9]  }
0x89: {  	s3 =	sld [smem:$0x3FFE];
	_ =	sdelay $0x1  }
0x8a: {  	s1 =	srdreg.scid  }
0x8b: {  	s0 =	sand.u32 $0x1, s1  }
0x8c: {  	s16 =	sshll.u32 s0, $0xA;
	s2 =	sadd.s32 s3, s2  }
0x8d: {  	s2 =	sadd.s32 s2, s16  }
0x8e: {  	[smem:$0x3FB7] =	sst s2  }
0x8f: {  	_ = 	snop  }
0x90: {  	(tm) =	ssettm $0x1  }
0x91: {  	s17 =	sld [smem:$0x3FFB];
	_ =	sdelay $0x3  }
0x92: {  	_ =	strace s17  }
0x93: {  	s2 =	sld [smem:$0x3FFC];
	_ =	sdelay $0x3  }
0x94: {  	_ =	strace s2  }
0x95: {  	s2 =	sld [smem:$0x3FFD];
	_ =	sdelay $0x3  }
0x96: {  	_ =	strace s2  }
0x97: {  	_ =	strace $0x8FFFFFFF  }
0x98: {  	s18 =	sld [smem:$0x3FDB];
	_ =	sdelay $0x1  }
0x99: {  	s19 =	simm.s32 $_scs_section_size  }
0x9a: {  	s4 =	simm.s32 $_size__tile_overlayer_lowered;
	s5 =	simm.s32 $_tile_overlayer_lowered  }
0x9b: {  	s22 =	simm.s32 $0x1BFF;
	s21 =	sshll.u32 s5, $0x1;
	s2 =	sadd.s32 s19, s18  }
0x9c: {  	s6 =	simm.s32 $0x0;
	s20 =	sshll.u32 s4, $0x1;
	s4 =	sadd.s32 s21, s2  }
0x9d: {  	[timem:s6], [sflag:s22] =	dma.local [hbm:s4], s20  }
0x9e: {  	_ =	swait.ge [sflag:s22], s20  }
0x9f: {  	s3 =	ssub.s32 $0x0, s20;
	[sflag:s22] =	ssyncset.done $0x0  }
0xa0: {  	[sflag:s22] =	ssyncadd.s32 s3;
	_ =	sdelay $0x1  }
0xa1: {  	s23 =	simm.s32 $0x1B8B  }
0xa2: {  	_ =	swait.ge [sflag:s23], $0x1  }
0xa3: {  	[sflag:s23] =	ssyncset.done $0x0  }
0xa4: {  	s25 =	simm.s32 $0x1B8E;
	s24 =	sld [smem:$0x3FFE];
	[sflag:s23] =	ssyncadd.s32 $0xFFFFFFFF  }
0xa5: {  	s26 =	simm.s32 $execute0_lowered;
	[smem:$0x3FD2] =	sst s25  }
0xa6: {  	s4 =	sshll.u32 s26, $0x1;
	_ =	strace $0x8000004C;
	[dreg:$0x1] =	wrdreg $0xFFFFFFFF  }
0xa7: {  	s28 =	simm.s32 $_size_execute0_lowered;
	s2 =	sadd.s32 s2, s4;
	[dreg:$0x0] =	wrdreg $0x0  }
0xa8: {  	s4 =	sshll.u32 s28, $0x1;
	[dreg:$0x2] =	wrdreg s2  }
0xa9: {  	[dreg:$0x3] =	wrdreg s4  }
0xaa: {  	[dreg:$0x4] =	wrdreg $0xC0  }
0xab: {  	_ =	task [dreg:s6], $0x5FFFF  }
0xac: {  	[dreg:$0x1] =	wrdreg $0xFFFFFFFF  }
0xad: {  	[dreg:$0x0] =	wrdreg $0x60  }
0xae: {  	[dreg:$0x2] =	wrdreg s24  }
0xaf: {  	[dreg:$0x3] =	wrdreg $0x6F000  }
0xb0: {  	[dreg:$0x4] =	wrdreg $0x10D000  }
0xb1: {  	[dreg:$0x5] =	wrdreg $0x9  }
0xb2: {  	_ =	task.clear_ibuf [dreg:s6], $0x6FFFF;
	_ =	strace $0x9000004C  }
0xb3: {  	s29 =	simm.s32 $0x9;
	_ =	strace $0x8000004E  }
0xb4: {  	_ =	swait.ge [sflag:s29], $0x1  }
0xb5: {  	[sflag:s29] =	ssyncadd.s32 $0xFFFFFFFF  }
0xb6: {  	_ =	strace $0x9000004E  }
0xb7: {  	_ =	sfence  }
0xb8: {  	s30 =	sld [smem:$0x0];
	_ =	sdelay $0x2  }
0xb9: {  	s31 =	sshll.u32 s1, $0xD;
	s1 =	sshrl.u32 s1, $0x2  }
0xba: {  	s3 =	sand.u32 $0x4000, s31;
	s1 =	sadd.s32 s1, s30  }
0xbb: {  	s0 =	sor.u32 s3, s0;
	s1 =	sshll.u32 s1, $0x11  }
0xbc: {  	s0 =	sor.u32 s1, s0  }
0xbd: {  	s0 =	sadd.s32 $0x8F2B, s0  }
0xbe: {  	[sflag:s0] =	ssyncadd.remote.s32 $0x1  }
0xbf: {  	_ =	sfence.sel $0xFFFF  }
0xc0: {  	[dreg:$0x0] =	wrdreg $0xFFFFFFFF;
	(pc) =	sbr.abs _section_cstart, $3  }
0xc1: {  	[dreg:$0x1] =	wrdreg $0xFFFFFFFF  }
0xc2: {  	_ =	task.clear_ibuf [dreg:s6], $0x2FFFF;
	_ =	strace $0x9FFFFFFF  }
0xc3: {  	(tm) =	ssettm $0x7FFFFFFF  }
tec
execute0_lowered:
.L_overlay_start_1:
0x0: {  	(tag) =	ssettag $0x1  }
0x1: {  	s5 =	rddreg [dreg:$0x0];
	s1 =	srdreg.scid  }
0x2: {  	s0 =	rddreg [dreg:$0x1];
	s10 =	stileid.u32  }
0x3: {  	s2 =	rddreg [dreg:$0x2];
	s3 =	simm.s32 $0x0;
	s15 =	simm.s32 $0x80  }
0x4: {  	s16 =	simm.s32 $0x4F00;
	s17 =	simm.s32 $0x1;
	s18 =	simm.s32 $0x0  }
0x5: {  	s6 =	sand.u32 $0x1, s1;
	s7 =	smul.u32 $0x2780, s10;
	s1 =	rddreg [dreg:$0x3]  }
0x6: {  	s8 =	smul.u32 $0x9E00, s10;
	[smem:$0x7FF] =	sst s3;
	p0 =	sne.s32 s10, $0x0  }
0x7: {  	s31 =	sshll.u32 s10, $0x6;
	s10 =	simm.s32 $0x2;
	s4 =	smul.u32 $0x27800, s6  }
0x8: {  	s29 =	smul.u32 $0x9E000, s6;
	_ =	strace $0x8000004D;
	s6 =	ssub.s32 $0x2, s6  }
0x9: {  	s11 =	sshrl.u32 s8, $0x3;
	s30 =	sshrl.u32 s6, $0x1;
	s14 =	sadd.s32 s8, s0  }
0xa: {  	s4 =	sadd.s32 s7, s4;
	s7 =	sadd.s32 s8, s29;
	s11 =	sadd.s32 s11, s5  }
0xb: {  	s13 =	ssub.s32 s6, s30;
	s9 =	sshrl.u32 s4, $0x3;
	s7 =	sshrl.u32 s7, $0x3  }
0xc: {  	s4 =	sadd.s32 $0x58800, s5;
	s9 =	sadd.s32 s9, s5;
	s12 =	sadd.s32 s7, s5  }
0xd: {  	s7 =	sadd.s32 $0x7FE00, s11;
	s11 =	simm.s32 $0x2780;
	s5 =	sadd.s32 $0x76000, s9  }
0xe: {  	s6 =	sadd.s32 $0x6C200, s9;
	s8 =	sadd.s32 $0x93A00, s12;
	s9 =	smax.u32 s13, $0x1  }
0xf: {  	s12 =	sor.u32 $0x1C02, s31;
	s13 =	sshrl.u32 s14, $0x3;
	s14 =	sshrl.u32 @!p0 s2, $0x3  }
.LBB2_1:
0x10: {  	[tilespmem:s3], [sflag:$0x2] =	stream.linear.gather [hbm4b:s5+s3], $0x2780, $0x38;
	[tilespmem:$0x1A940] =	vst v63  }
0x11: {  	_ =	swait.ge [sflag:s10], $0x2780  }
0x12: {  	[sflag:s10] =	ssyncset.done $0x0  }
0x13: {  	[sflag:s10] =	ssyncadd.s32 $0xFFFFD880  }
0x14: {  	[tilespmem:s11], [sflag:$0x2] =	stream.linear.gather [hbm4b:s6+s3], $0x2780, $0x38;
	[tilespmem:$0x1A940] =	vst v63  }
0x15: {  	_ =	swait.ge [sflag:s10], $0x2780  }
0x16: {  	[sflag:s10] =	ssyncset.done $0x0  }
0x17: {  	[sflag:s10] =	ssyncadd.s32 $0xFFFFD880  }
0x18: {  	[spmem:s13], [sflag:s12] =	dma.local [hbm:s7], $0x13C0  }
0x19: {  	_ =	swait.ge [sflag:s10], $0x13C0  }
0x1a: {  	[sflag:s10] =	ssyncset.done $0x0  }
0x1b: {  	s19 =	simm.s32 @!p0 $0x2;
	[sflag:s10] =	ssyncadd.s32 $0xFFFFEC40  }
0x1c: {  	[spmem:s14], [sflag:s12] =	dma.local @!p0 [hbm:s4], $0x13880  }
0x1d: {  	_ =	swait.ge @!p0 [sflag:s19], $0x13880  }
0x1e: {  	[sflag:s19] =	ssyncset.done @!p0 $0x0  }
0x1f: {  	[sflag:s19] =	ssyncadd.s32 @!p0 $0xFFFEC780  }
0x20: {  	s30 =	simm.s32 $0x0;
	[bflag:$0x0] =	sbarrier.arrive $0xFFFF  }
0x21: {  	[tilespmem:s16], [sflag:$0x1] =	stream.indirect.gather [spmem:s2], $0x40, s30, s15, $0xb8;
	[tilespmem:$0x1A940] =	vst v63  }
0x22: {  	_ =	swait.ge [sflag:s17], $0x2000  }
0x23: {  	[sflag:s17] =	ssyncset.done $0x0  }
0x24: {  	s31 =	simm.s32 $0x2780;
	[sflag:s17] =	ssyncadd.s32 $0xFFFFE000  }
0x25: {  	[spmem:s0] =	stream.indirect.scatter.add.f32 [tilespmem:s16], [sflag:$0x1], $0x40, s31, s15, $0xb8;
	[tilespmem:$0x1A940] =	vst v63  }
0x26: {  	_ =	swait.ge [sflag:s17], $0x2000  }
0x27: {  	s20 =	simm.s32 $0x400;
	s19 =	simm.s32 $0x200;
	[sflag:s17] =	ssyncset.done $0x0  }
.LBB2_2:
0x28: {  	s21 =	sshra.s32 s19, $0x2  }
0x29: {  	[sflag:s17] =	ssyncadd.s32 $0xFFFFE000;
	s19 =	smov.u32 s20;
	s22 =	sadd.s32 $0x200, s20  }
0x2a: {  	[tilespmem:s16], [sflag:$0x1] =	stream.indirect.gather [spmem:s2], $0x40, s21, s15, $0xb8;
	[tilespmem:$0x1A940] =	vst v63  }
0x2b: {  	p1 =	sne.s32 s20, $0x9C00;
	_ =	swait.ge [sflag:s17], $0x2000  }
.Ltmp0:
0x2c: {  	[sflag:s17] =	ssyncset.done $0x0;
	(pc) =	sbr.rel @p1 .LBB2_2-.Ltmp0, $4  }
0x2d: {  	s20 =	sadd.s32 $0x2780, s21;
	[sflag:s17] =	ssyncadd.s32 $0xFFFFE000  }
0x2e: {  	[spmem:s0] =	stream.indirect.scatter.add.f32 [tilespmem:s16], [sflag:$0x1], $0x40, s20, s15, $0xb8;
	[tilespmem:$0x1A940] =	vst v63  }
0x2f: {  	_ =	swait.ge [sflag:s17], $0x2000  }
0x30: {  	s20 =	smov.u32 s22;
	[sflag:s17] =	ssyncset.done $0x0  }
0x31: {  	s19 =	sshra.s32 s19, $0x2;
	[sflag:s17] =	ssyncadd.s32 $0xFFFFE000  }
0x32: {  	[tilespmem:s16], [sflag:$0x1] =	stream.indirect.gather [spmem:s2], $0x40, s19, s15, $0xb8;
	[tilespmem:$0x1A940] =	vst v63  }
0x33: {  	_ =	swait.ge [sflag:s17], $0x2000  }
0x34: {  	[sflag:s17] =	ssyncset.done $0x0  }
0x35: {  	s19 =	sadd.s32 $0x2780, s19;
	[sflag:s17] =	ssyncadd.s32 $0xFFFFE000  }
0x36: {  	[spmem:s0] =	stream.indirect.scatter.add.f32 [tilespmem:s16], [sflag:$0x1], $0x40, s19, s15, $0xb8;
	[tilespmem:$0x1A940] =	vst v63  }
0x37: {  	_ =	swait.ge [sflag:s17], $0x2000  }
0x38: {  	s18 =	sadd.s32 $0x1, s18;
	[sflag:s17] =	ssyncset.done $0x0  }
0x39: {  	p1 =	sne.s32 s18, s9;
	[sflag:s17] =	ssyncadd.s32 $0xFFFFE000  }
.Ltmp1:
0x3a: {  	[bflag:$0x0] =	sbarrier.arrive $0xFFFF;
	(pc) =	sbr.rel @p1 .LBB2_1-.Ltmp1, $4  }
0x3b: {  	[hbm:s8], [sflag:s12] =	dma.local [spmem:s13], $0x13C0  }
0x3c: {  	_ =	swait.ge [sflag:s10], $0x13C0  }
0x3d: {  	[sflag:s10] =	ssyncset.done $0x0  }
0x3e: {  	[sflag:s10] =	ssyncadd.s32 $0xFFFFEC40  }
0x3f: {  	_ =	sfence.sel $0x180000  }
0x40: {  	[bflag:$0x0] =	sbarrier.arrive $0xFFFF  }
0x41: {  	_ =	strace $0x9000004D  }
0x42: {  	s0 =	sadd.s32 @!p0 $0x100000, s1;
	[bflag:$0x2] =	sbarrier.arrive $0xFFFF  }
0x43: {  	[sflag:s0] =	ssyncadd.tile.s32 @!p0 $0x1;
	_ =	shalt  }
.Lfunc_end2:
_tile_overlayer_lowered:
.L_overlay_start_2:
0x44: {  	(tag) =	ssettag $0x2  }
0x45: {  	s0 =	rddreg [dreg:$0x0];
	s2 =	stileid.u32  }
0x46: {  	s1 =	rddreg [dreg:$0x1];
	p0 =	sne.s32 s2, $0x0  }
0x47: {  	s3 =	rddreg [dreg:$0x2];
	[bflag:$0x3] =	sbarrier.arrive $0xFFFF;
	s2 =	simm.s32 @!p0 $0x1C02  }
0x48: {  	[timem:s3], [sflag:s2] =	dma.local @!p0 [hbm:s0], s1  }
0x49: {  	s0 =	simm.s32 @!p0 $0x2  }
0x4a: {  	_ =	swait.ge @!p0 [sflag:s0], s1  }
0x4b: {  	s1 =	ssub.s32 @!p0 $0x0, s1;
	[sflag:s0] =	ssyncset.done @!p0 $0x0  }
0x4c: {  	[sflag:s0] =	ssyncadd.s32 @!p0 s1  }
0x4d: {  	[bflag:$0x3] =	sbarrier.arrive $0xFFFF  }
0x4e: {  	_ =	shalt  }

// kernel: kernel.26.cloned.1.call-start
scs
__scs_entry_jumppad:
0x0: {  	(pc) =	sbr.rel $0x88, $3  }
0x1: {  	(tag) =	ssettag $0x0;
	lr =	simm.s32 $0x1  }
0x2: {  	[smem:$0x3F90] =	sst lr;
	_ =	strace $0xD0000000  }
0x3: {  	_ = 	snop  }
0x4: {  	_ = 	snop  }
0x5: {  	_ = 	snop  }
0x6: {  	_ = 	snop  }
0x7: {  	_ = 	snop  }
__scs_overlays_trampoline_lowered:
0x8: {  	[smem:$0x3F9F] =	sst s0  }
0x9: {  	[smem:$0x3FA0] =	sst s1  }
0xa: {  	[smem:$0x3FA1] =	sst s2  }
0xb: {  	[smem:$0x3FA2] =	sst s3  }
0xc: {  	[smem:$0x3FA3] =	sst s4  }
0xd: {  	[smem:$0x3FA4] =	sst s5  }
0xe: {  	[smem:$0x3FA5] =	sst s6  }
0xf: {  	[smem:$0x3FA6] =	sst s7  }
0x10: {  	[smem:$0x3FA7] =	sst s8  }
0x11: {  	[smem:$0x3FA8] =	sst s9;
	s0 =	simm.s32 @!p0 $0x0  }
0x12: {  	s1 =	sld [smem:$0x3F8E];
	s0 =	simm.s32 @p0 $0x1  }
0x13: {  	[smem:$0x3FA9] =	sst s0;
	s0 =	simm.s32 @!p1 $0x0  }
0x14: {  	s2 =	sld [smem:$0x3F8D];
	s0 =	simm.s32 @p1 $0x1  }
0x15: {  	[smem:$0x3FAA] =	sst s0;
	s0 =	simm.s32 @!p2 $0x0  }
0x16: {  	s3 =	sld [smem:$0x3FDB];
	s0 =	simm.s32 @p2 $0x1  }
0x17: {  	s4 =	simm.s32 $0x1BF5;
	[smem:$0x3FAC] =	sst s0  }
0x18: {  	s0 =	sld [smem:$0x3F8F];
	_ =	swait.ge [sflag:s4], $0x0  }
0x19: {  	s7 =	sld [smem:$0x3F90]  }
0x1a: {  	s8 =	sadd.s32 $0xFFFFE003, lr  }
0x1b: {  	s9 =	sadd.s32 $0xFFFFFEF7, lr;
	s5 =	simm.s32 $0xFFFFFFFF;
	p2 =	slt.u32 s8, $0xFFFFF086  }
0x1c: {  	p1 =	slt.u32 s9, $0xF7A;
	s5 =	simm.s32 @!p2 $0x0  }
0x1d: {  	s5 =	simm.s32 @p1 $0x1;
	p0 =	seq.s32 s7, s2  }
0x1e: {  	s7 =	smul.u32 @!p0 $0xF7A, s2;
	p2 =	seq.s32 @!p0 s5, $0x0  }
0x1f: {  	s9 =	smul.u32 $0xF7A, s1;
	s8 =	simm.s32 @!p0 $0x1BF5;
	p2 =	por !p2, p0  }
0x20: {  	[sflag:s8] =	ssyncset.s32 @!p0 $0xFFFFF086;
	s6 =	sadd.s32 @!p0 s3, s7;
	s7 =	simm.s32 @!p0 $0x108  }
0x21: {  	s3 =	sadd.s32 s3, s9;
	s6 =	sadd.s32 @!p0 $0x88, s6;
	s7 =	simm.s32 @p2 $0x1082  }
0x22: {  	[simem:s7], [sflag:s8] =	dma.local @!p0 [hbm:s6], $0xF7A  }
0x23: {  	s9 =	sor.u32 $0xD0000000, s2;
	s6 =	simm.s32 $0x108;
	_ =	swait.ge @!p0 [sflag:s8], $0x0  }
0x24: {  	s3 =	sadd.s32 $0x88, s3;
	s6 =	simm.s32 @!p1 $0x1082;
	[sflag:s4] =	ssyncset.s32 $0xFFFFF086  }
0x25: {  	[simem:s6], [sflag:s4] =	dma.local [hbm:s3], $0xF7A  }
0x26: {  	[smem:$0x3F90] =	sst s1;
	(tag) =	ssettag s2;
	_ =	strace s9  }
0x27: {  	s1 =	sld [smem:$0x3FA0]  }
0x28: {  	s2 =	sld [smem:$0x3FA1]  }
0x29: {  	s4 =	sld [smem:$0x3FA3]  }
0x2a: {  	p0 =	seq.s32 s5, $0x0;
	s5 =	sld [smem:$0x3FA4]  }
0x2b: {  	s6 =	sld [smem:$0x3FA5]  }
0x2c: {  	s7 =	sld [smem:$0x3FA6]  }
0x2d: {  	s3 =	simm.s32 $0x108;
	s8 =	sld [smem:$0x3FA7]  }
0x2e: {  	s3 =	simm.s32 @!p0 $0x1082;
	s9 =	sld [smem:$0x3FA8]  }
0x2f: {  	lr =	sadd.s32 s0, s3;
	s0 =	sld [smem:$0x3F9F]  }
0x30: {  	s3 =	sld [smem:$0x3FA2]  }
0x31: {  	[smem:$0x3FAB] =	sst s10  }
0x32: {  	s10 =	sld [smem:$0x3FA9];
	_ =	sdelay $0x3  }
0x33: {  	p0 =	seq.s32 s10, $0x1;
	s10 =	sld [smem:$0x3FAB];
	_ =	sdelay $0x3  }
0x34: {  	[smem:$0x3FAB] =	sst s10  }
0x35: {  	s10 =	sld [smem:$0x3FAA];
	_ =	sdelay $0x3  }
0x36: {  	p1 =	seq.s32 s10, $0x1;
	s10 =	sld [smem:$0x3FAB];
	_ =	sdelay $0x3  }
0x37: {  	[smem:$0x3FAB] =	sst s10  }
0x38: {  	s10 =	sld [smem:$0x3FAC]  }
0x39: {  	_ = 	snop;
	(pc) =	sbr.ind lr, $3  }
0x3a: {  	_ = 	snop  }
0x3b: {  	_ = 	snop  }
0x3c: {  	p2 =	seq.s32 s10, $0x1;
	s10 =	sld [smem:$0x3FAB]  }
0x3d: {  	_ =	shalt  }
0x3e: {  	_ =	shalt  }
0x3f: {  	_ =	shalt  }
0x40: {  	_ =	shalt  }
0x41: {  	_ =	shalt  }
0x42: {  	_ =	shalt  }
0x43: {  	_ =	shalt  }
0x44: {  	_ =	shalt  }
0x45: {  	_ =	shalt  }
0x46: {  	_ =	shalt  }
0x47: {  	_ =	shalt  }
0x48: {  	_ =	shalt  }
0x49: {  	_ =	shalt  }
0x4a: {  	_ =	shalt  }
0x4b: {  	_ =	shalt  }
0x4c: {  	_ =	shalt  }
0x4d: {  	_ =	shalt  }
0x4e: {  	_ =	shalt  }
0x4f: {  	_ =	shalt  }
0x50: {  	_ =	shalt  }
0x51: {  	_ =	shalt  }
0x52: {  	_ =	shalt  }
0x53: {  	_ =	shalt  }
0x54: {  	_ =	shalt  }
0x55: {  	_ =	shalt  }
0x56: {  	_ =	shalt  }
0x57: {  	_ =	shalt  }
0x58: {  	_ =	shalt  }
0x59: {  	_ =	shalt  }
0x5a: {  	_ =	shalt  }
0x5b: {  	_ =	shalt  }
0x5c: {  	_ =	shalt  }
0x5d: {  	_ =	shalt  }
0x5e: {  	_ =	shalt  }
0x5f: {  	_ =	shalt  }
0x60: {  	_ =	shalt  }
0x61: {  	_ =	shalt  }
0x62: {  	_ =	shalt  }
0x63: {  	_ =	shalt  }
0x64: {  	_ =	shalt  }
0x65: {  	_ =	shalt  }
0x66: {  	_ =	shalt  }
0x67: {  	_ =	shalt  }
0x68: {  	_ =	shalt  }
0x69: {  	_ =	shalt  }
0x6a: {  	_ =	shalt  }
0x6b: {  	_ =	shalt  }
0x6c: {  	_ =	shalt  }
0x6d: {  	_ =	shalt  }
0x6e: {  	_ =	shalt  }
0x6f: {  	_ =	shalt  }
0x70: {  	_ =	shalt  }
0x71: {  	_ =	shalt  }
0x72: {  	_ =	shalt  }
0x73: {  	_ =	shalt  }
0x74: {  	_ =	shalt  }
0x75: {  	_ =	shalt  }
0x76: {  	_ =	shalt  }
0x77: {  	_ =	shalt  }
0x78: {  	_ =	shalt  }
0x79: {  	_ =	shalt  }
0x7a: {  	_ =	shalt  }
0x7b: {  	_ =	shalt  }
0x7c: {  	_ =	shalt  }
0x7d: {  	_ =	shalt  }
0x7e: {  	_ =	shalt  }
0x7f: {  	_ =	shalt  }
0x80: {  	_ =	shalt  }
0x81: {  	_ =	shalt  }
0x82: {  	_ =	shalt  }
0x83: {  	_ =	shalt  }
0x84: {  	_ =	shalt  }
0x85: {  	_ =	shalt  }
0x86: {  	_ =	shalt  }
0x87: {  	_ =	shalt  }
.Lfunc_end0:
.L_simem_size_0:
called_computation.3_lowered:
.L_overlay_start_0:
0x88: {  	s2 =	sld [smem:$0x3FD9]  }
0x89: {  	s3 =	sld [smem:$0x3FFE];
	_ =	sdelay $0x1  }
0x8a: {  	s1 =	srdreg.scid  }
0x8b: {  	s0 =	sand.u32 $0x1, s1  }
0x8c: {  	s16 =	sshll.u32 s0, $0xA;
	s2 =	sadd.s32 s3, s2  }
0x8d: {  	s2 =	sadd.s32 s2, s16  }
0x8e: {  	[smem:$0x3FB7] =	sst s2  }
0x8f: {  	_ = 	snop  }
0x90: {  	(tm) =	ssettm $0x1  }
0x91: {  	s17 =	sld [smem:$0x3FFB];
	_ =	sdelay $0x3  }
0x92: {  	_ =	strace s17  }
0x93: {  	s2 =	sld [smem:$0x3FFC];
	_ =	sdelay $0x3  }
0x94: {  	_ =	strace s2  }
0x95: {  	s2 =	sld [smem:$0x3FFD];
	_ =	sdelay $0x3  }
0x96: {  	_ =	strace s2  }
0x97: {  	_ =	strace $0x8FFFFFFF  }
0x98: {  	s18 =	sld [smem:$0x3FDB];
	_ =	sdelay $0x1  }
0x99: {  	s19 =	simm.s32 $_scs_section_size  }
0x9a: {  	s4 =	simm.s32 $_size__tile_overlayer_lowered;
	s5 =	simm.s32 $_tile_overlayer_lowered  }
0x9b: {  	s22 =	simm.s32 $0x1BFF;
	s21 =	sshll.u32 s5, $0x1;
	s2 =	sadd.s32 s19, s18  }
0x9c: {  	s6 =	simm.s32 $0x0;
	s20 =	sshll.u32 s4, $0x1;
	s4 =	sadd.s32 s21, s2  }
0x9d: {  	[timem:s6], [sflag:s22] =	dma.local [hbm:s4], s20  }
0x9e: {  	_ =	swait.ge [sflag:s22], s20  }
0x9f: {  	s3 =	ssub.s32 $0x0, s20;
	[sflag:s22] =	ssyncset.done $0x0  }
0xa0: {  	[sflag:s22] =	ssyncadd.s32 s3;
	_ =	sdelay $0x1  }
0xa1: {  	s23 =	simm.s32 $0x1B8B  }
0xa2: {  	_ =	swait.ge [sflag:s23], $0x1  }
0xa3: {  	[sflag:s23] =	ssyncset.done $0x0  }
0xa4: {  	s25 =	simm.s32 $0x1B8E;
	s24 =	sld [smem:$0x3FFE];
	[sflag:s23] =	ssyncadd.s32 $0xFFFFFFFF  }
0xa5: {  	s26 =	simm.s32 $execute0_lowered;
	[smem:$0x3FD2] =	sst s25  }
0xa6: {  	s4 =	sshll.u32 s26, $0x1;
	_ =	strace $0x8000004F;
	[dreg:$0x1] =	wrdreg $0xFFFFFFFF  }
0xa7: {  	s28 =	simm.s32 $_size_execute0_lowered;
	s2 =	sadd.s32 s2, s4;
	[dreg:$0x0] =	wrdreg $0x0  }
0xa8: {  	s4 =	sshll.u32 s28, $0x1;
	[dreg:$0x2] =	wrdreg s2  }
0xa9: {  	[dreg:$0x3] =	wrdreg s4  }
0xaa: {  	[dreg:$0x4] =	wrdreg $0xC0  }
0xab: {  	_ =	task [dreg:s6], $0x5FFFF  }
0xac: {  	[dreg:$0x1] =	wrdreg $0xFFFFFFFF  }
0xad: {  	[dreg:$0x0] =	wrdreg $0x60  }
0xae: {  	[dreg:$0x2] =	wrdreg s24  }
0xaf: {  	[dreg:$0x3] =	wrdreg $0x6F000  }
0xb0: {  	[dreg:$0x4] =	wrdreg $0x10D000  }
0xb1: {  	[dreg:$0x5] =	wrdreg $0x9  }
0xb2: {  	_ =	task.clear_ibuf [dreg:s6], $0x6FFFF;
	_ =	strace $0x9000004F  }
0xb3: {  	s29 =	simm.s32 $0x9;
	_ =	strace $0x80000051  }
0xb4: {  	_ =	swait.ge [sflag:s29], $0x1  }
0xb5: {  	[sflag:s29] =	ssyncadd.s32 $0xFFFFFFFF  }
0xb6: {  	_ =	strace $0x90000051  }
0xb7: {  	_ =	sfence  }
0xb8: {  	s30 =	sld [smem:$0x0];
	_ =	sdelay $0x2  }
0xb9: {  	s31 =	sshll.u32 s1, $0xD;
	s1 =	sshrl.u32 s1, $0x2  }
0xba: {  	s3 =	sand.u32 $0x4000, s31;
	s1 =	sadd.s32 s1, s30  }
0xbb: {  	s0 =	sor.u32 s3, s0;
	s1 =	sshll.u32 s1, $0x11  }
0xbc: {  	s0 =	sor.u32 s1, s0  }
0xbd: {  	s0 =	sadd.s32 $0x8F2B, s0  }
0xbe: {  	[sflag:s0] =	ssyncadd.remote.s32 $0x1  }
0xbf: {  	_ =	sfence.sel $0xFFFF  }
0xc0: {  	[dreg:$0x0] =	wrdreg $0xFFFFFFFF;
	(pc) =	sbr.abs _section_cstart, $3  }
0xc1: {  	[dreg:$0x1] =	wrdreg $0xFFFFFFFF  }
0xc2: {  	_ =	task.clear_ibuf [dreg:s6], $0x2FFFF;
	_ =	strace $0x9FFFFFFF  }
0xc3: {  	(tm) =	ssettm $0x7FFFFFFF  }
tec
execute0_lowered:
.L_overlay_start_1:
0x0: {  	(tag) =	ssettag $0x1  }
0x1: {  	s5 =	rddreg [dreg:$0x0];
	s1 =	srdreg.scid  }
0x2: {  	s0 =	rddreg [dreg:$0x1];
	s10 =	stileid.u32  }
0x3: {  	s2 =	rddreg [dreg:$0x2];
	s3 =	simm.s32 $0x0;
	s15 =	simm.s32 $0x80  }
0x4: {  	s16 =	simm.s32 $0x4F00;
	s17 =	simm.s32 $0x1;
	s18 =	simm.s32 $0x0  }
0x5: {  	s6 =	sand.u32 $0x1, s1;
	s7 =	smul.u32 $0x2780, s10;
	s1 =	rddreg [dreg:$0x3]  }
0x6: {  	s8 =	smul.u32 $0x9E00, s10;
	[smem:$0x7FF] =	sst s3;
	p0 =	sne.s32 s10, $0x0  }
0x7: {  	s31 =	sshll.u32 s10, $0x6;
	s10 =	simm.s32 $0x2;
	s4 =	smul.u32 $0x27800, s6  }
0x8: {  	s29 =	smul.u32 $0x9E000, s6;
	_ =	strace $0x80000050;
	s6 =	ssub.s32 $0x2, s6  }
0x9: {  	s11 =	sshrl.u32 s8, $0x3;
	s30 =	sshrl.u32 s6, $0x1;
	s14 =	sadd.s32 s8, s0  }
0xa: {  	s4 =	sadd.s32 s7, s4;
	s7 =	sadd.s32 s8, s29;
	s11 =	sadd.s32 s11, s5  }
0xb: {  	s13 =	ssub.s32 s6, s30;
	s9 =	sshrl.u32 s4, $0x3;
	s7 =	sshrl.u32 s7, $0x3  }
0xc: {  	s4 =	sadd.s32 $0x31600, s5;
	s9 =	sadd.s32 s9, s5;
	s12 =	sadd.s32 s7, s5  }
0xd: {  	s7 =	sadd.s32 $0x7FE00, s11;
	s11 =	simm.s32 $0x2780;
	s5 =	sadd.s32 $0x76000, s9  }
0xe: {  	s6 =	sadd.s32 $0x6C200, s9;
	s8 =	sadd.s32 $0x93A00, s12;
	s9 =	smax.u32 s13, $0x1  }
0xf: {  	s12 =	sor.u32 $0x1C02, s31;
	s13 =	sshrl.u32 s14, $0x3;
	s14 =	sshrl.u32 @!p0 s2, $0x3  }
.LBB2_1:
0x10: {  	[tilespmem:s3], [sflag:$0x2] =	stream.linear.gather [hbm4b:s5+s3], $0x2780, $0x38;
	[tilespmem:$0x1A940] =	vst v63  }
0x11: {  	_ =	swait.ge [sflag:s10], $0x2780  }
0x12: {  	[sflag:s10] =	ssyncset.done $0x0  }
0x13: {  	[sflag:s10] =	ssyncadd.s32 $0xFFFFD880  }
0x14: {  	[tilespmem:s11], [sflag:$0x2] =	stream.linear.gather [hbm4b:s6+s3], $0x2780, $0x38;
	[tilespmem:$0x1A940] =	vst v63  }
0x15: {  	_ =	swait.ge [sflag:s10], $0x2780  }
0x16: {  	[sflag:s10] =	ssyncset.done $0x0  }
0x17: {  	[sflag:s10] =	ssyncadd.s32 $0xFFFFD880  }
0x18: {  	[spmem:s13], [sflag:s12] =	dma.local [hbm:s7], $0x13C0  }
0x19: {  	_ =	swait.ge [sflag:s10], $0x13C0  }
0x1a: {  	[sflag:s10] =	ssyncset.done $0x0  }
0x1b: {  	s19 =	simm.s32 @!p0 $0x2;
	[sflag:s10] =	ssyncadd.s32 $0xFFFFEC40  }
0x1c: {  	[spmem:s14], [sflag:s12] =	dma.local @!p0 [hbm:s4], $0x13880  }
0x1d: {  	_ =	swait.ge @!p0 [sflag:s19], $0x13880  }
0x1e: {  	[sflag:s19] =	ssyncset.done @!p0 $0x0  }
0x1f: {  	[sflag:s19] =	ssyncadd.s32 @!p0 $0xFFFEC780  }
0x20: {  	s30 =	simm.s32 $0x0;
	[bflag:$0x0] =	sbarrier.arrive $0xFFFF  }
0x21: {  	[tilespmem:s16], [sflag:$0x1] =	stream.indirect.gather [spmem:s2], $0x40, s30, s15, $0xb8;
	[tilespmem:$0x1A940] =	vst v63  }
0x22: {  	_ =	swait.ge [sflag:s17], $0x2000  }
0x23: {  	[sflag:s17] =	ssyncset.done $0x0  }
0x24: {  	s31 =	simm.s32 $0x2780;
	[sflag:s17] =	ssyncadd.s32 $0xFFFFE000  }
0x25: {  	[spmem:s0] =	stream.indirect.scatter.add.f32 [tilespmem:s16], [sflag:$0x1], $0x40, s31, s15, $0xb8;
	[tilespmem:$0x1A940] =	vst v63  }
0x26: {  	_ =	swait.ge [sflag:s17], $0x2000  }
0x27: {  	s20 =	simm.s32 $0x400;
	s19 =	simm.s32 $0x200;
	[sflag:s17] =	ssyncset.done $0x0  }
.LBB2_2:
0x28: {  	s21 =	sshra.s32 s19, $0x2  }
0x29: {  	[sflag:s17] =	ssyncadd.s32 $0xFFFFE000;
	s19 =	smov.u32 s20;
	s22 =	sadd.s32 $0x200, s20  }
0x2a: {  	[tilespmem:s16], [sflag:$0x1] =	stream.indirect.gather [spmem:s2], $0x40, s21, s15, $0xb8;
	[tilespmem:$0x1A940] =	vst v63  }
0x2b: {  	p1 =	sne.s32 s20, $0x9C00;
	_ =	swait.ge [sflag:s17], $0x2000  }
.Ltmp0:
0x2c: {  	[sflag:s17] =	ssyncset.done $0x0;
	(pc) =	sbr.rel @p1 .LBB2_2-.Ltmp0, $4  }
0x2d: {  	s20 =	sadd.s32 $0x2780, s21;
	[sflag:s17] =	ssyncadd.s32 $0xFFFFE000  }
0x2e: {  	[spmem:s0] =	stream.indirect.scatter.add.f32 [tilespmem:s16], [sflag:$0x1], $0x40, s20, s15, $0xb8;
	[tilespmem:$0x1A940] =	vst v63  }
0x2f: {  	_ =	swait.ge [sflag:s17], $0x2000  }
0x30: {  	s20 =	smov.u32 s22;
	[sflag:s17] =	ssyncset.done $0x0  }
0x31: {  	s19 =	sshra.s32 s19, $0x2;
	[sflag:s17] =	ssyncadd.s32 $0xFFFFE000  }
0x32: {  	[tilespmem:s16], [sflag:$0x1] =	stream.indirect.gather [spmem:s2], $0x40, s19, s15, $0xb8;
	[tilespmem:$0x1A940] =	vst v63  }
0x33: {  	_ =	swait.ge [sflag:s17], $0x2000  }
0x34: {  	[sflag:s17] =	ssyncset.done $0x0  }
0x35: {  	s19 =	sadd.s32 $0x2780, s19;
	[sflag:s17] =	ssyncadd.s32 $0xFFFFE000  }
0x36: {  	[spmem:s0] =	stream.indirect.scatter.add.f32 [tilespmem:s16], [sflag:$0x1], $0x40, s19, s15, $0xb8;
	[tilespmem:$0x1A940] =	vst v63  }
0x37: {  	_ =	swait.ge [sflag:s17], $0x2000  }
0x38: {  	s18 =	sadd.s32 $0x1, s18;
	[sflag:s17] =	ssyncset.done $0x0  }
0x39: {  	p1 =	sne.s32 s18, s9;
	[sflag:s17] =	ssyncadd.s32 $0xFFFFE000  }
.Ltmp1:
0x3a: {  	[bflag:$0x0] =	sbarrier.arrive $0xFFFF;
	(pc) =	sbr.rel @p1 .LBB2_1-.Ltmp1, $4  }
0x3b: {  	[hbm:s8], [sflag:s12] =	dma.local [spmem:s13], $0x13C0  }
0x3c: {  	_ =	swait.ge [sflag:s10], $0x13C0  }
0x3d: {  	[sflag:s10] =	ssyncset.done $0x0  }
0x3e: {  	[sflag:s10] =	ssyncadd.s32 $0xFFFFEC40  }
0x3f: {  	_ =	sfence.sel $0x180000  }
0x40: {  	[bflag:$0x0] =	sbarrier.arrive $0xFFFF  }
0x41: {  	_ =	strace $0x90000050  }
0x42: {  	s0 =	sadd.s32 @!p0 $0x100000, s1;
	[bflag:$0x2] =	sbarrier.arrive $0xFFFF  }
0x43: {  	[sflag:s0] =	ssyncadd.tile.s32 @!p0 $0x1;
	_ =	shalt  }
.Lfunc_end2:
_tile_overlayer_lowered:
.L_overlay_start_2:
0x44: {  	(tag) =	ssettag $0x2  }
0x45: {  	s0 =	rddreg [dreg:$0x0];
	s2 =	stileid.u32  }
0x46: {  	s1 =	rddreg [dreg:$0x1];
	p0 =	sne.s32 s2, $0x0  }
0x47: {  	s3 =	rddreg [dreg:$0x2];
	[bflag:$0x3] =	sbarrier.arrive $0xFFFF;
	s2 =	simm.s32 @!p0 $0x1C02  }
0x48: {  	[timem:s3], [sflag:s2] =	dma.local @!p0 [hbm:s0], s1  }
0x49: {  	s0 =	simm.s32 @!p0 $0x2  }
0x4a: {  	_ =	swait.ge @!p0 [sflag:s0], s1  }
0x4b: {  	s1 =	ssub.s32 @!p0 $0x0, s1;
	[sflag:s0] =	ssyncset.done @!p0 $0x0  }
0x4c: {  	[sflag:s0] =	ssyncadd.s32 @!p0 s1  }
0x4d: {  	[bflag:$0x3] =	sbarrier.arrive $0xFFFF  }
0x4e: {  	_ =	shalt  }

// kernel: kernel.29.cloned.1.call-start
scs
__scs_entry_jumppad:
0x0: {  	(pc) =	sbr.rel $0x88, $3  }
0x1: {  	(tag) =	ssettag $0x0;
	lr =	simm.s32 $0x1  }
0x2: {  	[smem:$0x3F90] =	sst lr;
	_ =	strace $0xD0000000  }
0x3: {  	_ = 	snop  }
0x4: {  	_ = 	snop  }
0x5: {  	_ = 	snop  }
0x6: {  	_ = 	snop  }
0x7: {  	_ = 	snop  }
__scs_overlays_trampoline_lowered:
0x8: {  	[smem:$0x3F9F] =	sst s0  }
0x9: {  	[smem:$0x3FA0] =	sst s1  }
0xa: {  	[smem:$0x3FA1] =	sst s2  }
0xb: {  	[smem:$0x3FA2] =	sst s3  }
0xc: {  	[smem:$0x3FA3] =	sst s4  }
0xd: {  	[smem:$0x3FA4] =	sst s5  }
0xe: {  	[smem:$0x3FA5] =	sst s6  }
0xf: {  	[smem:$0x3FA6] =	sst s7  }
0x10: {  	[smem:$0x3FA7] =	sst s8  }
0x11: {  	[smem:$0x3FA8] =	sst s9;
	s0 =	simm.s32 @!p0 $0x0  }
0x12: {  	s1 =	sld [smem:$0x3F8E];
	s0 =	simm.s32 @p0 $0x1  }
0x13: {  	[smem:$0x3FA9] =	sst s0;
	s0 =	simm.s32 @!p1 $0x0  }
0x14: {  	s2 =	sld [smem:$0x3F8D];
	s0 =	simm.s32 @p1 $0x1  }
0x15: {  	[smem:$0x3FAA] =	sst s0;
	s0 =	simm.s32 @!p2 $0x0  }
0x16: {  	s3 =	sld [smem:$0x3FDB];
	s0 =	simm.s32 @p2 $0x1  }
0x17: {  	s4 =	simm.s32 $0x1BF5;
	[smem:$0x3FAC] =	sst s0  }
0x18: {  	s0 =	sld [smem:$0x3F8F];
	_ =	swait.ge [sflag:s4], $0x0  }
0x19: {  	s7 =	sld [smem:$0x3F90]  }
0x1a: {  	s8 =	sadd.s32 $0xFFFFE003, lr  }
0x1b: {  	s9 =	sadd.s32 $0xFFFFFEF7, lr;
	s5 =	simm.s32 $0xFFFFFFFF;
	p2 =	slt.u32 s8, $0xFFFFF086  }
0x1c: {  	p1 =	slt.u32 s9, $0xF7A;
	s5 =	simm.s32 @!p2 $0x0  }
0x1d: {  	s5 =	simm.s32 @p1 $0x1;
	p0 =	seq.s32 s7, s2  }
0x1e: {  	s7 =	smul.u32 @!p0 $0xF7A, s2;
	p2 =	seq.s32 @!p0 s5, $0x0  }
0x1f: {  	s9 =	smul.u32 $0xF7A, s1;
	s8 =	simm.s32 @!p0 $0x1BF5;
	p2 =	por !p2, p0  }
0x20: {  	[sflag:s8] =	ssyncset.s32 @!p0 $0xFFFFF086;
	s6 =	sadd.s32 @!p0 s3, s7;
	s7 =	simm.s32 @!p0 $0x108  }
0x21: {  	s3 =	sadd.s32 s3, s9;
	s6 =	sadd.s32 @!p0 $0x88, s6;
	s7 =	simm.s32 @p2 $0x1082  }
0x22: {  	[simem:s7], [sflag:s8] =	dma.local @!p0 [hbm:s6], $0xF7A  }
0x23: {  	s9 =	sor.u32 $0xD0000000, s2;
	s6 =	simm.s32 $0x108;
	_ =	swait.ge @!p0 [sflag:s8], $0x0  }
0x24: {  	s3 =	sadd.s32 $0x88, s3;
	s6 =	simm.s32 @!p1 $0x1082;
	[sflag:s4] =	ssyncset.s32 $0xFFFFF086  }
0x25: {  	[simem:s6], [sflag:s4] =	dma.local [hbm:s3], $0xF7A  }
0x26: {  	[smem:$0x3F90] =	sst s1;
	(tag) =	ssettag s2;
	_ =	strace s9  }
0x27: {  	s1 =	sld [smem:$0x3FA0]  }
0x28: {  	s2 =	sld [smem:$0x3FA1]  }
0x29: {  	s4 =	sld [smem:$0x3FA3]  }
0x2a: {  	p0 =	seq.s32 s5, $0x0;
	s5 =	sld [smem:$0x3FA4]  }
0x2b: {  	s6 =	sld [smem:$0x3FA5]  }
0x2c: {  	s7 =	sld [smem:$0x3FA6]  }
0x2d: {  	s3 =	simm.s32 $0x108;
	s8 =	sld [smem:$0x3FA7]  }
0x2e: {  	s3 =	simm.s32 @!p0 $0x1082;
	s9 =	sld [smem:$0x3FA8]  }
0x2f: {  	lr =	sadd.s32 s0, s3;
	s0 =	sld [smem:$0x3F9F]  }
0x30: {  	s3 =	sld [smem:$0x3FA2]  }
0x31: {  	[smem:$0x3FAB] =	sst s10  }
0x32: {  	s10 =	sld [smem:$0x3FA9];
	_ =	sdelay $0x3  }
0x33: {  	p0 =	seq.s32 s10, $0x1;
	s10 =	sld [smem:$0x3FAB];
	_ =	sdelay $0x3  }
0x34: {  	[smem:$0x3FAB] =	sst s10  }
0x35: {  	s10 =	sld [smem:$0x3FAA];
	_ =	sdelay $0x3  }
0x36: {  	p1 =	seq.s32 s10, $0x1;
	s10 =	sld [smem:$0x3FAB];
	_ =	sdelay $0x3  }
0x37: {  	[smem:$0x3FAB] =	sst s10  }
0x38: {  	s10 =	sld [smem:$0x3FAC]  }
0x39: {  	_ = 	snop;
	(pc) =	sbr.ind lr, $3  }
0x3a: {  	_ = 	snop  }
0x3b: {  	_ = 	snop  }
0x3c: {  	p2 =	seq.s32 s10, $0x1;
	s10 =	sld [smem:$0x3FAB]  }
0x3d: {  	_ =	shalt  }
0x3e: {  	_ =	shalt  }
0x3f: {  	_ =	shalt  }
0x40: {  	_ =	shalt  }
0x41: {  	_ =	shalt  }
0x42: {  	_ =	shalt  }
0x43: {  	_ =	shalt  }
0x44: {  	_ =	shalt  }
0x45: {  	_ =	shalt  }
0x46: {  	_ =	shalt  }
0x47: {  	_ =	shalt  }
0x48: {  	_ =	shalt  }
0x49: {  	_ =	shalt  }
0x4a: {  	_ =	shalt  }
0x4b: {  	_ =	shalt  }
0x4c: {  	_ =	shalt  }
0x4d: {  	_ =	shalt  }
0x4e: {  	_ =	shalt  }
0x4f: {  	_ =	shalt  }
0x50: {  	_ =	shalt  }
0x51: {  	_ =	shalt  }
0x52: {  	_ =	shalt  }
0x53: {  	_ =	shalt  }
0x54: {  	_ =	shalt  }
0x55: {  	_ =	shalt  }
0x56: {  	_ =	shalt  }
0x57: {  	_ =	shalt  }
0x58: {  	_ =	shalt  }
0x59: {  	_ =	shalt  }
0x5a: {  	_ =	shalt  }
0x5b: {  	_ =	shalt  }
0x5c: {  	_ =	shalt  }
0x5d: {  	_ =	shalt  }
0x5e: {  	_ =	shalt  }
0x5f: {  	_ =	shalt  }
0x60: {  	_ =	shalt  }
0x61: {  	_ =	shalt  }
0x62: {  	_ =	shalt  }
0x63: {  	_ =	shalt  }
0x64: {  	_ =	shalt  }
0x65: {  	_ =	shalt  }
0x66: {  	_ =	shalt  }
0x67: {  	_ =	shalt  }
0x68: {  	_ =	shalt  }
0x69: {  	_ =	shalt  }
0x6a: {  	_ =	shalt  }
0x6b: {  	_ =	shalt  }
0x6c: {  	_ =	shalt  }
0x6d: {  	_ =	shalt  }
0x6e: {  	_ =	shalt  }
0x6f: {  	_ =	shalt  }
0x70: {  	_ =	shalt  }
0x71: {  	_ =	shalt  }
0x72: {  	_ =	shalt  }
0x73: {  	_ =	shalt  }
0x74: {  	_ =	shalt  }
0x75: {  	_ =	shalt  }
0x76: {  	_ =	shalt  }
0x77: {  	_ =	shalt  }
0x78: {  	_ =	shalt  }
0x79: {  	_ =	shalt  }
0x7a: {  	_ =	shalt  }
0x7b: {  	_ =	shalt  }
0x7c: {  	_ =	shalt  }
0x7d: {  	_ =	shalt  }
0x7e: {  	_ =	shalt  }
0x7f: {  	_ =	shalt  }
0x80: {  	_ =	shalt  }
0x81: {  	_ =	shalt  }
0x82: {  	_ =	shalt  }
0x83: {  	_ =	shalt  }
0x84: {  	_ =	shalt  }
0x85: {  	_ =	shalt  }
0x86: {  	_ =	shalt  }
0x87: {  	_ =	shalt  }
.Lfunc_end0:
.L_simem_size_0:
called_computation.4_lowered:
.L_overlay_start_0:
0x88: {  	s2 =	sld [smem:$0x3FD9]  }
0x89: {  	s3 =	sld [smem:$0x3FFE];
	_ =	sdelay $0x1  }
0x8a: {  	s1 =	srdreg.scid  }
0x8b: {  	s0 =	sand.u32 $0x1, s1  }
0x8c: {  	s16 =	sshll.u32 s0, $0xA;
	s2 =	sadd.s32 s3, s2  }
0x8d: {  	s2 =	sadd.s32 s2, s16  }
0x8e: {  	[smem:$0x3FB7] =	sst s2  }
0x8f: {  	_ = 	snop  }
0x90: {  	(tm) =	ssettm $0x1  }
0x91: {  	s17 =	sld [smem:$0x3FFB];
	_ =	sdelay $0x3  }
0x92: {  	_ =	strace s17  }
0x93: {  	s2 =	sld [smem:$0x3FFC];
	_ =	sdelay $0x3  }
0x94: {  	_ =	strace s2  }
0x95: {  	s2 =	sld [smem:$0x3FFD];
	_ =	sdelay $0x3  }
0x96: {  	_ =	strace s2  }
0x97: {  	_ =	strace $0x8FFFFFFF  }
0x98: {  	s18 =	sld [smem:$0x3FDB];
	_ =	sdelay $0x1  }
0x99: {  	s19 =	simm.s32 $_scs_section_size  }
0x9a: {  	s4 =	simm.s32 $_size__tile_overlayer_lowered;
	s5 =	simm.s32 $_tile_overlayer_lowered  }
0x9b: {  	s22 =	simm.s32 $0x1BFF;
	s21 =	sshll.u32 s5, $0x1;
	s2 =	sadd.s32 s19, s18  }
0x9c: {  	s6 =	simm.s32 $0x0;
	s20 =	sshll.u32 s4, $0x1;
	s4 =	sadd.s32 s21, s2  }
0x9d: {  	[timem:s6], [sflag:s22] =	dma.local [hbm:s4], s20  }
0x9e: {  	_ =	swait.ge [sflag:s22], s20  }
0x9f: {  	s3 =	ssub.s32 $0x0, s20;
	[sflag:s22] =	ssyncset.done $0x0  }
0xa0: {  	[sflag:s22] =	ssyncadd.s32 s3;
	_ =	sdelay $0x1  }
0xa1: {  	s23 =	simm.s32 $0x1B8B  }
0xa2: {  	_ =	swait.ge [sflag:s23], $0x1  }
0xa3: {  	[sflag:s23] =	ssyncset.done $0x0  }
0xa4: {  	s25 =	simm.s32 $0x1B8E;
	s24 =	sld [smem:$0x3FFE];
	[sflag:s23] =	ssyncadd.s32 $0xFFFFFFFF  }
0xa5: {  	s26 =	simm.s32 $execute0_lowered;
	[smem:$0x3FD2] =	sst s25  }
0xa6: {  	s4 =	sshll.u32 s26, $0x1;
	_ =	strace $0x80000052;
	[dreg:$0x1] =	wrdreg $0xFFFFFFFF  }
0xa7: {  	s28 =	simm.s32 $_size_execute0_lowered;
	s2 =	sadd.s32 s2, s4;
	[dreg:$0x0] =	wrdreg $0x0  }
0xa8: {  	s4 =	sshll.u32 s28, $0x1;
	[dreg:$0x2] =	wrdreg s2  }
0xa9: {  	[dreg:$0x3] =	wrdreg s4  }
0xaa: {  	[dreg:$0x4] =	wrdreg $0xC0  }
0xab: {  	_ =	task [dreg:s6], $0x5FFFF  }
0xac: {  	[dreg:$0x1] =	wrdreg $0xFFFFFFFF  }
0xad: {  	[dreg:$0x0] =	wrdreg $0x60  }
0xae: {  	[dreg:$0x2] =	wrdreg s24  }
0xaf: {  	[dreg:$0x3] =	wrdreg $0x6F000  }
0xb0: {  	[dreg:$0x4] =	wrdreg $0x10D000  }
0xb1: {  	[dreg:$0x5] =	wrdreg $0x9  }
0xb2: {  	_ =	task.clear_ibuf [dreg:s6], $0x6FFFF;
	_ =	strace $0x90000052  }
0xb3: {  	s29 =	simm.s32 $0x9;
	_ =	strace $0x80000054  }
0xb4: {  	_ =	swait.ge [sflag:s29], $0x1  }
0xb5: {  	[sflag:s29] =	ssyncadd.s32 $0xFFFFFFFF  }
0xb6: {  	_ =	strace $0x90000054  }
0xb7: {  	_ =	sfence  }
0xb8: {  	s30 =	sld [smem:$0x0];
	_ =	sdelay $0x2  }
0xb9: {  	s31 =	sshll.u32 s1, $0xD;
	s1 =	sshrl.u32 s1, $0x2  }
0xba: {  	s3 =	sand.u32 $0x4000, s31;
	s1 =	sadd.s32 s1, s30  }
0xbb: {  	s0 =	sor.u32 s3, s0;
	s1 =	sshll.u32 s1, $0x11  }
0xbc: {  	s0 =	sor.u32 s1, s0  }
0xbd: {  	s0 =	sadd.s32 $0x8F2B, s0  }
0xbe: {  	[sflag:s0] =	ssyncadd.remote.s32 $0x1  }
0xbf: {  	_ =	sfence.sel $0xFFFF  }
0xc0: {  	[dreg:$0x0] =	wrdreg $0xFFFFFFFF;
	(pc) =	sbr.abs _section_cstart, $3  }
0xc1: {  	[dreg:$0x1] =	wrdreg $0xFFFFFFFF  }
0xc2: {  	_ =	task.clear_ibuf [dreg:s6], $0x2FFFF;
	_ =	strace $0x9FFFFFFF  }
0xc3: {  	(tm) =	ssettm $0x7FFFFFFF  }
tec
execute0_lowered:
.L_overlay_start_1:
0x0: {  	(tag) =	ssettag $0x1  }
0x1: {  	s5 =	rddreg [dreg:$0x0];
	s1 =	srdreg.scid  }
0x2: {  	s0 =	rddreg [dreg:$0x1];
	s10 =	stileid.u32  }
0x3: {  	s2 =	rddreg [dreg:$0x2];
	s3 =	simm.s32 $0x0;
	s15 =	simm.s32 $0x80  }
0x4: {  	s16 =	simm.s32 $0x4F00;
	s17 =	simm.s32 $0x1;
	s18 =	simm.s32 $0x0  }
0x5: {  	s6 =	sand.u32 $0x1, s1;
	s7 =	smul.u32 $0x2780, s10;
	s1 =	rddreg [dreg:$0x3]  }
0x6: {  	s8 =	smul.u32 $0x9E00, s10;
	[smem:$0x7FF] =	sst s3;
	p0 =	sne.s32 s10, $0x0  }
0x7: {  	s31 =	sshll.u32 s10, $0x6;
	s10 =	simm.s32 $0x2;
	s4 =	smul.u32 $0x27800, s6  }
0x8: {  	s29 =	smul.u32 $0x9E000, s6;
	_ =	strace $0x80000053;
	s6 =	ssub.s32 $0x2, s6  }
0x9: {  	s11 =	sshrl.u32 s8, $0x3;
	s30 =	sshrl.u32 s6, $0x1;
	s14 =	sadd.s32 s8, s0  }
0xa: {  	s4 =	sadd.s32 s7, s4;
	s7 =	sadd.s32 s8, s29;
	s11 =	sadd.s32 s11, s5  }
0xb: {  	s13 =	ssub.s32 s6, s30;
	s9 =	sshrl.u32 s4, $0x3;
	s7 =	sshrl.u32 s7, $0x3  }
0xc: {  	s4 =	sadd.s32 $0x31600, s5;
	s9 =	sadd.s32 s9, s5;
	s12 =	sadd.s32 s7, s5  }
0xd: {  	s7 =	sadd.s32 $0x7FE00, s11;
	s11 =	simm.s32 $0x2780;
	s5 =	sadd.s32 $0x76000, s9  }
0xe: {  	s6 =	sadd.s32 $0x6C200, s9;
	s8 =	sadd.s32 $0x93A00, s12;
	s9 =	smax.u32 s13, $0x1  }
0xf: {  	s12 =	sor.u32 $0x1C02, s31;
	s13 =	sshrl.u32 s14, $0x3;
	s14 =	sshrl.u32 @!p0 s2, $0x3  }
.LBB2_1:
0x10: {  	[tilespmem:s3], [sflag:$0x2] =	stream.linear.gather [hbm4b:s5+s3], $0x2780, $0x38;
	[tilespmem:$0x1A940] =	vst v63  }
0x11: {  	_ =	swait.ge [sflag:s10], $0x2780  }
0x12: {  	[sflag:s10] =	ssyncset.done $0x0  }
0x13: {  	[sflag:s10] =	ssyncadd.s32 $0xFFFFD880  }
0x14: {  	[tilespmem:s11], [sflag:$0x2] =	stream.linear.gather [hbm4b:s6+s3], $0x2780, $0x38;
	[tilespmem:$0x1A940] =	vst v63  }
0x15: {  	_ =	swait.ge [sflag:s10], $0x2780  }
0x16: {  	[sflag:s10] =	ssyncset.done $0x0  }
0x17: {  	[sflag:s10] =	ssyncadd.s32 $0xFFFFD880  }
0x18: {  	[spmem:s13], [sflag:s12] =	dma.local [hbm:s7], $0x13C0  }
0x19: {  	_ =	swait.ge [sflag:s10], $0x13C0  }
0x1a: {  	[sflag:s10] =	ssyncset.done $0x0  }
0x1b: {  	s19 =	simm.s32 @!p0 $0x2;
	[sflag:s10] =	ssyncadd.s32 $0xFFFFEC40  }
0x1c: {  	[spmem:s14], [sflag:s12] =	dma.local @!p0 [hbm:s4], $0x13880  }
0x1d: {  	_ =	swait.ge @!p0 [sflag:s19], $0x13880  }
0x1e: {  	[sflag:s19] =	ssyncset.done @!p0 $0x0  }
0x1f: {  	[sflag:s19] =	ssyncadd.s32 @!p0 $0xFFFEC780  }
0x20: {  	s30 =	simm.s32 $0x0;
	[bflag:$0x0] =	sbarrier.arrive $0xFFFF  }
0x21: {  	[tilespmem:s16], [sflag:$0x1] =	stream.indirect.gather [spmem:s2], $0x40, s30, s15, $0xb8;
	[tilespmem:$0x1A940] =	vst v63  }
0x22: {  	_ =	swait.ge [sflag:s17], $0x2000  }
0x23: {  	[sflag:s17] =	ssyncset.done $0x0  }
0x24: {  	s31 =	simm.s32 $0x2780;
	[sflag:s17] =	ssyncadd.s32 $0xFFFFE000  }
0x25: {  	[spmem:s0] =	stream.indirect.scatter.add.f32 [tilespmem:s16], [sflag:$0x1], $0x40, s31, s15, $0xb8;
	[tilespmem:$0x1A940] =	vst v63  }
0x26: {  	_ =	swait.ge [sflag:s17], $0x2000  }
0x27: {  	s20 =	simm.s32 $0x400;
	s19 =	simm.s32 $0x200;
	[sflag:s17] =	ssyncset.done $0x0  }
.LBB2_2:
0x28: {  	s21 =	sshra.s32 s19, $0x2  }
0x29: {  	[sflag:s17] =	ssyncadd.s32 $0xFFFFE000;
	s19 =	smov.u32 s20;
	s22 =	sadd.s32 $0x200, s20  }
0x2a: {  	[tilespmem:s16], [sflag:$0x1] =	stream.indirect.gather [spmem:s2], $0x40, s21, s15, $0xb8;
	[tilespmem:$0x1A940] =	vst v63  }
0x2b: {  	p1 =	sne.s32 s20, $0x9C00;
	_ =	swait.ge [sflag:s17], $0x2000  }
.Ltmp0:
0x2c: {  	[sflag:s17] =	ssyncset.done $0x0;
	(pc) =	sbr.rel @p1 .LBB2_2-.Ltmp0, $4  }
0x2d: {  	s20 =	sadd.s32 $0x2780, s21;
	[sflag:s17] =	ssyncadd.s32 $0xFFFFE000  }
0x2e: {  	[spmem:s0] =	stream.indirect.scatter.add.f32 [tilespmem:s16], [sflag:$0x1], $0x40, s20, s15, $0xb8;
	[tilespmem:$0x1A940] =	vst v63  }
0x2f: {  	_ =	swait.ge [sflag:s17], $0x2000  }
0x30: {  	s20 =	smov.u32 s22;
	[sflag:s17] =	ssyncset.done $0x0  }
0x31: {  	s19 =	sshra.s32 s19, $0x2;
	[sflag:s17] =	ssyncadd.s32 $0xFFFFE000  }
0x32: {  	[tilespmem:s16], [sflag:$0x1] =	stream.indirect.gather [spmem:s2], $0x40, s19, s15, $0xb8;
	[tilespmem:$0x1A940] =	vst v63  }
0x33: {  	_ =	swait.ge [sflag:s17], $0x2000  }
0x34: {  	[sflag:s17] =	ssyncset.done $0x0  }
0x35: {  	s19 =	sadd.s32 $0x2780, s19;
	[sflag:s17] =	ssyncadd.s32 $0xFFFFE000  }
0x36: {  	[spmem:s0] =	stream.indirect.scatter.add.f32 [tilespmem:s16], [sflag:$0x1], $0x40, s19, s15, $0xb8;
	[tilespmem:$0x1A940] =	vst v63  }
0x37: {  	_ =	swait.ge [sflag:s17], $0x2000  }
0x38: {  	s18 =	sadd.s32 $0x1, s18;
	[sflag:s17] =	ssyncset.done $0x0  }
0x39: {  	p1 =	sne.s32 s18, s9;
	[sflag:s17] =	ssyncadd.s32 $0xFFFFE000  }
.Ltmp1:
0x3a: {  	[bflag:$0x0] =	sbarrier.arrive $0xFFFF;
	(pc) =	sbr.rel @p1 .LBB2_1-.Ltmp1, $4  }
0x3b: {  	[hbm:s8], [sflag:s12] =	dma.local [spmem:s13], $0x13C0  }
0x3c: {  	_ =	swait.ge [sflag:s10], $0x13C0  }
0x3d: {  	[sflag:s10] =	ssyncset.done $0x0  }
0x3e: {  	[sflag:s10] =	ssyncadd.s32 $0xFFFFEC40  }
0x3f: {  	_ =	sfence.sel $0x180000  }
0x40: {  	[bflag:$0x0] =	sbarrier.arrive $0xFFFF  }
0x41: {  	_ =	strace $0x90000053  }
0x42: {  	s0 =	sadd.s32 @!p0 $0x100000, s1;
	[bflag:$0x2] =	sbarrier.arrive $0xFFFF  }
0x43: {  	[sflag:s0] =	ssyncadd.tile.s32 @!p0 $0x1;
	_ =	shalt  }
.Lfunc_end2:
_tile_overlayer_lowered:
.L_overlay_start_2:
0x44: {  	(tag) =	ssettag $0x2  }
0x45: {  	s0 =	rddreg [dreg:$0x0];
	s2 =	stileid.u32  }
0x46: {  	s1 =	rddreg [dreg:$0x1];
	p0 =	sne.s32 s2, $0x0  }
0x47: {  	s3 =	rddreg [dreg:$0x2];
	[bflag:$0x3] =	sbarrier.arrive $0xFFFF;
	s2 =	simm.s32 @!p0 $0x1C02  }
0x48: {  	[timem:s3], [sflag:s2] =	dma.local @!p0 [hbm:s0], s1  }
0x49: {  	s0 =	simm.s32 @!p0 $0x2  }
0x4a: {  	_ =	swait.ge @!p0 [sflag:s0], s1  }
0x4b: {  	s1 =	ssub.s32 @!p0 $0x0, s1;
	[sflag:s0] =	ssyncset.done @!p0 $0x0  }
0x4c: {  	[sflag:s0] =	ssyncadd.s32 @!p0 s1  }
0x4d: {  	[bflag:$0x3] =	sbarrier.arrive $0xFFFF  }
0x4e: {  	_ =	shalt  }

// kernel: kernel.32.cloned.1.call-start
scs
__scs_entry_jumppad:
0x0: {  	(pc) =	sbr.rel $0x88, $3  }
0x1: {  	(tag) =	ssettag $0x0;
	lr =	simm.s32 $0x1  }
0x2: {  	[smem:$0x3F90] =	sst lr;
	_ =	strace $0xD0000000  }
0x3: {  	_ = 	snop  }
0x4: {  	_ = 	snop  }
0x5: {  	_ = 	snop  }
0x6: {  	_ = 	snop  }
0x7: {  	_ = 	snop  }
__scs_overlays_trampoline_lowered:
0x8: {  	[smem:$0x3F9F] =	sst s0  }
0x9: {  	[smem:$0x3FA0] =	sst s1  }
0xa: {  	[smem:$0x3FA1] =	sst s2  }
0xb: {  	[smem:$0x3FA2] =	sst s3  }
0xc: {  	[smem:$0x3FA3] =	sst s4  }
0xd: {  	[smem:$0x3FA4] =	sst s5  }
0xe: {  	[smem:$0x3FA5] =	sst s6  }
0xf: {  	[smem:$0x3FA6] =	sst s7  }
0x10: {  	[smem:$0x3FA7] =	sst s8  }
0x11: {  	[smem:$0x3FA8] =	sst s9;
	s0 =	simm.s32 @!p0 $0x0  }
0x12: {  	s1 =	sld [smem:$0x3F8E];
	s0 =	simm.s32 @p0 $0x1  }
0x13: {  	[smem:$0x3FA9] =	sst s0;
	s0 =	simm.s32 @!p1 $0x0  }
0x14: {  	s2 =	sld [smem:$0x3F8D];
	s0 =	simm.s32 @p1 $0x1  }
0x15: {  	[smem:$0x3FAA] =	sst s0;
	s0 =	simm.s32 @!p2 $0x0  }
0x16: {  	s3 =	sld [smem:$0x3FDB];
	s0 =	simm.s32 @p2 $0x1  }
0x17: {  	s4 =	simm.s32 $0x1BF5;
	[smem:$0x3FAC] =	sst s0  }
0x18: {  	s0 =	sld [smem:$0x3F8F];
	_ =	swait.ge [sflag:s4], $0x0  }
0x19: {  	s7 =	sld [smem:$0x3F90]  }
0x1a: {  	s8 =	sadd.s32 $0xFFFFE003, lr  }
0x1b: {  	s9 =	sadd.s32 $0xFFFFFEF7, lr;
	s5 =	simm.s32 $0xFFFFFFFF;
	p2 =	slt.u32 s8, $0xFFFFF086  }
0x1c: {  	p1 =	slt.u32 s9, $0xF7A;
	s5 =	simm.s32 @!p2 $0x0  }
0x1d: {  	s5 =	simm.s32 @p1 $0x1;
	p0 =	seq.s32 s7, s2  }
0x1e: {  	s7 =	smul.u32 @!p0 $0xF7A, s2;
	p2 =	seq.s32 @!p0 s5, $0x0  }
0x1f: {  	s9 =	smul.u32 $0xF7A, s1;
	s8 =	simm.s32 @!p0 $0x1BF5;
	p2 =	por !p2, p0  }
0x20: {  	[sflag:s8] =	ssyncset.s32 @!p0 $0xFFFFF086;
	s6 =	sadd.s32 @!p0 s3, s7;
	s7 =	simm.s32 @!p0 $0x108  }
0x21: {  	s3 =	sadd.s32 s3, s9;
	s6 =	sadd.s32 @!p0 $0x88, s6;
	s7 =	simm.s32 @p2 $0x1082  }
0x22: {  	[simem:s7], [sflag:s8] =	dma.local @!p0 [hbm:s6], $0xF7A  }
0x23: {  	s9 =	sor.u32 $0xD0000000, s2;
	s6 =	simm.s32 $0x108;
	_ =	swait.ge @!p0 [sflag:s8], $0x0  }
0x24: {  	s3 =	sadd.s32 $0x88, s3;
	s6 =	simm.s32 @!p1 $0x1082;
	[sflag:s4] =	ssyncset.s32 $0xFFFFF086  }
0x25: {  	[simem:s6], [sflag:s4] =	dma.local [hbm:s3], $0xF7A  }
0x26: {  	[smem:$0x3F90] =	sst s1;
	(tag) =	ssettag s2;
	_ =	strace s9  }
0x27: {  	s1 =	sld [smem:$0x3FA0]  }
0x28: {  	s2 =	sld [smem:$0x3FA1]  }
0x29: {  	s4 =	sld [smem:$0x3FA3]  }
0x2a: {  	p0 =	seq.s32 s5, $0x0;
	s5 =	sld [smem:$0x3FA4]  }
0x2b: {  	s6 =	sld [smem:$0x3FA5]  }
0x2c: {  	s7 =	sld [smem:$0x3FA6]  }
0x2d: {  	s3 =	simm.s32 $0x108;
	s8 =	sld [smem:$0x3FA7]  }
0x2e: {  	s3 =	simm.s32 @!p0 $0x1082;
	s9 =	sld [smem:$0x3FA8]  }
0x2f: {  	lr =	sadd.s32 s0, s3;
	s0 =	sld [smem:$0x3F9F]  }
0x30: {  	s3 =	sld [smem:$0x3FA2]  }
0x31: {  	[smem:$0x3FAB] =	sst s10  }
0x32: {  	s10 =	sld [smem:$0x3FA9];
	_ =	sdelay $0x3  }
0x33: {  	p0 =	seq.s32 s10, $0x1;
	s10 =	sld [smem:$0x3FAB];
	_ =	sdelay $0x3  }
0x34: {  	[smem:$0x3FAB] =	sst s10  }
0x35: {  	s10 =	sld [smem:$0x3FAA];
	_ =	sdelay $0x3  }
0x36: {  	p1 =	seq.s32 s10, $0x1;
	s10 =	sld [smem:$0x3FAB];
	_ =	sdelay $0x3  }
0x37: {  	[smem:$0x3FAB] =	sst s10  }
0x38: {  	s10 =	sld [smem:$0x3FAC]  }
0x39: {  	_ = 	snop;
	(pc) =	sbr.ind lr, $3  }
0x3a: {  	_ = 	snop  }
0x3b: {  	_ = 	snop  }
0x3c: {  	p2 =	seq.s32 s10, $0x1;
	s10 =	sld [smem:$0x3FAB]  }
0x3d: {  	_ =	shalt  }
0x3e: {  	_ =	shalt  }
0x3f: {  	_ =	shalt  }
0x40: {  	_ =	shalt  }
0x41: {  	_ =	shalt  }
0x42: {  	_ =	shalt  }
0x43: {  	_ =	shalt  }
0x44: {  	_ =	shalt  }
0x45: {  	_ =	shalt  }
0x46: {  	_ =	shalt  }
0x47: {  	_ =	shalt  }
0x48: {  	_ =	shalt  }
0x49: {  	_ =	shalt  }
0x4a: {  	_ =	shalt  }
0x4b: {  	_ =	shalt  }
0x4c: {  	_ =	shalt  }
0x4d: {  	_ =	shalt  }
0x4e: {  	_ =	shalt  }
0x4f: {  	_ =	shalt  }
0x50: {  	_ =	shalt  }
0x51: {  	_ =	shalt  }
0x52: {  	_ =	shalt  }
0x53: {  	_ =	shalt  }
0x54: {  	_ =	shalt  }
0x55: {  	_ =	shalt  }
0x56: {  	_ =	shalt  }
0x57: {  	_ =	shalt  }
0x58: {  	_ =	shalt  }
0x59: {  	_ =	shalt  }
0x5a: {  	_ =	shalt  }
0x5b: {  	_ =	shalt  }
0x5c: {  	_ =	shalt  }
0x5d: {  	_ =	shalt  }
0x5e: {  	_ =	shalt  }
0x5f: {  	_ =	shalt  }
0x60: {  	_ =	shalt  }
0x61: {  	_ =	shalt  }
0x62: {  	_ =	shalt  }
0x63: {  	_ =	shalt  }
0x64: {  	_ =	shalt  }
0x65: {  	_ =	shalt  }
0x66: {  	_ =	shalt  }
0x67: {  	_ =	shalt  }
0x68: {  	_ =	shalt  }
0x69: {  	_ =	shalt  }
0x6a: {  	_ =	shalt  }
0x6b: {  	_ =	shalt  }
0x6c: {  	_ =	shalt  }
0x6d: {  	_ =	shalt  }
0x6e: {  	_ =	shalt  }
0x6f: {  	_ =	shalt  }
0x70: {  	_ =	shalt  }
0x71: {  	_ =	shalt  }
0x72: {  	_ =	shalt  }
0x73: {  	_ =	shalt  }
0x74: {  	_ =	shalt  }
0x75: {  	_ =	shalt  }
0x76: {  	_ =	shalt  }
0x77: {  	_ =	shalt  }
0x78: {  	_ =	shalt  }
0x79: {  	_ =	shalt  }
0x7a: {  	_ =	shalt  }
0x7b: {  	_ =	shalt  }
0x7c: {  	_ =	shalt  }
0x7d: {  	_ =	shalt  }
0x7e: {  	_ =	shalt  }
0x7f: {  	_ =	shalt  }
0x80: {  	_ =	shalt  }
0x81: {  	_ =	shalt  }
0x82: {  	_ =	shalt  }
0x83: {  	_ =	shalt  }
0x84: {  	_ =	shalt  }
0x85: {  	_ =	shalt  }
0x86: {  	_ =	shalt  }
0x87: {  	_ =	shalt  }
.Lfunc_end0:
.L_simem_size_0:
called_computation.5_lowered:
.L_overlay_start_0:
0x88: {  	s2 =	sld [smem:$0x3FD9]  }
0x89: {  	s3 =	sld [smem:$0x3FFE];
	_ =	sdelay $0x1  }
0x8a: {  	s1 =	srdreg.scid  }
0x8b: {  	s0 =	sand.u32 $0x1, s1  }
0x8c: {  	s16 =	sshll.u32 s0, $0xA;
	s2 =	sadd.s32 s3, s2  }
0x8d: {  	s2 =	sadd.s32 s2, s16  }
0x8e: {  	[smem:$0x3FB7] =	sst s2  }
0x8f: {  	_ = 	snop  }
0x90: {  	(tm) =	ssettm $0x1  }
0x91: {  	s17 =	sld [smem:$0x3FFB];
	_ =	sdelay $0x3  }
0x92: {  	_ =	strace s17  }
0x93: {  	s2 =	sld [smem:$0x3FFC];
	_ =	sdelay $0x3  }
0x94: {  	_ =	strace s2  }
0x95: {  	s2 =	sld [smem:$0x3FFD];
	_ =	sdelay $0x3  }
0x96: {  	_ =	strace s2  }
0x97: {  	_ =	strace $0x8FFFFFFF  }
0x98: {  	s18 =	sld [smem:$0x3FDB];
	_ =	sdelay $0x1  }
0x99: {  	s19 =	simm.s32 $_scs_section_size  }
0x9a: {  	s4 =	simm.s32 $_size__tile_overlayer_lowered;
	s5 =	simm.s32 $_tile_overlayer_lowered  }
0x9b: {  	s22 =	simm.s32 $0x1BFF;
	s21 =	sshll.u32 s5, $0x1;
	s2 =	sadd.s32 s19, s18  }
0x9c: {  	s6 =	simm.s32 $0x0;
	s20 =	sshll.u32 s4, $0x1;
	s4 =	sadd.s32 s21, s2  }
0x9d: {  	[timem:s6], [sflag:s22] =	dma.local [hbm:s4], s20  }
0x9e: {  	_ =	swait.ge [sflag:s22], s20  }
0x9f: {  	s3 =	ssub.s32 $0x0, s20;
	[sflag:s22] =	ssyncset.done $0x0  }
0xa0: {  	[sflag:s22] =	ssyncadd.s32 s3;
	_ =	sdelay $0x1  }
0xa1: {  	s23 =	simm.s32 $0x1B8B  }
0xa2: {  	_ =	swait.ge [sflag:s23], $0x1  }
0xa3: {  	[sflag:s23] =	ssyncset.done $0x0  }
0xa4: {  	s25 =	simm.s32 $0x1B8E;
	s24 =	sld [smem:$0x3FFE];
	[sflag:s23] =	ssyncadd.s32 $0xFFFFFFFF  }
0xa5: {  	s26 =	simm.s32 $execute0_lowered;
	[smem:$0x3FD2] =	sst s25  }
0xa6: {  	s4 =	sshll.u32 s26, $0x1;
	_ =	strace $0x80000055;
	[dreg:$0x1] =	wrdreg $0xFFFFFFFF  }
0xa7: {  	s28 =	simm.s32 $_size_execute0_lowered;
	s2 =	sadd.s32 s2, s4;
	[dreg:$0x0] =	wrdreg $0x0  }
0xa8: {  	s4 =	sshll.u32 s28, $0x1;
	[dreg:$0x2] =	wrdreg s2  }
0xa9: {  	[dreg:$0x3] =	wrdreg s4  }
0xaa: {  	[dreg:$0x4] =	wrdreg $0xC0  }
0xab: {  	_ =	task [dreg:s6], $0x5FFFF  }
0xac: {  	[dreg:$0x1] =	wrdreg $0xFFFFFFFF  }
0xad: {  	[dreg:$0x0] =	wrdreg $0x60  }
0xae: {  	[dreg:$0x2] =	wrdreg s24  }
0xaf: {  	[dreg:$0x3] =	wrdreg $0x6F000  }
0xb0: {  	[dreg:$0x4] =	wrdreg $0x10D000  }
0xb1: {  	[dreg:$0x5] =	wrdreg $0x9  }
0xb2: {  	_ =	task.clear_ibuf [dreg:s6], $0x6FFFF;
	_ =	strace $0x90000055  }
0xb3: {  	s29 =	simm.s32 $0x9;
	_ =	strace $0x80000057  }
0xb4: {  	_ =	swait.ge [sflag:s29], $0x1  }
0xb5: {  	[sflag:s29] =	ssyncadd.s32 $0xFFFFFFFF  }
0xb6: {  	_ =	strace $0x90000057  }
0xb7: {  	_ =	sfence  }
0xb8: {  	s30 =	sld [smem:$0x0];
	_ =	sdelay $0x2  }
0xb9: {  	s31 =	sshll.u32 s1, $0xD;
	s1 =	sshrl.u32 s1, $0x2  }
0xba: {  	s3 =	sand.u32 $0x4000, s31;
	s1 =	sadd.s32 s1, s30  }
0xbb: {  	s0 =	sor.u32 s3, s0;
	s1 =	sshll.u32 s1, $0x11  }
0xbc: {  	s0 =	sor.u32 s1, s0  }
0xbd: {  	s0 =	sadd.s32 $0x8F2B, s0  }
0xbe: {  	[sflag:s0] =	ssyncadd.remote.s32 $0x1  }
0xbf: {  	_ =	sfence.sel $0xFFFF  }
0xc0: {  	[dreg:$0x0] =	wrdreg $0xFFFFFFFF;
	(pc) =	sbr.abs _section_cstart, $3  }
0xc1: {  	[dreg:$0x1] =	wrdreg $0xFFFFFFFF  }
0xc2: {  	_ =	task.clear_ibuf [dreg:s6], $0x2FFFF;
	_ =	strace $0x9FFFFFFF  }
0xc3: {  	(tm) =	ssettm $0x7FFFFFFF  }
tec
execute0_lowered:
.L_overlay_start_1:
0x0: {  	(tag) =	ssettag $0x1  }
0x1: {  	s5 =	rddreg [dreg:$0x0];
	s1 =	srdreg.scid  }
0x2: {  	s0 =	rddreg [dreg:$0x1];
	s10 =	stileid.u32  }
0x3: {  	s2 =	rddreg [dreg:$0x2];
	s3 =	simm.s32 $0x0;
	s15 =	simm.s32 $0x80  }
0x4: {  	s16 =	simm.s32 $0x4F00;
	s17 =	simm.s32 $0x1;
	s18 =	simm.s32 $0x0  }
0x5: {  	s6 =	sand.u32 $0x1, s1;
	s7 =	smul.u32 $0x2780, s10;
	s1 =	rddreg [dreg:$0x3]  }
0x6: {  	s8 =	smul.u32 $0x9E00, s10;
	[smem:$0x7FF] =	sst s3;
	p0 =	sne.s32 s10, $0x0  }
0x7: {  	s31 =	sshll.u32 s10, $0x6;
	s10 =	simm.s32 $0x2;
	s4 =	smul.u32 $0x27800, s6  }
0x8: {  	s29 =	smul.u32 $0x9E000, s6;
	_ =	strace $0x80000056;
	s6 =	ssub.s32 $0x2, s6  }
0x9: {  	s11 =	sshrl.u32 s8, $0x3;
	s30 =	sshrl.u32 s6, $0x1;
	s14 =	sadd.s32 s8, s0  }
0xa: {  	s4 =	sadd.s32 s7, s4;
	s7 =	sadd.s32 s8, s29;
	s11 =	sadd.s32 s11, s5  }
0xb: {  	s13 =	ssub.s32 s6, s30;
	s9 =	sshrl.u32 s4, $0x3;
	s7 =	sshrl.u32 s7, $0x3  }
0xc: {  	s4 =	sadd.s32 $0x31600, s5;
	s9 =	sadd.s32 s9, s5;
	s12 =	sadd.s32 s7, s5  }
0xd: {  	s7 =	sadd.s32 $0x7FE00, s11;
	s11 =	simm.s32 $0x2780;
	s5 =	sadd.s32 $0x76000, s9  }
0xe: {  	s6 =	sadd.s32 $0x6C200, s9;
	s8 =	sadd.s32 $0x93A00, s12;
	s9 =	smax.u32 s13, $0x1  }
0xf: {  	s12 =	sor.u32 $0x1C02, s31;
	s13 =	sshrl.u32 s14, $0x3;
	s14 =	sshrl.u32 @!p0 s2, $0x3  }
.LBB2_1:
0x10: {  	[tilespmem:s3], [sflag:$0x2] =	stream.linear.gather [hbm4b:s5+s3], $0x2780, $0x38;
	[tilespmem:$0x1A940] =	vst v63  }
0x11: {  	_ =	swait.ge [sflag:s10], $0x2780  }
0x12: {  	[sflag:s10] =	ssyncset.done $0x0  }
0x13: {  	[sflag:s10] =	ssyncadd.s32 $0xFFFFD880  }
0x14: {  	[tilespmem:s11], [sflag:$0x2] =	stream.linear.gather [hbm4b:s6+s3], $0x2780, $0x38;
	[tilespmem:$0x1A940] =	vst v63  }
0x15: {  	_ =	swait.ge [sflag:s10], $0x2780  }
0x16: {  	[sflag:s10] =	ssyncset.done $0x0  }
0x17: {  	[sflag:s10] =	ssyncadd.s32 $0xFFFFD880  }
0x18: {  	[spmem:s13], [sflag:s12] =	dma.local [hbm:s7], $0x13C0  }
0x19: {  	_ =	swait.ge [sflag:s10], $0x13C0  }
0x1a: {  	[sflag:s10] =	ssyncset.done $0x0  }
0x1b: {  	s19 =	simm.s32 @!p0 $0x2;
	[sflag:s10] =	ssyncadd.s32 $0xFFFFEC40  }
0x1c: {  	[spmem:s14], [sflag:s12] =	dma.local @!p0 [hbm:s4], $0x13880  }
0x1d: {  	_ =	swait.ge @!p0 [sflag:s19], $0x13880  }
0x1e: {  	[sflag:s19] =	ssyncset.done @!p0 $0x0  }
0x1f: {  	[sflag:s19] =	ssyncadd.s32 @!p0 $0xFFFEC780  }
0x20: {  	s30 =	simm.s32 $0x0;
	[bflag:$0x0] =	sbarrier.arrive $0xFFFF  }
0x21: {  	[tilespmem:s16], [sflag:$0x1] =	stream.indirect.gather [spmem:s2], $0x40, s30, s15, $0xb8;
	[tilespmem:$0x1A940] =	vst v63  }
0x22: {  	_ =	swait.ge [sflag:s17], $0x2000  }
0x23: {  	[sflag:s17] =	ssyncset.done $0x0  }
0x24: {  	s31 =	simm.s32 $0x2780;
	[sflag:s17] =	ssyncadd.s32 $0xFFFFE000  }
0x25: {  	[spmem:s0] =	stream.indirect.scatter.add.f32 [tilespmem:s16], [sflag:$0x1], $0x40, s31, s15, $0xb8;
	[tilespmem:$0x1A940] =	vst v63  }
0x26: {  	_ =	swait.ge [sflag:s17], $0x2000  }
0x27: {  	s20 =	simm.s32 $0x400;
	s19 =	simm.s32 $0x200;
	[sflag:s17] =	ssyncset.done $0x0  }
.LBB2_2:
0x28: {  	s21 =	sshra.s32 s19, $0x2  }
0x29: {  	[sflag:s17] =	ssyncadd.s32 $0xFFFFE000;
	s19 =	smov.u32 s20;
	s22 =	sadd.s32 $0x200, s20  }
0x2a: {  	[tilespmem:s16], [sflag:$0x1] =	stream.indirect.gather [spmem:s2], $0x40, s21, s15, $0xb8;
	[tilespmem:$0x1A940] =	vst v63  }
0x2b: {  	p1 =	sne.s32 s20, $0x9C00;
	_ =	swait.ge [sflag:s17], $0x2000  }
.Ltmp0:
0x2c: {  	[sflag:s17] =	ssyncset.done $0x0;
	(pc) =	sbr.rel @p1 .LBB2_2-.Ltmp0, $4  }
0x2d: {  	s20 =	sadd.s32 $0x2780, s21;
	[sflag:s17] =	ssyncadd.s32 $0xFFFFE000  }
0x2e: {  	[spmem:s0] =	stream.indirect.scatter.add.f32 [tilespmem:s16], [sflag:$0x1], $0x40, s20, s15, $0xb8;
	[tilespmem:$0x1A940] =	vst v63  }
0x2f: {  	_ =	swait.ge [sflag:s17], $0x2000  }
0x30: {  	s20 =	smov.u32 s22;
	[sflag:s17] =	ssyncset.done $0x0  }
0x31: {  	s19 =	sshra.s32 s19, $0x2;
	[sflag:s17] =	ssyncadd.s32 $0xFFFFE000  }
0x32: {  	[tilespmem:s16], [sflag:$0x1] =	stream.indirect.gather [spmem:s2], $0x40, s19, s15, $0xb8;
	[tilespmem:$0x1A940] =	vst v63  }
0x33: {  	_ =	swait.ge [sflag:s17], $0x2000  }
0x34: {  	[sflag:s17] =	ssyncset.done $0x0  }
0x35: {  	s19 =	sadd.s32 $0x2780, s19;
	[sflag:s17] =	ssyncadd.s32 $0xFFFFE000  }
0x36: {  	[spmem:s0] =	stream.indirect.scatter.add.f32 [tilespmem:s16], [sflag:$0x1], $0x40, s19, s15, $0xb8;
	[tilespmem:$0x1A940] =	vst v63  }
0x37: {  	_ =	swait.ge [sflag:s17], $0x2000  }
0x38: {  	s18 =	sadd.s32 $0x1, s18;
	[sflag:s17] =	ssyncset.done $0x0  }
0x39: {  	p1 =	sne.s32 s18, s9;
	[sflag:s17] =	ssyncadd.s32 $0xFFFFE000  }
.Ltmp1:
0x3a: {  	[bflag:$0x0] =	sbarrier.arrive $0xFFFF;
	(pc) =	sbr.rel @p1 .LBB2_1-.Ltmp1, $4  }
0x3b: {  	[hbm:s8], [sflag:s12] =	dma.local [spmem:s13], $0x13C0  }
0x3c: {  	_ =	swait.ge [sflag:s10], $0x13C0  }
0x3d: {  	[sflag:s10] =	ssyncset.done $0x0  }
0x3e: {  	[sflag:s10] =	ssyncadd.s32 $0xFFFFEC40  }
0x3f: {  	_ =	sfence.sel $0x180000  }
0x40: {  	[bflag:$0x0] =	sbarrier.arrive $0xFFFF  }
0x41: {  	_ =	strace $0x90000056  }
0x42: {  	s0 =	sadd.s32 @!p0 $0x100000, s1;
	[bflag:$0x2] =	sbarrier.arrive $0xFFFF  }
0x43: {  	[sflag:s0] =	ssyncadd.tile.s32 @!p0 $0x1;
	_ =	shalt  }
.Lfunc_end2:
_tile_overlayer_lowered:
.L_overlay_start_2:
0x44: {  	(tag) =	ssettag $0x2  }
0x45: {  	s0 =	rddreg [dreg:$0x0];
	s2 =	stileid.u32  }
0x46: {  	s1 =	rddreg [dreg:$0x1];
	p0 =	sne.s32 s2, $0x0  }
0x47: {  	s3 =	rddreg [dreg:$0x2];
	[bflag:$0x3] =	sbarrier.arrive $0xFFFF;
	s2 =	simm.s32 @!p0 $0x1C02  }
0x48: {  	[timem:s3], [sflag:s2] =	dma.local @!p0 [hbm:s0], s1  }
0x49: {  	s0 =	simm.s32 @!p0 $0x2  }
0x4a: {  	_ =	swait.ge @!p0 [sflag:s0], s1  }
0x4b: {  	s1 =	ssub.s32 @!p0 $0x0, s1;
	[sflag:s0] =	ssyncset.done @!p0 $0x0  }
0x4c: {  	[sflag:s0] =	ssyncadd.s32 @!p0 s1  }
0x4d: {  	[bflag:$0x3] =	sbarrier.arrive $0xFFFF  }
0x4e: {  	_ =	shalt  }

// kernel: kernel.35.cloned.1.call-start
scs
__scs_entry_jumppad:
0x0: {  	(pc) =	sbr.rel $0x88, $3  }
0x1: {  	(tag) =	ssettag $0x0;
	lr =	simm.s32 $0x1  }
0x2: {  	[smem:$0x3F90] =	sst lr;
	_ =	strace $0xD0000000  }
0x3: {  	_ = 	snop  }
0x4: {  	_ = 	snop  }
0x5: {  	_ = 	snop  }
0x6: {  	_ = 	snop  }
0x7: {  	_ = 	snop  }
__scs_overlays_trampoline_lowered:
0x8: {  	[smem:$0x3F9F] =	sst s0  }
0x9: {  	[smem:$0x3FA0] =	sst s1  }
0xa: {  	[smem:$0x3FA1] =	sst s2  }
0xb: {  	[smem:$0x3FA2] =	sst s3  }
0xc: {  	[smem:$0x3FA3] =	sst s4  }
0xd: {  	[smem:$0x3FA4] =	sst s5  }
0xe: {  	[smem:$0x3FA5] =	sst s6  }
0xf: {  	[smem:$0x3FA6] =	sst s7  }
0x10: {  	[smem:$0x3FA7] =	sst s8  }
0x11: {  	[smem:$0x3FA8] =	sst s9;
	s0 =	simm.s32 @!p0 $0x0  }
0x12: {  	s1 =	sld [smem:$0x3F8E];
	s0 =	simm.s32 @p0 $0x1  }
0x13: {  	[smem:$0x3FA9] =	sst s0;
	s0 =	simm.s32 @!p1 $0x0  }
0x14: {  	s2 =	sld [smem:$0x3F8D];
	s0 =	simm.s32 @p1 $0x1  }
0x15: {  	[smem:$0x3FAA] =	sst s0;
	s0 =	simm.s32 @!p2 $0x0  }
0x16: {  	s3 =	sld [smem:$0x3FDB];
	s0 =	simm.s32 @p2 $0x1  }
0x17: {  	s4 =	simm.s32 $0x1BF5;
	[smem:$0x3FAC] =	sst s0  }
0x18: {  	s0 =	sld [smem:$0x3F8F];
	_ =	swait.ge [sflag:s4], $0x0  }
0x19: {  	s7 =	sld [smem:$0x3F90]  }
0x1a: {  	s8 =	sadd.s32 $0xFFFFE003, lr  }
0x1b: {  	s9 =	sadd.s32 $0xFFFFFEF7, lr;
	s5 =	simm.s32 $0xFFFFFFFF;
	p2 =	slt.u32 s8, $0xFFFFF086  }
0x1c: {  	p1 =	slt.u32 s9, $0xF7A;
	s5 =	simm.s32 @!p2 $0x0  }
0x1d: {  	s5 =	simm.s32 @p1 $0x1;
	p0 =	seq.s32 s7, s2  }
0x1e: {  	s7 =	smul.u32 @!p0 $0xF7A, s2;
	p2 =	seq.s32 @!p0 s5, $0x0  }
0x1f: {  	s9 =	smul.u32 $0xF7A, s1;
	s8 =	simm.s32 @!p0 $0x1BF5;
	p2 =	por !p2, p0  }
0x20: {  	[sflag:s8] =	ssyncset.s32 @!p0 $0xFFFFF086;
	s6 =	sadd.s32 @!p0 s3, s7;
	s7 =	simm.s32 @!p0 $0x108  }
0x21: {  	s3 =	sadd.s32 s3, s9;
	s6 =	sadd.s32 @!p0 $0x88, s6;
	s7 =	simm.s32 @p2 $0x1082  }
0x22: {  	[simem:s7], [sflag:s8] =	dma.local @!p0 [hbm:s6], $0xF7A  }
0x23: {  	s9 =	sor.u32 $0xD0000000, s2;
	s6 =	simm.s32 $0x108;
	_ =	swait.ge @!p0 [sflag:s8], $0x0  }
0x24: {  	s3 =	sadd.s32 $0x88, s3;
	s6 =	simm.s32 @!p1 $0x1082;
	[sflag:s4] =	ssyncset.s32 $0xFFFFF086  }
0x25: {  	[simem:s6], [sflag:s4] =	dma.local [hbm:s3], $0xF7A  }
0x26: {  	[smem:$0x3F90] =	sst s1;
	(tag) =	ssettag s2;
	_ =	strace s9  }
0x27: {  	s1 =	sld [smem:$0x3FA0]  }
0x28: {  	s2 =	sld [smem:$0x3FA1]  }
0x29: {  	s4 =	sld [smem:$0x3FA3]  }
0x2a: {  	p0 =	seq.s32 s5, $0x0;
	s5 =	sld [smem:$0x3FA4]  }
0x2b: {  	s6 =	sld [smem:$0x3FA5]  }
0x2c: {  	s7 =	sld [smem:$0x3FA6]  }
0x2d: {  	s3 =	simm.s32 $0x108;
	s8 =	sld [smem:$0x3FA7]  }
0x2e: {  	s3 =	simm.s32 @!p0 $0x1082;
	s9 =	sld [smem:$0x3FA8]  }
0x2f: {  	lr =	sadd.s32 s0, s3;
	s0 =	sld [smem:$0x3F9F]  }
0x30: {  	s3 =	sld [smem:$0x3FA2]  }
0x31: {  	[smem:$0x3FAB] =	sst s10  }
0x32: {  	s10 =	sld [smem:$0x3FA9];
	_ =	sdelay $0x3  }
0x33: {  	p0 =	seq.s32 s10, $0x1;
	s10 =	sld [smem:$0x3FAB];
	_ =	sdelay $0x3  }
0x34: {  	[smem:$0x3FAB] =	sst s10  }
0x35: {  	s10 =	sld [smem:$0x3FAA];
	_ =	sdelay $0x3  }
0x36: {  	p1 =	seq.s32 s10, $0x1;
	s10 =	sld [smem:$0x3FAB];
	_ =	sdelay $0x3  }
0x37: {  	[smem:$0x3FAB] =	sst s10  }
0x38: {  	s10 =	sld [smem:$0x3FAC]  }
0x39: {  	_ = 	snop;
	(pc) =	sbr.ind lr, $3  }
0x3a: {  	_ = 	snop  }
0x3b: {  	_ = 	snop  }
0x3c: {  	p2 =	seq.s32 s10, $0x1;
	s10 =	sld [smem:$0x3FAB]  }
0x3d: {  	_ =	shalt  }
0x3e: {  	_ =	shalt  }
0x3f: {  	_ =	shalt  }
0x40: {  	_ =	shalt  }
0x41: {  	_ =	shalt  }
0x42: {  	_ =	shalt  }
0x43: {  	_ =	shalt  }
0x44: {  	_ =	shalt  }
0x45: {  	_ =	shalt  }
0x46: {  	_ =	shalt  }
0x47: {  	_ =	shalt  }
0x48: {  	_ =	shalt  }
0x49: {  	_ =	shalt  }
0x4a: {  	_ =	shalt  }
0x4b: {  	_ =	shalt  }
0x4c: {  	_ =	shalt  }
0x4d: {  	_ =	shalt  }
0x4e: {  	_ =	shalt  }
0x4f: {  	_ =	shalt  }
0x50: {  	_ =	shalt  }
0x51: {  	_ =	shalt  }
0x52: {  	_ =	shalt  }
0x53: {  	_ =	shalt  }
0x54: {  	_ =	shalt  }
0x55: {  	_ =	shalt  }
0x56: {  	_ =	shalt  }
0x57: {  	_ =	shalt  }
0x58: {  	_ =	shalt  }
0x59: {  	_ =	shalt  }
0x5a: {  	_ =	shalt  }
0x5b: {  	_ =	shalt  }
0x5c: {  	_ =	shalt  }
0x5d: {  	_ =	shalt  }
0x5e: {  	_ =	shalt  }
0x5f: {  	_ =	shalt  }
0x60: {  	_ =	shalt  }
0x61: {  	_ =	shalt  }
0x62: {  	_ =	shalt  }
0x63: {  	_ =	shalt  }
0x64: {  	_ =	shalt  }
0x65: {  	_ =	shalt  }
0x66: {  	_ =	shalt  }
0x67: {  	_ =	shalt  }
0x68: {  	_ =	shalt  }
0x69: {  	_ =	shalt  }
0x6a: {  	_ =	shalt  }
0x6b: {  	_ =	shalt  }
0x6c: {  	_ =	shalt  }
0x6d: {  	_ =	shalt  }
0x6e: {  	_ =	shalt  }
0x6f: {  	_ =	shalt  }
0x70: {  	_ =	shalt  }
0x71: {  	_ =	shalt  }
0x72: {  	_ =	shalt  }
0x73: {  	_ =	shalt  }
0x74: {  	_ =	shalt  }
0x75: {  	_ =	shalt  }
0x76: {  	_ =	shalt  }
0x77: {  	_ =	shalt  }
0x78: {  	_ =	shalt  }
0x79: {  	_ =	shalt  }
0x7a: {  	_ =	shalt  }
0x7b: {  	_ =	shalt  }
0x7c: {  	_ =	shalt  }
0x7d: {  	_ =	shalt  }
0x7e: {  	_ =	shalt  }
0x7f: {  	_ =	shalt  }
0x80: {  	_ =	shalt  }
0x81: {  	_ =	shalt  }
0x82: {  	_ =	shalt  }
0x83: {  	_ =	shalt  }
0x84: {  	_ =	shalt  }
0x85: {  	_ =	shalt  }
0x86: {  	_ =	shalt  }
0x87: {  	_ =	shalt  }
.Lfunc_end0:
.L_simem_size_0:
called_computation.6_lowered:
.L_overlay_start_0:
0x88: {  	s2 =	sld [smem:$0x3FD9]  }
0x89: {  	s3 =	sld [smem:$0x3FFE];
	_ =	sdelay $0x1  }
0x8a: {  	s1 =	srdreg.scid  }
0x8b: {  	s0 =	sand.u32 $0x1, s1  }
0x8c: {  	s16 =	sshll.u32 s0, $0xA;
	s2 =	sadd.s32 s3, s2  }
0x8d: {  	s2 =	sadd.s32 s2, s16  }
0x8e: {  	[smem:$0x3FB7] =	sst s2  }
0x8f: {  	_ = 	snop  }
0x90: {  	(tm) =	ssettm $0x1  }
0x91: {  	s17 =	sld [smem:$0x3FFB];
	_ =	sdelay $0x3  }
0x92: {  	_ =	strace s17  }
0x93: {  	s2 =	sld [smem:$0x3FFC];
	_ =	sdelay $0x3  }
0x94: {  	_ =	strace s2  }
0x95: {  	s2 =	sld [smem:$0x3FFD];
	_ =	sdelay $0x3  }
0x96: {  	_ =	strace s2  }
0x97: {  	_ =	strace $0x8FFFFFFF  }
0x98: {  	s18 =	sld [smem:$0x3FDB];
	_ =	sdelay $0x1  }
0x99: {  	s19 =	simm.s32 $_scs_section_size  }
0x9a: {  	s4 =	simm.s32 $_size__tile_overlayer_lowered;
	s5 =	simm.s32 $_tile_overlayer_lowered  }
0x9b: {  	s22 =	simm.s32 $0x1BFF;
	s21 =	sshll.u32 s5, $0x1;
	s2 =	sadd.s32 s19, s18  }
0x9c: {  	s6 =	simm.s32 $0x0;
	s20 =	sshll.u32 s4, $0x1;
	s4 =	sadd.s32 s21, s2  }
0x9d: {  	[timem:s6], [sflag:s22] =	dma.local [hbm:s4], s20  }
0x9e: {  	_ =	swait.ge [sflag:s22], s20  }
0x9f: {  	s3 =	ssub.s32 $0x0, s20;
	[sflag:s22] =	ssyncset.done $0x0  }
0xa0: {  	[sflag:s22] =	ssyncadd.s32 s3;
	_ =	sdelay $0x1  }
0xa1: {  	s23 =	simm.s32 $0x1B8B  }
0xa2: {  	_ =	swait.ge [sflag:s23], $0x1  }
0xa3: {  	[sflag:s23] =	ssyncset.done $0x0  }
0xa4: {  	s25 =	simm.s32 $0x1B8E;
	s24 =	sld [smem:$0x3FFE];
	[sflag:s23] =	ssyncadd.s32 $0xFFFFFFFF  }
0xa5: {  	s26 =	simm.s32 $execute0_lowered;
	[smem:$0x3FD2] =	sst s25  }
0xa6: {  	s4 =	sshll.u32 s26, $0x1;
	_ =	strace $0x80000058;
	[dreg:$0x1] =	wrdreg $0xFFFFFFFF  }
0xa7: {  	s28 =	simm.s32 $_size_execute0_lowered;
	s2 =	sadd.s32 s2, s4;
	[dreg:$0x0] =	wrdreg $0x0  }
0xa8: {  	s4 =	sshll.u32 s28, $0x1;
	[dreg:$0x2] =	wrdreg s2  }
0xa9: {  	[dreg:$0x3] =	wrdreg s4  }
0xaa: {  	[dreg:$0x4] =	wrdreg $0xC0  }
0xab: {  	_ =	task [dreg:s6], $0x5FFFF  }
0xac: {  	[dreg:$0x1] =	wrdreg $0xFFFFFFFF  }
0xad: {  	[dreg:$0x0] =	wrdreg $0x60  }
0xae: {  	[dreg:$0x2] =	wrdreg s24  }
0xaf: {  	[dreg:$0x3] =	wrdreg $0x6F000  }
0xb0: {  	[dreg:$0x4] =	wrdreg $0x10D000  }
0xb1: {  	[dreg:$0x5] =	wrdreg $0x9  }
0xb2: {  	_ =	task.clear_ibuf [dreg:s6], $0x6FFFF;
	_ =	strace $0x90000058  }
0xb3: {  	s29 =	simm.s32 $0x9;
	_ =	strace $0x8000005A  }
0xb4: {  	_ =	swait.ge [sflag:s29], $0x1  }
0xb5: {  	[sflag:s29] =	ssyncadd.s32 $0xFFFFFFFF  }
0xb6: {  	_ =	strace $0x9000005A  }
0xb7: {  	_ =	sfence  }
0xb8: {  	s30 =	sld [smem:$0x0];
	_ =	sdelay $0x2  }
0xb9: {  	s31 =	sshll.u32 s1, $0xD;
	s1 =	sshrl.u32 s1, $0x2  }
0xba: {  	s3 =	sand.u32 $0x4000, s31;
	s1 =	sadd.s32 s1, s30  }
0xbb: {  	s0 =	sor.u32 s3, s0;
	s1 =	sshll.u32 s1, $0x11  }
0xbc: {  	s0 =	sor.u32 s1, s0  }
0xbd: {  	s0 =	sadd.s32 $0x8F2B, s0  }
0xbe: {  	[sflag:s0] =	ssyncadd.remote.s32 $0x1  }
0xbf: {  	_ =	sfence.sel $0xFFFF  }
0xc0: {  	[dreg:$0x0] =	wrdreg $0xFFFFFFFF;
	(pc) =	sbr.abs _section_cstart, $3  }
0xc1: {  	[dreg:$0x1] =	wrdreg $0xFFFFFFFF  }
0xc2: {  	_ =	task.clear_ibuf [dreg:s6], $0x2FFFF;
	_ =	strace $0x9FFFFFFF  }
0xc3: {  	(tm) =	ssettm $0x7FFFFFFF  }
tec
execute0_lowered:
.L_overlay_start_1:
0x0: {  	(tag) =	ssettag $0x1  }
0x1: {  	s5 =	rddreg [dreg:$0x0];
	s1 =	srdreg.scid  }
0x2: {  	s0 =	rddreg [dreg:$0x1];
	s10 =	stileid.u32  }
0x3: {  	s2 =	rddreg [dreg:$0x2];
	s3 =	simm.s32 $0x0;
	s15 =	simm.s32 $0x80  }
0x4: {  	s16 =	simm.s32 $0x4F00;
	s17 =	simm.s32 $0x1;
	s18 =	simm.s32 $0x0  }
0x5: {  	s6 =	sand.u32 $0x1, s1;
	s7 =	smul.u32 $0x2780, s10;
	s1 =	rddreg [dreg:$0x3]  }
0x6: {  	s8 =	smul.u32 $0x9E00, s10;
	[smem:$0x7FF] =	sst s3;
	p0 =	sne.s32 s10, $0x0  }
0x7: {  	s31 =	sshll.u32 s10, $0x6;
	s10 =	simm.s32 $0x2;
	s4 =	smul.u32 $0x27800, s6  }
0x8: {  	s29 =	smul.u32 $0x9E000, s6;
	_ =	strace $0x80000059;
	s6 =	ssub.s32 $0x2, s6  }
0x9: {  	s11 =	sshrl.u32 s8, $0x3;
	s30 =	sshrl.u32 s6, $0x1;
	s14 =	sadd.s32 s8, s0  }
0xa: {  	s4 =	sadd.s32 s7, s4;
	s7 =	sadd.s32 s8, s29;
	s11 =	sadd.s32 s11, s5  }
0xb: {  	s13 =	ssub.s32 s6, s30;
	s9 =	sshrl.u32 s4, $0x3;
	s7 =	sshrl.u32 s7, $0x3  }
0xc: {  	s4 =	sadd.s32 $0xA400, s5;
	s9 =	sadd.s32 s9, s5;
	s12 =	sadd.s32 s7, s5  }
0xd: {  	s7 =	sadd.s32 $0x7FE00, s11;
	s11 =	simm.s32 $0x2780;
	s5 =	sadd.s32 $0x76000, s9  }
0xe: {  	s6 =	sadd.s32 $0x6C200, s9;
	s8 =	sadd.s32 $0x1DE00, s12;
	s9 =	smax.u32 s13, $0x1  }
0xf: {  	s12 =	sor.u32 $0x1C02, s31;
	s13 =	sshrl.u32 s14, $0x3;
	s14 =	sshrl.u32 @!p0 s2, $0x3  }
.LBB2_1:
0x10: {  	[tilespmem:s3], [sflag:$0x2] =	stream.linear.gather [hbm4b:s5+s3], $0x2780, $0x38;
	[tilespmem:$0x1A940] =	vst v63  }
0x11: {  	_ =	swait.ge [sflag:s10], $0x2780  }
0x12: {  	[sflag:s10] =	ssyncset.done $0x0  }
0x13: {  	[sflag:s10] =	ssyncadd.s32 $0xFFFFD880  }
0x14: {  	[tilespmem:s11], [sflag:$0x2] =	stream.linear.gather [hbm4b:s6+s3], $0x2780, $0x38;
	[tilespmem:$0x1A940] =	vst v63  }
0x15: {  	_ =	swait.ge [sflag:s10], $0x2780  }
0x16: {  	[sflag:s10] =	ssyncset.done $0x0  }
0x17: {  	[sflag:s10] =	ssyncadd.s32 $0xFFFFD880  }
0x18: {  	[spmem:s13], [sflag:s12] =	dma.local [hbm:s7], $0x13C0  }
0x19: {  	_ =	swait.ge [sflag:s10], $0x13C0  }
0x1a: {  	[sflag:s10] =	ssyncset.done $0x0  }
0x1b: {  	s19 =	simm.s32 @!p0 $0x2;
	[sflag:s10] =	ssyncadd.s32 $0xFFFFEC40  }
0x1c: {  	[spmem:s14], [sflag:s12] =	dma.local @!p0 [hbm:s4], $0x13880  }
0x1d: {  	_ =	swait.ge @!p0 [sflag:s19], $0x13880  }
0x1e: {  	[sflag:s19] =	ssyncset.done @!p0 $0x0  }
0x1f: {  	[sflag:s19] =	ssyncadd.s32 @!p0 $0xFFFEC780  }
0x20: {  	s30 =	simm.s32 $0x0;
	[bflag:$0x0] =	sbarrier.arrive $0xFFFF  }
0x21: {  	[tilespmem:s16], [sflag:$0x1] =	stream.indirect.gather [spmem:s2], $0x40, s30, s15, $0xb8;
	[tilespmem:$0x1A940] =	vst v63  }
0x22: {  	_ =	swait.ge [sflag:s17], $0x2000  }
0x23: {  	[sflag:s17] =	ssyncset.done $0x0  }
0x24: {  	s31 =	simm.s32 $0x2780;
	[sflag:s17] =	ssyncadd.s32 $0xFFFFE000  }
0x25: {  	[spmem:s0] =	stream.indirect.scatter.add.f32 [tilespmem:s16], [sflag:$0x1], $0x40, s31, s15, $0xb8;
	[tilespmem:$0x1A940] =	vst v63  }
0x26: {  	_ =	swait.ge [sflag:s17], $0x2000  }
0x27: {  	s20 =	simm.s32 $0x400;
	s19 =	simm.s32 $0x200;
	[sflag:s17] =	ssyncset.done $0x0  }
.LBB2_2:
0x28: {  	s21 =	sshra.s32 s19, $0x2  }
0x29: {  	[sflag:s17] =	ssyncadd.s32 $0xFFFFE000;
	s19 =	smov.u32 s20;
	s22 =	sadd.s32 $0x200, s20  }
0x2a: {  	[tilespmem:s16], [sflag:$0x1] =	stream.indirect.gather [spmem:s2], $0x40, s21, s15, $0xb8;
	[tilespmem:$0x1A940] =	vst v63  }
0x2b: {  	p1 =	sne.s32 s20, $0x9C00;
	_ =	swait.ge [sflag:s17], $0x2000  }
.Ltmp0:
0x2c: {  	[sflag:s17] =	ssyncset.done $0x0;
	(pc) =	sbr.rel @p1 .LBB2_2-.Ltmp0, $4  }
0x2d: {  	s20 =	sadd.s32 $0x2780, s21;
	[sflag:s17] =	ssyncadd.s32 $0xFFFFE000  }
0x2e: {  	[spmem:s0] =	stream.indirect.scatter.add.f32 [tilespmem:s16], [sflag:$0x1], $0x40, s20, s15, $0xb8;
	[tilespmem:$0x1A940] =	vst v63  }
0x2f: {  	_ =	swait.ge [sflag:s17], $0x2000  }
0x30: {  	s20 =	smov.u32 s22;
	[sflag:s17] =	ssyncset.done $0x0  }
0x31: {  	s19 =	sshra.s32 s19, $0x2;
	[sflag:s17] =	ssyncadd.s32 $0xFFFFE000  }
0x32: {  	[tilespmem:s16], [sflag:$0x1] =	stream.indirect.gather [spmem:s2], $0x40, s19, s15, $0xb8;
	[tilespmem:$0x1A940] =	vst v63  }
0x33: {  	_ =	swait.ge [sflag:s17], $0x2000  }
0x34: {  	[sflag:s17] =	ssyncset.done $0x0  }
0x35: {  	s19 =	sadd.s32 $0x2780, s19;
	[sflag:s17] =	ssyncadd.s32 $0xFFFFE000  }
0x36: {  	[spmem:s0] =	stream.indirect.scatter.add.f32 [tilespmem:s16], [sflag:$0x1], $0x40, s19, s15, $0xb8;
	[tilespmem:$0x1A940] =	vst v63  }
0x37: {  	_ =	swait.ge [sflag:s17], $0x2000  }
0x38: {  	s18 =	sadd.s32 $0x1, s18;
	[sflag:s17] =	ssyncset.done $0x0  }
0x39: {  	p1 =	sne.s32 s18, s9;
	[sflag:s17] =	ssyncadd.s32 $0xFFFFE000  }
.Ltmp1:
0x3a: {  	[bflag:$0x0] =	sbarrier.arrive $0xFFFF;
	(pc) =	sbr.rel @p1 .LBB2_1-.Ltmp1, $4  }
0x3b: {  	[hbm:s8], [sflag:s12] =	dma.local [spmem:s13], $0x13C0  }
0x3c: {  	_ =	swait.ge [sflag:s10], $0x13C0  }
0x3d: {  	[sflag:s10] =	ssyncset.done $0x0  }
0x3e: {  	[sflag:s10] =	ssyncadd.s32 $0xFFFFEC40  }
0x3f: {  	_ =	sfence.sel $0x180000  }
0x40: {  	[bflag:$0x0] =	sbarrier.arrive $0xFFFF  }
0x41: {  	_ =	strace $0x90000059  }
0x42: {  	s0 =	sadd.s32 @!p0 $0x100000, s1;
	[bflag:$0x2] =	sbarrier.arrive $0xFFFF  }
0x43: {  	[sflag:s0] =	ssyncadd.tile.s32 @!p0 $0x1;
	_ =	shalt  }
.Lfunc_end2:
_tile_overlayer_lowered:
.L_overlay_start_2:
0x44: {  	(tag) =	ssettag $0x2  }
0x45: {  	s0 =	rddreg [dreg:$0x0];
	s2 =	stileid.u32  }
0x46: {  	s1 =	rddreg [dreg:$0x1];
	p0 =	sne.s32 s2, $0x0  }
0x47: {  	s3 =	rddreg [dreg:$0x2];
	[bflag:$0x3] =	sbarrier.arrive $0xFFFF;
	s2 =	simm.s32 @!p0 $0x1C02  }
0x48: {  	[timem:s3], [sflag:s2] =	dma.local @!p0 [hbm:s0], s1  }
0x49: {  	s0 =	simm.s32 @!p0 $0x2  }
0x4a: {  	_ =	swait.ge @!p0 [sflag:s0], s1  }
0x4b: {  	s1 =	ssub.s32 @!p0 $0x0, s1;
	[sflag:s0] =	ssyncset.done @!p0 $0x0  }
0x4c: {  	[sflag:s0] =	ssyncadd.s32 @!p0 s1  }
0x4d: {  	[bflag:$0x3] =	sbarrier.arrive $0xFFFF  }
0x4e: {  	_ =	shalt  }

</sc_bundles>
